<compile_context>
chip_gen: v7x
topology: tpu7x:2x2x1
jax: 0.10.2.dev20260603
libtpu: 0.0.44.dev20260713+nightly
codegen_flags: <defaults>
</compile_context>

<pallas_src>
import functools
import math

import numpy as np

import jax
import jax.numpy as jnp
from jax import lax
from jax.experimental import pallas as pl
from jax.experimental.pallas import tpu as pltpu
from jax.experimental.pallas import tpu_sc as plsc

_NUM_CORES = 2
_NUM_SUBCORES = 16
_NUM_WORKERS = _NUM_CORES * _NUM_SUBCORES
_LANES = 16

_CHUNK = 32
_NBUF = 3


def _build_sc_kernel(vocab, d, n_rows, seq_len):
    segs = d // _LANES
    rows_per_w = n_rows // _NUM_WORKERS
    n_chunks = rows_per_w // _CHUNK
    scale = float(math.sqrt(float(d)))

    mesh = plsc.VectorSubcoreMesh(core_axis_name="c", subcore_axis_name="s")

    @functools.partial(
        pl.kernel,
        mesh=mesh,
        out_type=jax.ShapeDtypeStruct((n_rows, d), jnp.float32),
        scratch_types=[
            pltpu.VMEM((rows_per_w,), jnp.int32),
            pltpu.VMEM((d,), jnp.float32),
            pltpu.VMEM((_NBUF, _CHUNK, d), jnp.float32),
            pltpu.SemaphoreType.DMA((_NBUF,)),
            pltpu.SemaphoreType.DMA((_NBUF,)),
        ],
    )
    def sc_kernel(table_hbm, idx_hbm, invf_hbm, out_hbm, idx_v, invf_v,
                  rows_v, gsem, osem):
        wid = lax.axis_index("s") * _NUM_CORES + lax.axis_index("c")
        base = wid * rows_per_w

        b_row = base // seq_len
        b_col = base % seq_len
        pltpu.sync_copy(idx_hbm.at[b_row, pl.ds(b_col, rows_per_w)], idx_v)

        def mk_gather(c, buf):
            return pltpu.make_async_copy(
                table_hbm.at[idx_v.at[pl.ds(c * _CHUNK, _CHUNK)]],
                rows_v.at[buf], gsem.at[buf])

        def mk_out(c, buf):
            return pltpu.make_async_copy(
                rows_v.at[buf],
                out_hbm.at[pl.ds(base + c * _CHUNK, _CHUNK)],
                osem.at[buf])

        def compute(c, buf):
            posbase = (base + c * _CHUNK) % seq_len
            buf_ref = rows_v.at[buf]

            @pl.loop(0, segs)
            def _(s):
                col = s * _LANES
                invf = invf_v[pl.ds(col, _LANES)]

                @plsc.parallel_loop(0, _CHUNK, unroll=8)
                def _(r):
                    posf = (posbase + r).astype(jnp.float32)
                    g = buf_ref[r, pl.ds(col, _LANES)]
                    buf_ref[r, pl.ds(col, _LANES)] = g * scale + posf * invf

        out_copies = [None] * n_chunks
        gather_copies = [None] * n_chunks
        gather_copies[0] = mk_gather(0, 0)
        gather_copies[0].start()
        pltpu.sync_copy(invf_hbm, invf_v)
        for c in range(n_chunks):
            buf = c % _NBUF
            if c + 1 < n_chunks:
                if c - 2 >= 0:
                    out_copies[c - 2].wait()
                gather_copies[c + 1] = mk_gather(c + 1, (c + 1) % _NBUF)
                gather_copies[c + 1].start()
            gather_copies[c].wait()
            compute(c, buf)
            out_copies[c] = mk_out(c, buf)
            out_copies[c].start()
        for c in range(max(0, n_chunks - _NBUF), n_chunks):
            out_copies[c].wait()

    return sc_kernel


def kernel(sequence, embedding_table):
    b, s = sequence.shape
    vocab, d = embedding_table.shape
    n_rows = b * s
    j = np.arange(d, dtype=np.float32)
    inv_freq = jnp.asarray(
        np.power(np.float32(10000.0), -(j - np.mod(j, np.float32(2.0))) / d,
                 dtype=np.float32))
    sc = _build_sc_kernel(vocab, d, n_rows, s)
    out = sc(embedding_table, sequence, inv_freq)
    return out.reshape(b, s, d)

# --- scband reference (transcript-rebuilt; emitter-appended) ---
"""Pipeline reference for scband-embeddinglayer-45749991637699 (READ-ONLY COPY).

The authoritative reference and input builder live on the scoring server;
editing this copy changes nothing except your own understanding.
"""

import jax, jax.numpy as jnp
import numpy as np

VOCAB_SIZE = 100000
D_MODEL = 1024
BATCH = 4
SEQ_LEN = 2048


def angle(pos, index, d_model):
    # pos / 10000 ** ((index - index % 2) / d_model), faithful to the original numpy math
    return pos / jnp.power(10000.0, (index - index % 2) / jnp.float32(d_model))


def positional_encoding(max_len, d_model):
    pos = jnp.arange(0, max_len, dtype=jnp.float32)[:, None]
    index = jnp.arange(0, d_model, dtype=jnp.float32)[None, :]
    pe = angle(pos, index, d_model)
    return pe  # [max_len, d_model]


def setup_inputs(seed: int = 0) -> dict:
    key = jax.random.key(seed)
    k1, k2 = jax.random.split(key)
    sequence = jax.random.randint(k1, (BATCH, SEQ_LEN), 0, VOCAB_SIZE, dtype=jnp.int32)
    # learned embedding table (keras Embedding default uniform init ~ U(-0.05, 0.05))
    embedding_table = jax.random.uniform(k2, (VOCAB_SIZE, D_MODEL), dtype=jnp.float32, minval=-0.05, maxval=0.05)
    return {"sequence": sequence, "embedding_table": embedding_table}


def reference(sequence, embedding_table):
    max_sequence_len = sequence.shape[1]
    # embedding lookup -> gather rows
    emb = jnp.take(embedding_table, sequence, axis=0)  # [B, S, D]
    output = emb * jnp.sqrt(jnp.asarray(D_MODEL, dtype=jnp.float32))
    output = output + positional_encoding(max_sequence_len, D_MODEL)[None, :, :]
    return output

if __name__ == "__main__":
    import jax
    _d = setup_inputs()
    print(jax.jit(kernel)(*tuple(_d.values())))

</pallas_src>

<mosaic_0001>
#map = affine_map<(d0, d1) -> (0, 0)>
#map1 = affine_map<(d0, d1) -> (0)>
module attributes {stable_mosaic.version = 14 : i64} {
  func.func @sc_kernel(%arg0: i32, %arg1: i32, %arg2: memref<100000x1024xf32, #tpu.memory_space<hbm>>, %arg3: memref<4x2048xi32, #tpu.memory_space<hbm>>, %arg4: memref<1024xf32, #tpu.memory_space<hbm>>, %arg5: memref<8192x1024xf32, #tpu.memory_space<hbm>>, %arg6: memref<256xi32, #tpu.memory_space<vmem>>, %arg7: memref<1024xf32, #tpu.memory_space<vmem>>, %arg8: memref<3x32x1024xf32, #tpu.memory_space<vmem>>, %arg9: memref<3x!tpu.dma_semaphore, #tpu.memory_space<semaphore_mem>>, %arg10: memref<3x!tpu.dma_semaphore, #tpu.memory_space<semaphore_mem>>) attributes {dimension_semantics = [#tpu.dimension_semantics<core_parallel>, #tpu.dimension_semantics<subcore_parallel>], iteration_bounds = array<i64: 2, 16>, scalar_prefetch = 0 : i64, scratch_operands = 5 : i64, tpu.core_type = #tpu.core_type<sc_vector_subcore>, window_params = [{transform_indices = #map}, {transform_indices = #map}, {transform_indices = #map1}, {transform_indices = #map}]} {
    %mul3A = arith.constant 2 : i32
    %mul3A_0 = arith.muli %arg1, %mul3A : i32
    %add3A = arith.addi %mul3A_0, %arg0 : i32
    %mul3A_1 = arith.constant 256 : i32
    %mul3A_2 = arith.muli %add3A, %mul3A_1 : i32
    %jit3A = arith.constant 2048 : i32
    %div3A = arith.divsi %mul3A_2, %jit3A : i32
    %sign3A = arith.constant 0 : i32
    %sign3A_3 = arith.cmpi sgt, %mul3A_2, %sign3A : i32
    %sign3A_4 = arith.extui %sign3A_3 : i1 to i32
    %sign3A_5 = arith.constant 0 : i32
    %sign3A_6 = arith.cmpi slt, %mul3A_2, %sign3A_5 : i32
    %sign3A_7 = arith.extui %sign3A_6 : i1 to i32
    %sign3A_8 = arith.subi %sign3A_4, %sign3A_7 : i32
    %sign3A_9 = arith.constant 0 : i32
    %sign3A_10 = arith.cmpi sgt, %jit3A, %sign3A_9 : i32
    %sign3A_11 = arith.extui %sign3A_10 : i1 to i32
    %sign3A_12 = arith.constant 0 : i32
    %sign3A_13 = arith.cmpi slt, %jit3A, %sign3A_12 : i32
    %sign3A_14 = arith.extui %sign3A_13 : i1 to i32
    %sign3A_15 = arith.subi %sign3A_11, %sign3A_14 : i32
    %ne3A = arith.cmpi ne, %sign3A_8, %sign3A_15 : i32
    %rem3A = arith.remsi %mul3A_2, %jit3A : i32
    %ne3A_16 = arith.constant 0 : i32
    %ne3A_17 = arith.cmpi ne, %rem3A, %ne3A_16 : i32
    %and3A = arith.andi %ne3A, %ne3A_17 : i1
    %sub3A = arith.constant 1 : i32
    %sub3A_18 = arith.subi %div3A, %sub3A : i32
    %select_n3A = arith.select %and3A, %sub3A_18, %div3A : i32
    %jit3A_19 = arith.constant 2048 : i32
    %eq3A = arith.constant 0 : i32
    %eq3A_20 = arith.cmpi eq, %jit3A_19, %eq3A : i32
    %jit3A_21 = arith.constant 1 : i32
    %select_n3A_22 = arith.select %eq3A_20, %jit3A_21, %jit3A_19 : i32
    %rem3A_23 = arith.remsi %mul3A_2, %select_n3A_22 : i32
    %ne3A_24 = arith.constant 0 : i32
    %ne3A_25 = arith.cmpi ne, %rem3A_23, %ne3A_24 : i32
    %lt3A = arith.constant 0 : i32
    %lt3A_26 = arith.cmpi slt, %rem3A_23, %lt3A : i32
    %lt3A_27 = arith.constant 0 : i32
    %lt3A_28 = arith.cmpi slt, %select_n3A_22, %lt3A_27 : i32
    %ne3A_29 = arith.xori %lt3A_26, %lt3A_28 : i1
    %and3A_30 = arith.andi %ne3A_29, %ne3A_25 : i1
    %add3A_31 = arith.addi %rem3A_23, %select_n3A_22 : i32
    %select_n3A_32 = arith.select %and3A_30, %add3A_31, %rem3A_23 : i32
    "tpu.region"() ({
      %run_scoped3A = tpu.sem_alloc : memref<!tpu.dma_semaphore, #tpu.memory_space<semaphore_mem>>
      %dma_start3A_702 = tpu.memref_slice %arg3[%select_n3A, %select_n3A_32] : memref<4x2048xi32, #tpu.memory_space<hbm>> -> memref<1x256xi32, #tpu.memory_space<hbm>>
      %dma_start3A_703 = tpu.memref_squeeze %dma_start3A_702 : memref<1x256xi32, #tpu.memory_space<hbm>> -> memref<256xi32, #tpu.memory_space<hbm>>
      %dma_start3A_704 = tpu.memref_slice %arg3[%select_n3A, %select_n3A_32] : memref<4x2048xi32, #tpu.memory_space<hbm>> -> memref<1x256xi32, #tpu.memory_space<hbm>>
      %dma_start3A_705 = tpu.memref_squeeze %dma_start3A_704 : memref<1x256xi32, #tpu.memory_space<hbm>> -> memref<256xi32, #tpu.memory_space<hbm>>
      tpu.enqueue_dma source(%dma_start3A_705 : memref<256xi32, #tpu.memory_space<hbm>>) target(%arg6 : memref<256xi32, #tpu.memory_space<vmem>>) target_semaphore(%run_scoped3A : memref<!tpu.dma_semaphore, #tpu.memory_space<semaphore_mem>>)
      %dma_wait3A_706 = tpu.memref_slice %arg3[%select_n3A, %select_n3A_32] : memref<4x2048xi32, #tpu.memory_space<hbm>> -> memref<1x256xi32, #tpu.memory_space<hbm>>
      %dma_wait3A_707 = tpu.memref_squeeze %dma_wait3A_706 : memref<1x256xi32, #tpu.memory_space<hbm>> -> memref<256xi32, #tpu.memory_space<hbm>>
      %dma_wait3A_708 = tpu.memref_slice %arg3[%select_n3A, %select_n3A_32] : memref<4x2048xi32, #tpu.memory_space<hbm>> -> memref<1x256xi32, #tpu.memory_space<hbm>>
      %dma_wait3A_709 = tpu.memref_squeeze %dma_wait3A_708 : memref<1x256xi32, #tpu.memory_space<hbm>> -> memref<256xi32, #tpu.memory_space<hbm>>
      tpu.wait_dma2 semaphore(%run_scoped3A : memref<!tpu.dma_semaphore, #tpu.memory_space<semaphore_mem>>) src(%dma_wait3A_709 : memref<256xi32, #tpu.memory_space<hbm>>) dst(%arg6 : memref<256xi32, #tpu.memory_space<vmem>>)
      tpu.yield
    }) : () -> ()
    %dma_start3A = arith.constant 0 : i32
    %dma_start3A_33 = arith.constant 0 : i32
    %dma_start3A_34 = arith.constant 0 : i32
    %dma_start3A_35 = arith.constant 0 : i32
    %dma_start3A_36 = tpu.memref_slice %arg8[%dma_start3A, %dma_start3A_34, %dma_start3A_35] : memref<3x32x1024xf32, #tpu.memory_space<vmem>> -> memref<1x32x1024xf32, #tpu.memory_space<vmem>>
    %dma_start3A_37 = tpu.memref_squeeze %dma_start3A_36 : memref<1x32x1024xf32, #tpu.memory_space<vmem>> -> memref<32x1024xf32, #tpu.memory_space<vmem>>
    %dma_start3A_38 = arith.constant 0 : i32
    %dma_start3A_39 = tpu.memref_slice %arg6[%dma_start3A_38] : memref<256xi32, #tpu.memory_space<vmem>> -> memref<32xi32, #tpu.memory_space<vmem>>
    %dma_start3A_40 = arith.constant 0 : i32
    %dma_start3A_41 = arith.constant 0 : i32
    %dma_start3A_42 = tpu.memref_slice %arg2[%dma_start3A_40, %dma_start3A_41] : memref<100000x1024xf32, #tpu.memory_space<hbm>> -> memref<100000x1024xf32, #tpu.memory_space<hbm>>
    %dma_start3A_43 = tpu.memref_slice %arg9[%dma_start3A_33] : memref<3x!tpu.dma_semaphore, #tpu.memory_space<semaphore_mem>> -> memref<1x!tpu.dma_semaphore, #tpu.memory_space<semaphore_mem>>
    %dma_start3A_44 = tpu.memref_squeeze %dma_start3A_43 : memref<1x!tpu.dma_semaphore, #tpu.memory_space<semaphore_mem>> -> memref<!tpu.dma_semaphore, #tpu.memory_space<semaphore_mem>>
    tpu.enqueue_indirect_dma source(%dma_start3A_42 : memref<100000x1024xf32, #tpu.memory_space<hbm>>) target(%dma_start3A_37 : memref<32x1024xf32, #tpu.memory_space<vmem>>) offsets(%dma_start3A_39 : memref<32xi32, #tpu.memory_space<vmem>>) semaphore(%dma_start3A_44 : memref<!tpu.dma_semaphore, #tpu.memory_space<semaphore_mem>>)
    "tpu.region"() ({
      %run_scoped3A = tpu.sem_alloc : memref<!tpu.dma_semaphore, #tpu.memory_space<semaphore_mem>>
      tpu.enqueue_dma source(%arg4 : memref<1024xf32, #tpu.memory_space<hbm>>) target(%arg7 : memref<1024xf32, #tpu.memory_space<vmem>>) target_semaphore(%run_scoped3A : memref<!tpu.dma_semaphore, #tpu.memory_space<semaphore_mem>>)
      tpu.wait_dma2 semaphore(%run_scoped3A : memref<!tpu.dma_semaphore, #tpu.memory_space<semaphore_mem>>) src(%arg4 : memref<1024xf32, #tpu.memory_space<hbm>>) dst(%arg7 : memref<1024xf32, #tpu.memory_space<vmem>>)
      tpu.yield
    }) : () -> ()
    %dma_start3A_45 = arith.constant 1 : i32
    %dma_start3A_46 = arith.constant 1 : i32
    %dma_start3A_47 = arith.constant 0 : i32
    %dma_start3A_48 = arith.constant 0 : i32
    %dma_start3A_49 = tpu.memref_slice %arg8[%dma_start3A_45, %dma_start3A_47, %dma_start3A_48] : memref<3x32x1024xf32, #tpu.memory_space<vmem>> -> memref<1x32x1024xf32, #tpu.memory_space<vmem>>
    %dma_start3A_50 = tpu.memref_squeeze %dma_start3A_49 : memref<1x32x1024xf32, #tpu.memory_space<vmem>> -> memref<32x1024xf32, #tpu.memory_space<vmem>>
    %dma_start3A_51 = arith.constant 32 : i32
    %dma_start3A_52 = tpu.memref_slice %arg6[%dma_start3A_51] : memref<256xi32, #tpu.memory_space<vmem>> -> memref<32xi32, #tpu.memory_space<vmem>>
    %dma_start3A_53 = arith.constant 0 : i32
    %dma_start3A_54 = arith.constant 0 : i32
    %dma_start3A_55 = tpu.memref_slice %arg2[%dma_start3A_53, %dma_start3A_54] : memref<100000x1024xf32, #tpu.memory_space<hbm>> -> memref<100000x1024xf32, #tpu.memory_space<hbm>>
    %dma_start3A_56 = tpu.memref_slice %arg9[%dma_start3A_46] : memref<3x!tpu.dma_semaphore, #tpu.memory_space<semaphore_mem>> -> memref<1x!tpu.dma_semaphore, #tpu.memory_space<semaphore_mem>>
    %dma_start3A_57 = tpu.memref_squeeze %dma_start3A_56 : memref<1x!tpu.dma_semaphore, #tpu.memory_space<semaphore_mem>> -> memref<!tpu.dma_semaphore, #tpu.memory_space<semaphore_mem>>
    tpu.enqueue_indirect_dma source(%dma_start3A_55 : memref<100000x1024xf32, #tpu.memory_space<hbm>>) target(%dma_start3A_50 : memref<32x1024xf32, #tpu.memory_space<vmem>>) offsets(%dma_start3A_52 : memref<32xi32, #tpu.memory_space<vmem>>) semaphore(%dma_start3A_57 : memref<!tpu.dma_semaphore, #tpu.memory_space<semaphore_mem>>)
    %dma_wait3A = arith.constant 0 : i32
    %dma_wait3A_58 = arith.constant 0 : i32
    %dma_wait3A_59 = arith.constant 0 : i32
    %dma_wait3A_60 = arith.constant 0 : i32
    %dma_wait3A_61 = tpu.memref_slice %arg8[%dma_wait3A, %dma_wait3A_59, %dma_wait3A_60] : memref<3x32x1024xf32, #tpu.memory_space<vmem>> -> memref<1x32x1024xf32, #tpu.memory_space<vmem>>
    %dma_wait3A_62 = tpu.memref_squeeze %dma_wait3A_61 : memref<1x32x1024xf32, #tpu.memory_space<vmem>> -> memref<32x1024xf32, #tpu.memory_space<vmem>>
    %dma_wait3A_63 = arith.constant 0 : i32
    %dma_wait3A_64 = tpu.memref_slice %arg6[%dma_wait3A_63] : memref<256xi32, #tpu.memory_space<vmem>> -> memref<32xi32, #tpu.memory_space<vmem>>
    %dma_wait3A_65 = arith.constant 0 : i32
    %dma_wait3A_66 = arith.constant 0 : i32
    %dma_wait3A_67 = tpu.memref_slice %arg2[%dma_wait3A_65, %dma_wait3A_66] : memref<100000x1024xf32, #tpu.memory_space<hbm>> -> memref<100000x1024xf32, #tpu.memory_space<hbm>>
    %dma_wait3A_68 = tpu.memref_slice %arg9[%dma_wait3A_58] : memref<3x!tpu.dma_semaphore, #tpu.memory_space<semaphore_mem>> -> memref<1x!tpu.dma_semaphore, #tpu.memory_space<semaphore_mem>>
    %dma_wait3A_69 = tpu.memref_squeeze %dma_wait3A_68 : memref<1x!tpu.dma_semaphore, #tpu.memory_space<semaphore_mem>> -> memref<!tpu.dma_semaphore, #tpu.memory_space<semaphore_mem>>
    tpu.wait_indirect_dma semaphore(%dma_wait3A_69 : memref<!tpu.dma_semaphore, #tpu.memory_space<semaphore_mem>>) src(%dma_wait3A_67 : memref<100000x1024xf32, #tpu.memory_space<hbm>>) dst(%dma_wait3A_62 : memref<32x1024xf32, #tpu.memory_space<vmem>>)
    %add3A_70 = arith.constant 0 : i32
    %add3A_71 = arith.addi %mul3A_2, %add3A_70 : i32
    %jit3A_72 = arith.constant 2048 : i32
    %eq3A_73 = arith.constant 0 : i32
    %eq3A_74 = arith.cmpi eq, %jit3A_72, %eq3A_73 : i32
    %jit3A_75 = arith.constant 1 : i32
    %select_n3A_76 = arith.select %eq3A_74, %jit3A_75, %jit3A_72 : i32
    %rem3A_77 = arith.remsi %add3A_71, %select_n3A_76 : i32
    %ne3A_78 = arith.constant 0 : i32
    %ne3A_79 = arith.cmpi ne, %rem3A_77, %ne3A_78 : i32
    %lt3A_80 = arith.constant 0 : i32
    %lt3A_81 = arith.cmpi slt, %rem3A_77, %lt3A_80 : i32
    %lt3A_82 = arith.constant 0 : i32
    %lt3A_83 = arith.cmpi slt, %select_n3A_76, %lt3A_82 : i32
    %ne3A_84 = arith.xori %lt3A_81, %lt3A_83 : i1
    %and3A_85 = arith.andi %ne3A_84, %ne3A_79 : i1
    %add3A_86 = arith.addi %rem3A_77, %select_n3A_76 : i32
    %select_n3A_87 = arith.select %and3A_85, %add3A_86, %rem3A_77 : i32
    %scan3A = arith.constant 0 : i32
    %scan3A_88 = arith.constant 0 : i32
    %scan3A_89 = arith.constant 64 : i32
    %scan3A_90 = arith.addi %scan3A_88, %scan3A_89 : i32
    %scan3A_91 = arith.constant 1 : i32
    scf.for %scan3A_702 = %scan3A_88 to %scan3A_90 step %scan3A_91  : i32 {
      %mul3A_703 = arith.constant 1 : i32
      %mul3A_704 = arith.muli %scan3A_702, %mul3A_703 : i32
      %add3A_705 = arith.constant 0 : i32
      %add3A_706 = arith.addi %add3A_705, %mul3A_704 : i32
      %mul3A_707 = arith.constant 16 : i32
      %mul3A_708 = arith.muli %add3A_706, %mul3A_707 : i32
      %get3A = arith.index_cast %mul3A_708 : i32 to index
      %get3A_709 = tpu.vector_load %arg7[%get3A] {strides = array<i32>} : memref<1024xf32, #tpu.memory_space<vmem>>, vector<16xf32>,
      %get3A_710 = vector.shape_cast %get3A_709 : vector<16xf32> to vector<16xf32>
      %parallel_loop3A = arith.constant 0 : i32
      %parallel_loop3A_711 = arith.constant 32 : i32
      %parallel_loop3A_712 = arith.constant 1 : i32
      scf.for %parallel_loop3A_713 = %parallel_loop3A to %parallel_loop3A_711 step %parallel_loop3A_712  : i32 {
        %parallel_loop3A_714 = arith.addi %select_n3A_87, %parallel_loop3A_713 : i32
        %parallel_loop3A_715 = arith.sitofp %parallel_loop3A_714 : i32 to f32
        %parallel_loop3A_716 = arith.constant 0 : i32
        %parallel_loop3A_717 = arith.constant 0 : i32
        %parallel_loop3A_718 = tpu.memref_slice %arg8[%scan3A, %parallel_loop3A_716, %parallel_loop3A_717] : memref<3x32x1024xf32, #tpu.memory_space<vmem>> -> memref<1x32x1024xf32, #tpu.memory_space<vmem>>
        %parallel_loop3A_719 = tpu.memref_squeeze %parallel_loop3A_718 : memref<1x32x1024xf32, #tpu.memory_space<vmem>> -> memref<32x1024xf32, #tpu.memory_space<vmem>>
        %parallel_loop3A_720 = arith.index_cast %parallel_loop3A_713 : i32 to index
        %parallel_loop3A_721 = arith.index_cast %mul3A_708 : i32 to index
        %parallel_loop3A_722 = tpu.vector_load %parallel_loop3A_719[%parallel_loop3A_720, %parallel_loop3A_721] {strides = array<i32>} : memref<32x1024xf32, #tpu.memory_space<vmem>>, vector<1x16xf32>,
        %parallel_loop3A_723 = vector.shape_cast %parallel_loop3A_722 : vector<1x16xf32> to vector<16xf32>
        %parallel_loop3A_724 = arith.constant 3.200000e+01 : f32
        %parallel_loop3A_725 = vector.broadcast %parallel_loop3A_724 : f32 to vector<16xf32>
        %parallel_loop3A_726 = arith.mulf %parallel_loop3A_723, %parallel_loop3A_725 : vector<16xf32>
        %parallel_loop3A_727 = vector.broadcast %parallel_loop3A_715 : f32 to vector<16xf32>
        %parallel_loop3A_728 = arith.mulf %parallel_loop3A_727, %get3A_710 : vector<16xf32>
        %parallel_loop3A_729 = arith.addf %parallel_loop3A_726, %parallel_loop3A_728 : vector<16xf32>
        %parallel_loop3A_730 = arith.constant 0 : i32
        %parallel_loop3A_731 = arith.constant 0 : i32
        %parallel_loop3A_732 = tpu.memref_slice %arg8[%scan3A, %parallel_loop3A_730, %parallel_loop3A_731] : memref<3x32x1024xf32, #tpu.memory_space<vmem>> -> memref<1x32x1024xf32, #tpu.memory_space<vmem>>
        %parallel_loop3A_733 = tpu.memref_squeeze %parallel_loop3A_732 : memref<1x32x1024xf32, #tpu.memory_space<vmem>> -> memref<32x1024xf32, #tpu.memory_space<vmem>>
        %parallel_loop3A_734 = arith.index_cast %parallel_loop3A_713 : i32 to index
        %parallel_loop3A_735 = arith.index_cast %mul3A_708 : i32 to index
        %parallel_loop3A_736 = tpu.vector_load %parallel_loop3A_733[%parallel_loop3A_734, %parallel_loop3A_735] {strides = array<i32>} : memref<32x1024xf32, #tpu.memory_space<vmem>>, vector<1x16xf32>,
        %parallel_loop3A_737 = vector.shape_cast %parallel_loop3A_736 : vector<1x16xf32> to vector<16xf32>
        %parallel_loop3A_738 = vector.shape_cast %parallel_loop3A_729 : vector<16xf32> to vector<1x16xf32>
        tpu.vector_store %parallel_loop3A_733[%parallel_loop3A_734, %parallel_loop3A_735], %parallel_loop3A_738 {strides = array<i32>} : memref<32x1024xf32, #tpu.memory_space<vmem>>, vector<1x16xf32>,
      } {sc.loop_unroll_factor = 8 : i64, sc.parallel_access}
    }
    %scan3A_92 = arith.constant 64 : i32
    %add3A_93 = arith.constant 0 : i32
    %add3A_94 = arith.addi %mul3A_2, %add3A_93 : i32
    %dma_start3A_95 = arith.constant 0 : i32
    %dma_start3A_96 = arith.constant 0 : i32
    %dma_start3A_97 = arith.constant 0 : i32
    %dma_start3A_98 = arith.constant 0 : i32
    %dma_start3A_99 = tpu.memref_slice %arg8[%dma_start3A_95, %dma_start3A_97, %dma_start3A_98] : memref<3x32x1024xf32, #tpu.memory_space<vmem>> -> memref<1x32x1024xf32, #tpu.memory_space<vmem>>
    %dma_start3A_100 = tpu.memref_squeeze %dma_start3A_99 : memref<1x32x1024xf32, #tpu.memory_space<vmem>> -> memref<32x1024xf32, #tpu.memory_space<vmem>>
    %dma_start3A_101 = arith.constant 0 : i32
    %dma_start3A_102 = tpu.memref_slice %arg5[%add3A_94, %dma_start3A_101] : memref<8192x1024xf32, #tpu.memory_space<hbm>> -> memref<32x1024xf32, #tpu.memory_space<hbm>>
    %dma_start3A_103 = tpu.memref_slice %arg10[%dma_start3A_96] : memref<3x!tpu.dma_semaphore, #tpu.memory_space<semaphore_mem>> -> memref<1x!tpu.dma_semaphore, #tpu.memory_space<semaphore_mem>>
    %dma_start3A_104 = tpu.memref_squeeze %dma_start3A_103 : memref<1x!tpu.dma_semaphore, #tpu.memory_space<semaphore_mem>> -> memref<!tpu.dma_semaphore, #tpu.memory_space<semaphore_mem>>
    %dma_start3A_105 = arith.constant 0 : i32
    %dma_start3A_106 = tpu.memref_slice %arg5[%add3A_94, %dma_start3A_105] : memref<8192x1024xf32, #tpu.memory_space<hbm>> -> memref<32x1024xf32, #tpu.memory_space<hbm>>
    %dma_start3A_107 = arith.constant 0 : i32
    %dma_start3A_108 = arith.constant 0 : i32
    %dma_start3A_109 = tpu.memref_slice %arg8[%dma_start3A_95, %dma_start3A_107, %dma_start3A_108] : memref<3x32x1024xf32, #tpu.memory_space<vmem>> -> memref<1x32x1024xf32, #tpu.memory_space<vmem>>
    %dma_start3A_110 = tpu.memref_squeeze %dma_start3A_109 : memref<1x32x1024xf32, #tpu.memory_space<vmem>> -> memref<32x1024xf32, #tpu.memory_space<vmem>>
    tpu.enqueue_dma source(%dma_start3A_110 : memref<32x1024xf32, #tpu.memory_space<vmem>>) target(%dma_start3A_106 : memref<32x1024xf32, #tpu.memory_space<hbm>>) target_semaphore(%dma_start3A_104 : memref<!tpu.dma_semaphore, #tpu.memory_space<semaphore_mem>>)
    %dma_start3A_111 = arith.constant 2 : i32
    %dma_start3A_112 = arith.constant 2 : i32
    %dma_start3A_113 = arith.constant 0 : i32
    %dma_start3A_114 = arith.constant 0 : i32
    %dma_start3A_115 = tpu.memref_slice %arg8[%dma_start3A_111, %dma_start3A_113, %dma_start3A_114] : memref<3x32x1024xf32, #tpu.memory_space<vmem>> -> memref<1x32x1024xf32, #tpu.memory_space<vmem>>
    %dma_start3A_116 = tpu.memref_squeeze %dma_start3A_115 : memref<1x32x1024xf32, #tpu.memory_space<vmem>> -> memref<32x1024xf32, #tpu.memory_space<vmem>>
    %dma_start3A_117 = arith.constant 64 : i32
    %dma_start3A_118 = tpu.memref_slice %arg6[%dma_start3A_117] : memref<256xi32, #tpu.memory_space<vmem>> -> memref<32xi32, #tpu.memory_space<vmem>>
    %dma_start3A_119 = arith.constant 0 : i32
    %dma_start3A_120 = arith.constant 0 : i32
    %dma_start3A_121 = tpu.memref_slice %arg2[%dma_start3A_119, %dma_start3A_120] : memref<100000x1024xf32, #tpu.memory_space<hbm>> -> memref<100000x1024xf32, #tpu.memory_space<hbm>>
    %dma_start3A_122 = tpu.memref_slice %arg9[%dma_start3A_112] : memref<3x!tpu.dma_semaphore, #tpu.memory_space<semaphore_mem>> -> memref<1x!tpu.dma_semaphore, #tpu.memory_space<semaphore_mem>>
    %dma_start3A_123 = tpu.memref_squeeze %dma_start3A_122 : memref<1x!tpu.dma_semaphore, #tpu.memory_space<semaphore_mem>> -> memref<!tpu.dma_semaphore, #tpu.memory_space<semaphore_mem>>
    tpu.enqueue_indirect_dma source(%dma_start3A_121 : memref<100000x1024xf32, #tpu.memory_space<hbm>>) target(%dma_start3A_116 : memref<32x1024xf32, #tpu.memory_space<vmem>>) offsets(%dma_start3A_118 : memref<32xi32, #tpu.memory_space<vmem>>) semaphore(%dma_start3A_123 : memref<!tpu.dma_semaphore, #tpu.memory_space<semaphore_mem>>)
    %dma_wait3A_124 = arith.constant 1 : i32
    %dma_wait3A_125 = arith.constant 1 : i32
    %dma_wait3A_126 = arith.constant 0 : i32
    %dma_wait3A_127 = arith.constant 0 : i32
    %dma_wait3A_128 = tpu.memref_slice %arg8[%dma_wait3A_124, %dma_wait3A_126, %dma_wait3A_127] : memref<3x32x1024xf32, #tpu.memory_space<vmem>> -> memref<1x32x1024xf32, #tpu.memory_space<vmem>>
    %dma_wait3A_129 = tpu.memref_squeeze %dma_wait3A_128 : memref<1x32x1024xf32, #tpu.memory_space<vmem>> -> memref<32x1024xf32, #tpu.memory_space<vmem>>
    %dma_wait3A_130 = arith.constant 32 : i32
    %dma_wait3A_131 = tpu.memref_slice %arg6[%dma_wait3A_130] : memref<256xi32, #tpu.memory_space<vmem>> -> memref<32xi32, #tpu.memory_space<vmem>>
    %dma_wait3A_132 = arith.constant 0 : i32
    %dma_wait3A_133 = arith.constant 0 : i32
    %dma_wait3A_134 = tpu.memref_slice %arg2[%dma_wait3A_132, %dma_wait3A_133] : memref<100000x1024xf32, #tpu.memory_space<hbm>> -> memref<100000x1024xf32, #tpu.memory_space<hbm>>
    %dma_wait3A_135 = tpu.memref_slice %arg9[%dma_wait3A_125] : memref<3x!tpu.dma_semaphore, #tpu.memory_space<semaphore_mem>> -> memref<1x!tpu.dma_semaphore, #tpu.memory_space<semaphore_mem>>
    %dma_wait3A_136 = tpu.memref_squeeze %dma_wait3A_135 : memref<1x!tpu.dma_semaphore, #tpu.memory_space<semaphore_mem>> -> memref<!tpu.dma_semaphore, #tpu.memory_space<semaphore_mem>>
    tpu.wait_indirect_dma semaphore(%dma_wait3A_136 : memref<!tpu.dma_semaphore, #tpu.memory_space<semaphore_mem>>) src(%dma_wait3A_134 : memref<100000x1024xf32, #tpu.memory_space<hbm>>) dst(%dma_wait3A_129 : memref<32x1024xf32, #tpu.memory_space<vmem>>)
    %add3A_137 = arith.constant 32 : i32
    %add3A_138 = arith.addi %mul3A_2, %add3A_137 : i32
    %jit3A_139 = arith.constant 2048 : i32
    %eq3A_140 = arith.constant 0 : i32
    %eq3A_141 = arith.cmpi eq, %jit3A_139, %eq3A_140 : i32
    %jit3A_142 = arith.constant 1 : i32
    %select_n3A_143 = arith.select %eq3A_141, %jit3A_142, %jit3A_139 : i32
    %rem3A_144 = arith.remsi %add3A_138, %select_n3A_143 : i32
    %ne3A_145 = arith.constant 0 : i32
    %ne3A_146 = arith.cmpi ne, %rem3A_144, %ne3A_145 : i32
    %lt3A_147 = arith.constant 0 : i32
    %lt3A_148 = arith.cmpi slt, %rem3A_144, %lt3A_147 : i32
    %lt3A_149 = arith.constant 0 : i32
    %lt3A_150 = arith.cmpi slt, %select_n3A_143, %lt3A_149 : i32
    %ne3A_151 = arith.xori %lt3A_148, %lt3A_150 : i1
    %and3A_152 = arith.andi %ne3A_151, %ne3A_146 : i1
    %add3A_153 = arith.addi %rem3A_144, %select_n3A_143 : i32
    %select_n3A_154 = arith.select %and3A_152, %add3A_153, %rem3A_144 : i32
    %scan3A_155 = arith.constant 1 : i32
    %scan3A_156 = arith.constant 0 : i32
    %scan3A_157 = arith.constant 64 : i32
    %scan3A_158 = arith.addi %scan3A_156, %scan3A_157 : i32
    %scan3A_159 = arith.constant 1 : i32
    scf.for %scan3A_702 = %scan3A_156 to %scan3A_158 step %scan3A_159  : i32 {
      %mul3A_703 = arith.constant 1 : i32
      %mul3A_704 = arith.muli %scan3A_702, %mul3A_703 : i32
      %add3A_705 = arith.constant 0 : i32
      %add3A_706 = arith.addi %add3A_705, %mul3A_704 : i32
      %mul3A_707 = arith.constant 16 : i32
      %mul3A_708 = arith.muli %add3A_706, %mul3A_707 : i32
      %get3A = arith.index_cast %mul3A_708 : i32 to index
      %get3A_709 = tpu.vector_load %arg7[%get3A] {strides = array<i32>} : memref<1024xf32, #tpu.memory_space<vmem>>, vector<16xf32>,
      %get3A_710 = vector.shape_cast %get3A_709 : vector<16xf32> to vector<16xf32>
      %parallel_loop3A = arith.constant 0 : i32
      %parallel_loop3A_711 = arith.constant 32 : i32
      %parallel_loop3A_712 = arith.constant 1 : i32
      scf.for %parallel_loop3A_713 = %parallel_loop3A to %parallel_loop3A_711 step %parallel_loop3A_712  : i32 {
        %parallel_loop3A_714 = arith.addi %select_n3A_154, %parallel_loop3A_713 : i32
        %parallel_loop3A_715 = arith.sitofp %parallel_loop3A_714 : i32 to f32
        %parallel_loop3A_716 = arith.constant 0 : i32
        %parallel_loop3A_717 = arith.constant 0 : i32
        %parallel_loop3A_718 = tpu.memref_slice %arg8[%scan3A_155, %parallel_loop3A_716, %parallel_loop3A_717] : memref<3x32x1024xf32, #tpu.memory_space<vmem>> -> memref<1x32x1024xf32, #tpu.memory_space<vmem>>
        %parallel_loop3A_719 = tpu.memref_squeeze %parallel_loop3A_718 : memref<1x32x1024xf32, #tpu.memory_space<vmem>> -> memref<32x1024xf32, #tpu.memory_space<vmem>>
        %parallel_loop3A_720 = arith.index_cast %parallel_loop3A_713 : i32 to index
        %parallel_loop3A_721 = arith.index_cast %mul3A_708 : i32 to index
        %parallel_loop3A_722 = tpu.vector_load %parallel_loop3A_719[%parallel_loop3A_720, %parallel_loop3A_721] {strides = array<i32>} : memref<32x1024xf32, #tpu.memory_space<vmem>>, vector<1x16xf32>,
        %parallel_loop3A_723 = vector.shape_cast %parallel_loop3A_722 : vector<1x16xf32> to vector<16xf32>
        %parallel_loop3A_724 = arith.constant 3.200000e+01 : f32
        %parallel_loop3A_725 = vector.broadcast %parallel_loop3A_724 : f32 to vector<16xf32>
        %parallel_loop3A_726 = arith.mulf %parallel_loop3A_723, %parallel_loop3A_725 : vector<16xf32>
        %parallel_loop3A_727 = vector.broadcast %parallel_loop3A_715 : f32 to vector<16xf32>
        %parallel_loop3A_728 = arith.mulf %parallel_loop3A_727, %get3A_710 : vector<16xf32>
        %parallel_loop3A_729 = arith.addf %parallel_loop3A_726, %parallel_loop3A_728 : vector<16xf32>
        %parallel_loop3A_730 = arith.constant 0 : i32
        %parallel_loop3A_731 = arith.constant 0 : i32
        %parallel_loop3A_732 = tpu.memref_slice %arg8[%scan3A_155, %parallel_loop3A_730, %parallel_loop3A_731] : memref<3x32x1024xf32, #tpu.memory_space<vmem>> -> memref<1x32x1024xf32, #tpu.memory_space<vmem>>
        %parallel_loop3A_733 = tpu.memref_squeeze %parallel_loop3A_732 : memref<1x32x1024xf32, #tpu.memory_space<vmem>> -> memref<32x1024xf32, #tpu.memory_space<vmem>>
        %parallel_loop3A_734 = arith.index_cast %parallel_loop3A_713 : i32 to index
        %parallel_loop3A_735 = arith.index_cast %mul3A_708 : i32 to index
        %parallel_loop3A_736 = tpu.vector_load %parallel_loop3A_733[%parallel_loop3A_734, %parallel_loop3A_735] {strides = array<i32>} : memref<32x1024xf32, #tpu.memory_space<vmem>>, vector<1x16xf32>,
        %parallel_loop3A_737 = vector.shape_cast %parallel_loop3A_736 : vector<1x16xf32> to vector<16xf32>
        %parallel_loop3A_738 = vector.shape_cast %parallel_loop3A_729 : vector<16xf32> to vector<1x16xf32>
        tpu.vector_store %parallel_loop3A_733[%parallel_loop3A_734, %parallel_loop3A_735], %parallel_loop3A_738 {strides = array<i32>} : memref<32x1024xf32, #tpu.memory_space<vmem>>, vector<1x16xf32>,
      } {sc.loop_unroll_factor = 8 : i64, sc.parallel_access}
    }
    %scan3A_160 = arith.constant 64 : i32
    %add3A_161 = arith.constant 32 : i32
    %add3A_162 = arith.addi %mul3A_2, %add3A_161 : i32
    %dma_start3A_163 = arith.constant 1 : i32
    %dma_start3A_164 = arith.constant 1 : i32
    %dma_start3A_165 = arith.constant 0 : i32
    %dma_start3A_166 = arith.constant 0 : i32
    %dma_start3A_167 = tpu.memref_slice %arg8[%dma_start3A_163, %dma_start3A_165, %dma_start3A_166] : memref<3x32x1024xf32, #tpu.memory_space<vmem>> -> memref<1x32x1024xf32, #tpu.memory_space<vmem>>
    %dma_start3A_168 = tpu.memref_squeeze %dma_start3A_167 : memref<1x32x1024xf32, #tpu.memory_space<vmem>> -> memref<32x1024xf32, #tpu.memory_space<vmem>>
    %dma_start3A_169 = arith.constant 0 : i32
    %dma_start3A_170 = tpu.memref_slice %arg5[%add3A_162, %dma_start3A_169] : memref<8192x1024xf32, #tpu.memory_space<hbm>> -> memref<32x1024xf32, #tpu.memory_space<hbm>>
    %dma_start3A_171 = tpu.memref_slice %arg10[%dma_start3A_164] : memref<3x!tpu.dma_semaphore, #tpu.memory_space<semaphore_mem>> -> memref<1x!tpu.dma_semaphore, #tpu.memory_space<semaphore_mem>>
    %dma_start3A_172 = tpu.memref_squeeze %dma_start3A_171 : memref<1x!tpu.dma_semaphore, #tpu.memory_space<semaphore_mem>> -> memref<!tpu.dma_semaphore, #tpu.memory_space<semaphore_mem>>
    %dma_start3A_173 = arith.constant 0 : i32
    %dma_start3A_174 = tpu.memref_slice %arg5[%add3A_162, %dma_start3A_173] : memref<8192x1024xf32, #tpu.memory_space<hbm>> -> memref<32x1024xf32, #tpu.memory_space<hbm>>
    %dma_start3A_175 = arith.constant 0 : i32
    %dma_start3A_176 = arith.constant 0 : i32
    %dma_start3A_177 = tpu.memref_slice %arg8[%dma_start3A_163, %dma_start3A_175, %dma_start3A_176] : memref<3x32x1024xf32, #tpu.memory_space<vmem>> -> memref<1x32x1024xf32, #tpu.memory_space<vmem>>
    %dma_start3A_178 = tpu.memref_squeeze %dma_start3A_177 : memref<1x32x1024xf32, #tpu.memory_space<vmem>> -> memref<32x1024xf32, #tpu.memory_space<vmem>>
    tpu.enqueue_dma source(%dma_start3A_178 : memref<32x1024xf32, #tpu.memory_space<vmem>>) target(%dma_start3A_174 : memref<32x1024xf32, #tpu.memory_space<hbm>>) target_semaphore(%dma_start3A_172 : memref<!tpu.dma_semaphore, #tpu.memory_space<semaphore_mem>>)
    %dma_wait3A_179 = arith.constant 0 : i32
    %dma_wait3A_180 = arith.constant 0 : i32
    %dma_wait3A_181 = arith.constant 0 : i32
    %dma_wait3A_182 = arith.constant 0 : i32
    %dma_wait3A_183 = tpu.memref_slice %arg8[%dma_wait3A_179, %dma_wait3A_181, %dma_wait3A_182] : memref<3x32x1024xf32, #tpu.memory_space<vmem>> -> memref<1x32x1024xf32, #tpu.memory_space<vmem>>
    %dma_wait3A_184 = tpu.memref_squeeze %dma_wait3A_183 : memref<1x32x1024xf32, #tpu.memory_space<vmem>> -> memref<32x1024xf32, #tpu.memory_space<vmem>>
    %dma_wait3A_185 = arith.constant 0 : i32
    %dma_wait3A_186 = tpu.memref_slice %arg5[%add3A_94, %dma_wait3A_185] : memref<8192x1024xf32, #tpu.memory_space<hbm>> -> memref<32x1024xf32, #tpu.memory_space<hbm>>
    %dma_wait3A_187 = tpu.memref_slice %arg10[%dma_wait3A_180] : memref<3x!tpu.dma_semaphore, #tpu.memory_space<semaphore_mem>> -> memref<1x!tpu.dma_semaphore, #tpu.memory_space<semaphore_mem>>
    %dma_wait3A_188 = tpu.memref_squeeze %dma_wait3A_187 : memref<1x!tpu.dma_semaphore, #tpu.memory_space<semaphore_mem>> -> memref<!tpu.dma_semaphore, #tpu.memory_space<semaphore_mem>>
    %dma_wait3A_189 = arith.constant 0 : i32
    %dma_wait3A_190 = tpu.memref_slice %arg5[%add3A_94, %dma_wait3A_189] : memref<8192x1024xf32, #tpu.memory_space<hbm>> -> memref<32x1024xf32, #tpu.memory_space<hbm>>
    %dma_wait3A_191 = arith.constant 0 : i32
    %dma_wait3A_192 = arith.constant 0 : i32
    %dma_wait3A_193 = tpu.memref_slice %arg8[%dma_wait3A_179, %dma_wait3A_191, %dma_wait3A_192] : memref<3x32x1024xf32, #tpu.memory_space<vmem>> -> memref<1x32x1024xf32, #tpu.memory_space<vmem>>
    %dma_wait3A_194 = tpu.memref_squeeze %dma_wait3A_193 : memref<1x32x1024xf32, #tpu.memory_space<vmem>> -> memref<32x1024xf32, #tpu.memory_space<vmem>>
    tpu.wait_dma2 semaphore(%dma_wait3A_188 : memref<!tpu.dma_semaphore, #tpu.memory_space<semaphore_mem>>) src(%dma_wait3A_194 : memref<32x1024xf32, #tpu.memory_space<vmem>>) dst(%dma_wait3A_190 : memref<32x1024xf32, #tpu.memory_space<hbm>>)
    %dma_start3A_195 = arith.constant 0 : i32
    %dma_start3A_196 = arith.constant 0 : i32
    %dma_start3A_197 = arith.constant 0 : i32
    %dma_start3A_198 = arith.constant 0 : i32
    %dma_start3A_199 = tpu.memref_slice %arg8[%dma_start3A_195, %dma_start3A_197, %dma_start3A_198] : memref<3x32x1024xf32, #tpu.memory_space<vmem>> -> memref<1x32x1024xf32, #tpu.memory_space<vmem>>
    %dma_start3A_200 = tpu.memref_squeeze %dma_start3A_199 : memref<1x32x1024xf32, #tpu.memory_space<vmem>> -> memref<32x1024xf32, #tpu.memory_space<vmem>>
    %dma_start3A_201 = arith.constant 96 : i32
    %dma_start3A_202 = tpu.memref_slice %arg6[%dma_start3A_201] : memref<256xi32, #tpu.memory_space<vmem>> -> memref<32xi32, #tpu.memory_space<vmem>>
    %dma_start3A_203 = arith.constant 0 : i32
    %dma_start3A_204 = arith.constant 0 : i32
    %dma_start3A_205 = tpu.memref_slice %arg2[%dma_start3A_203, %dma_start3A_204] : memref<100000x1024xf32, #tpu.memory_space<hbm>> -> memref<100000x1024xf32, #tpu.memory_space<hbm>>
    %dma_start3A_206 = tpu.memref_slice %arg9[%dma_start3A_196] : memref<3x!tpu.dma_semaphore, #tpu.memory_space<semaphore_mem>> -> memref<1x!tpu.dma_semaphore, #tpu.memory_space<semaphore_mem>>
    %dma_start3A_207 = tpu.memref_squeeze %dma_start3A_206 : memref<1x!tpu.dma_semaphore, #tpu.memory_space<semaphore_mem>> -> memref<!tpu.dma_semaphore, #tpu.memory_space<semaphore_mem>>
    tpu.enqueue_indirect_dma source(%dma_start3A_205 : memref<100000x1024xf32, #tpu.memory_space<hbm>>) target(%dma_start3A_200 : memref<32x1024xf32, #tpu.memory_space<vmem>>) offsets(%dma_start3A_202 : memref<32xi32, #tpu.memory_space<vmem>>) semaphore(%dma_start3A_207 : memref<!tpu.dma_semaphore, #tpu.memory_space<semaphore_mem>>)
    %dma_wait3A_208 = arith.constant 2 : i32
    %dma_wait3A_209 = arith.constant 2 : i32
    %dma_wait3A_210 = arith.constant 0 : i32
    %dma_wait3A_211 = arith.constant 0 : i32
    %dma_wait3A_212 = tpu.memref_slice %arg8[%dma_wait3A_208, %dma_wait3A_210, %dma_wait3A_211] : memref<3x32x1024xf32, #tpu.memory_space<vmem>> -> memref<1x32x1024xf32, #tpu.memory_space<vmem>>
    %dma_wait3A_213 = tpu.memref_squeeze %dma_wait3A_212 : memref<1x32x1024xf32, #tpu.memory_space<vmem>> -> memref<32x1024xf32, #tpu.memory_space<vmem>>
    %dma_wait3A_214 = arith.constant 64 : i32
    %dma_wait3A_215 = tpu.memref_slice %arg6[%dma_wait3A_214] : memref<256xi32, #tpu.memory_space<vmem>> -> memref<32xi32, #tpu.memory_space<vmem>>
    %dma_wait3A_216 = arith.constant 0 : i32
    %dma_wait3A_217 = arith.constant 0 : i32
    %dma_wait3A_218 = tpu.memref_slice %arg2[%dma_wait3A_216, %dma_wait3A_217] : memref<100000x1024xf32, #tpu.memory_space<hbm>> -> memref<100000x1024xf32, #tpu.memory_space<hbm>>
    %dma_wait3A_219 = tpu.memref_slice %arg9[%dma_wait3A_209] : memref<3x!tpu.dma_semaphore, #tpu.memory_space<semaphore_mem>> -> memref<1x!tpu.dma_semaphore, #tpu.memory_space<semaphore_mem>>
    %dma_wait3A_220 = tpu.memref_squeeze %dma_wait3A_219 : memref<1x!tpu.dma_semaphore, #tpu.memory_space<semaphore_mem>> -> memref<!tpu.dma_semaphore, #tpu.memory_space<semaphore_mem>>
    tpu.wait_indirect_dma semaphore(%dma_wait3A_220 : memref<!tpu.dma_semaphore, #tpu.memory_space<semaphore_mem>>) src(%dma_wait3A_218 : memref<100000x1024xf32, #tpu.memory_space<hbm>>) dst(%dma_wait3A_213 : memref<32x1024xf32, #tpu.memory_space<vmem>>)
    %add3A_221 = arith.constant 64 : i32
    %add3A_222 = arith.addi %mul3A_2, %add3A_221 : i32
    %jit3A_223 = arith.constant 2048 : i32
    %eq3A_224 = arith.constant 0 : i32
    %eq3A_225 = arith.cmpi eq, %jit3A_223, %eq3A_224 : i32
    %jit3A_226 = arith.constant 1 : i32
    %select_n3A_227 = arith.select %eq3A_225, %jit3A_226, %jit3A_223 : i32
    %rem3A_228 = arith.remsi %add3A_222, %select_n3A_227 : i32
    %ne3A_229 = arith.constant 0 : i32
    %ne3A_230 = arith.cmpi ne, %rem3A_228, %ne3A_229 : i32
    %lt3A_231 = arith.constant 0 : i32
    %lt3A_232 = arith.cmpi slt, %rem3A_228, %lt3A_231 : i32
    %lt3A_233 = arith.constant 0 : i32
    %lt3A_234 = arith.cmpi slt, %select_n3A_227, %lt3A_233 : i32
    %ne3A_235 = arith.xori %lt3A_232, %lt3A_234 : i1
    %and3A_236 = arith.andi %ne3A_235, %ne3A_230 : i1
    %add3A_237 = arith.addi %rem3A_228, %select_n3A_227 : i32
    %select_n3A_238 = arith.select %and3A_236, %add3A_237, %rem3A_228 : i32
    %scan3A_239 = arith.constant 2 : i32
    %scan3A_240 = arith.constant 0 : i32
    %scan3A_241 = arith.constant 64 : i32
    %scan3A_242 = arith.addi %scan3A_240, %scan3A_241 : i32
    %scan3A_243 = arith.constant 1 : i32
    scf.for %scan3A_702 = %scan3A_240 to %scan3A_242 step %scan3A_243  : i32 {
      %mul3A_703 = arith.constant 1 : i32
      %mul3A_704 = arith.muli %scan3A_702, %mul3A_703 : i32
      %add3A_705 = arith.constant 0 : i32
      %add3A_706 = arith.addi %add3A_705, %mul3A_704 : i32
      %mul3A_707 = arith.constant 16 : i32
      %mul3A_708 = arith.muli %add3A_706, %mul3A_707 : i32
      %get3A = arith.index_cast %mul3A_708 : i32 to index
      %get3A_709 = tpu.vector_load %arg7[%get3A] {strides = array<i32>} : memref<1024xf32, #tpu.memory_space<vmem>>, vector<16xf32>,
      %get3A_710 = vector.shape_cast %get3A_709 : vector<16xf32> to vector<16xf32>
      %parallel_loop3A = arith.constant 0 : i32
      %parallel_loop3A_711 = arith.constant 32 : i32
      %parallel_loop3A_712 = arith.constant 1 : i32
      scf.for %parallel_loop3A_713 = %parallel_loop3A to %parallel_loop3A_711 step %parallel_loop3A_712  : i32 {
        %parallel_loop3A_714 = arith.addi %select_n3A_238, %parallel_loop3A_713 : i32
        %parallel_loop3A_715 = arith.sitofp %parallel_loop3A_714 : i32 to f32
        %parallel_loop3A_716 = arith.constant 0 : i32
        %parallel_loop3A_717 = arith.constant 0 : i32
        %parallel_loop3A_718 = tpu.memref_slice %arg8[%scan3A_239, %parallel_loop3A_716, %parallel_loop3A_717] : memref<3x32x1024xf32, #tpu.memory_space<vmem>> -> memref<1x32x1024xf32, #tpu.memory_space<vmem>>
        %parallel_loop3A_719 = tpu.memref_squeeze %parallel_loop3A_718 : memref<1x32x1024xf32, #tpu.memory_space<vmem>> -> memref<32x1024xf32, #tpu.memory_space<vmem>>
        %parallel_loop3A_720 = arith.index_cast %parallel_loop3A_713 : i32 to index
        %parallel_loop3A_721 = arith.index_cast %mul3A_708 : i32 to index
        %parallel_loop3A_722 = tpu.vector_load %parallel_loop3A_719[%parallel_loop3A_720, %parallel_loop3A_721] {strides = array<i32>} : memref<32x1024xf32, #tpu.memory_space<vmem>>, vector<1x16xf32>,
        %parallel_loop3A_723 = vector.shape_cast %parallel_loop3A_722 : vector<1x16xf32> to vector<16xf32>
        %parallel_loop3A_724 = arith.constant 3.200000e+01 : f32
        %parallel_loop3A_725 = vector.broadcast %parallel_loop3A_724 : f32 to vector<16xf32>
        %parallel_loop3A_726 = arith.mulf %parallel_loop3A_723, %parallel_loop3A_725 : vector<16xf32>
        %parallel_loop3A_727 = vector.broadcast %parallel_loop3A_715 : f32 to vector<16xf32>
        %parallel_loop3A_728 = arith.mulf %parallel_loop3A_727, %get3A_710 : vector<16xf32>
        %parallel_loop3A_729 = arith.addf %parallel_loop3A_726, %parallel_loop3A_728 : vector<16xf32>
        %parallel_loop3A_730 = arith.constant 0 : i32
        %parallel_loop3A_731 = arith.constant 0 : i32
        %parallel_loop3A_732 = tpu.memref_slice %arg8[%scan3A_239, %parallel_loop3A_730, %parallel_loop3A_731] : memref<3x32x1024xf32, #tpu.memory_space<vmem>> -> memref<1x32x1024xf32, #tpu.memory_space<vmem>>
        %parallel_loop3A_733 = tpu.memref_squeeze %parallel_loop3A_732 : memref<1x32x1024xf32, #tpu.memory_space<vmem>> -> memref<32x1024xf32, #tpu.memory_space<vmem>>
        %parallel_loop3A_734 = arith.index_cast %parallel_loop3A_713 : i32 to index
        %parallel_loop3A_735 = arith.index_cast %mul3A_708 : i32 to index
        %parallel_loop3A_736 = tpu.vector_load %parallel_loop3A_733[%parallel_loop3A_734, %parallel_loop3A_735] {strides = array<i32>} : memref<32x1024xf32, #tpu.memory_space<vmem>>, vector<1x16xf32>,
        %parallel_loop3A_737 = vector.shape_cast %parallel_loop3A_736 : vector<1x16xf32> to vector<16xf32>
        %parallel_loop3A_738 = vector.shape_cast %parallel_loop3A_729 : vector<16xf32> to vector<1x16xf32>
        tpu.vector_store %parallel_loop3A_733[%parallel_loop3A_734, %parallel_loop3A_735], %parallel_loop3A_738 {strides = array<i32>} : memref<32x1024xf32, #tpu.memory_space<vmem>>, vector<1x16xf32>,
      } {sc.loop_unroll_factor = 8 : i64, sc.parallel_access}
    }
    %scan3A_244 = arith.constant 64 : i32
    %add3A_245 = arith.constant 64 : i32
    %add3A_246 = arith.addi %mul3A_2, %add3A_245 : i32
    %dma_start3A_247 = arith.constant 2 : i32
    %dma_start3A_248 = arith.constant 2 : i32
    %dma_start3A_249 = arith.constant 0 : i32
    %dma_start3A_250 = arith.constant 0 : i32
    %dma_start3A_251 = tpu.memref_slice %arg8[%dma_start3A_247, %dma_start3A_249, %dma_start3A_250] : memref<3x32x1024xf32, #tpu.memory_space<vmem>> -> memref<1x32x1024xf32, #tpu.memory_space<vmem>>
    %dma_start3A_252 = tpu.memref_squeeze %dma_start3A_251 : memref<1x32x1024xf32, #tpu.memory_space<vmem>> -> memref<32x1024xf32, #tpu.memory_space<vmem>>
    %dma_start3A_253 = arith.constant 0 : i32
    %dma_start3A_254 = tpu.memref_slice %arg5[%add3A_246, %dma_start3A_253] : memref<8192x1024xf32, #tpu.memory_space<hbm>> -> memref<32x1024xf32, #tpu.memory_space<hbm>>
    %dma_start3A_255 = tpu.memref_slice %arg10[%dma_start3A_248] : memref<3x!tpu.dma_semaphore, #tpu.memory_space<semaphore_mem>> -> memref<1x!tpu.dma_semaphore, #tpu.memory_space<semaphore_mem>>
    %dma_start3A_256 = tpu.memref_squeeze %dma_start3A_255 : memref<1x!tpu.dma_semaphore, #tpu.memory_space<semaphore_mem>> -> memref<!tpu.dma_semaphore, #tpu.memory_space<semaphore_mem>>
    %dma_start3A_257 = arith.constant 0 : i32
    %dma_start3A_258 = tpu.memref_slice %arg5[%add3A_246, %dma_start3A_257] : memref<8192x1024xf32, #tpu.memory_space<hbm>> -> memref<32x1024xf32, #tpu.memory_space<hbm>>
    %dma_start3A_259 = arith.constant 0 : i32
    %dma_start3A_260 = arith.constant 0 : i32
    %dma_start3A_261 = tpu.memref_slice %arg8[%dma_start3A_247, %dma_start3A_259, %dma_start3A_260] : memref<3x32x1024xf32, #tpu.memory_space<vmem>> -> memref<1x32x1024xf32, #tpu.memory_space<vmem>>
    %dma_start3A_262 = tpu.memref_squeeze %dma_start3A_261 : memref<1x32x1024xf32, #tpu.memory_space<vmem>> -> memref<32x1024xf32, #tpu.memory_space<vmem>>
    tpu.enqueue_dma source(%dma_start3A_262 : memref<32x1024xf32, #tpu.memory_space<vmem>>) target(%dma_start3A_258 : memref<32x1024xf32, #tpu.memory_space<hbm>>) target_semaphore(%dma_start3A_256 : memref<!tpu.dma_semaphore, #tpu.memory_space<semaphore_mem>>)
    %dma_wait3A_263 = arith.constant 1 : i32
    %dma_wait3A_264 = arith.constant 1 : i32
    %dma_wait3A_265 = arith.constant 0 : i32
    %dma_wait3A_266 = arith.constant 0 : i32
    %dma_wait3A_267 = tpu.memref_slice %arg8[%dma_wait3A_263, %dma_wait3A_265, %dma_wait3A_266] : memref<3x32x1024xf32, #tpu.memory_space<vmem>> -> memref<1x32x1024xf32, #tpu.memory_space<vmem>>
    %dma_wait3A_268 = tpu.memref_squeeze %dma_wait3A_267 : memref<1x32x1024xf32, #tpu.memory_space<vmem>> -> memref<32x1024xf32, #tpu.memory_space<vmem>>
    %dma_wait3A_269 = arith.constant 0 : i32
    %dma_wait3A_270 = tpu.memref_slice %arg5[%add3A_162, %dma_wait3A_269] : memref<8192x1024xf32, #tpu.memory_space<hbm>> -> memref<32x1024xf32, #tpu.memory_space<hbm>>
    %dma_wait3A_271 = tpu.memref_slice %arg10[%dma_wait3A_264] : memref<3x!tpu.dma_semaphore, #tpu.memory_space<semaphore_mem>> -> memref<1x!tpu.dma_semaphore, #tpu.memory_space<semaphore_mem>>
    %dma_wait3A_272 = tpu.memref_squeeze %dma_wait3A_271 : memref<1x!tpu.dma_semaphore, #tpu.memory_space<semaphore_mem>> -> memref<!tpu.dma_semaphore, #tpu.memory_space<semaphore_mem>>
    %dma_wait3A_273 = arith.constant 0 : i32
    %dma_wait3A_274 = tpu.memref_slice %arg5[%add3A_162, %dma_wait3A_273] : memref<8192x1024xf32, #tpu.memory_space<hbm>> -> memref<32x1024xf32, #tpu.memory_space<hbm>>
    %dma_wait3A_275 = arith.constant 0 : i32
    %dma_wait3A_276 = arith.constant 0 : i32
    %dma_wait3A_277 = tpu.memref_slice %arg8[%dma_wait3A_263, %dma_wait3A_275, %dma_wait3A_276] : memref<3x32x1024xf32, #tpu.memory_space<vmem>> -> memref<1x32x1024xf32, #tpu.memory_space<vmem>>
    %dma_wait3A_278 = tpu.memref_squeeze %dma_wait3A_277 : memref<1x32x1024xf32, #tpu.memory_space<vmem>> -> memref<32x1024xf32, #tpu.memory_space<vmem>>
    tpu.wait_dma2 semaphore(%dma_wait3A_272 : memref<!tpu.dma_semaphore, #tpu.memory_space<semaphore_mem>>) src(%dma_wait3A_278 : memref<32x1024xf32, #tpu.memory_space<vmem>>) dst(%dma_wait3A_274 : memref<32x1024xf32, #tpu.memory_space<hbm>>)
    %dma_start3A_279 = arith.constant 1 : i32
    %dma_start3A_280 = arith.constant 1 : i32
    %dma_start3A_281 = arith.constant 0 : i32
    %dma_start3A_282 = arith.constant 0 : i32
    %dma_start3A_283 = tpu.memref_slice %arg8[%dma_start3A_279, %dma_start3A_281, %dma_start3A_282] : memref<3x32x1024xf32, #tpu.memory_space<vmem>> -> memref<1x32x1024xf32, #tpu.memory_space<vmem>>
    %dma_start3A_284 = tpu.memref_squeeze %dma_start3A_283 : memref<1x32x1024xf32, #tpu.memory_space<vmem>> -> memref<32x1024xf32, #tpu.memory_space<vmem>>
    %dma_start3A_285 = arith.constant 128 : i32
    %dma_start3A_286 = tpu.memref_slice %arg6[%dma_start3A_285] : memref<256xi32, #tpu.memory_space<vmem>> -> memref<32xi32, #tpu.memory_space<vmem>>
    %dma_start3A_287 = arith.constant 0 : i32
    %dma_start3A_288 = arith.constant 0 : i32
    %dma_start3A_289 = tpu.memref_slice %arg2[%dma_start3A_287, %dma_start3A_288] : memref<100000x1024xf32, #tpu.memory_space<hbm>> -> memref<100000x1024xf32, #tpu.memory_space<hbm>>
    %dma_start3A_290 = tpu.memref_slice %arg9[%dma_start3A_280] : memref<3x!tpu.dma_semaphore, #tpu.memory_space<semaphore_mem>> -> memref<1x!tpu.dma_semaphore, #tpu.memory_space<semaphore_mem>>
    %dma_start3A_291 = tpu.memref_squeeze %dma_start3A_290 : memref<1x!tpu.dma_semaphore, #tpu.memory_space<semaphore_mem>> -> memref<!tpu.dma_semaphore, #tpu.memory_space<semaphore_mem>>
    tpu.enqueue_indirect_dma source(%dma_start3A_289 : memref<100000x1024xf32, #tpu.memory_space<hbm>>) target(%dma_start3A_284 : memref<32x1024xf32, #tpu.memory_space<vmem>>) offsets(%dma_start3A_286 : memref<32xi32, #tpu.memory_space<vmem>>) semaphore(%dma_start3A_291 : memref<!tpu.dma_semaphore, #tpu.memory_space<semaphore_mem>>)
    %dma_wait3A_292 = arith.constant 0 : i32
    %dma_wait3A_293 = arith.constant 0 : i32
    %dma_wait3A_294 = arith.constant 0 : i32
    %dma_wait3A_295 = arith.constant 0 : i32
    %dma_wait3A_296 = tpu.memref_slice %arg8[%dma_wait3A_292, %dma_wait3A_294, %dma_wait3A_295] : memref<3x32x1024xf32, #tpu.memory_space<vmem>> -> memref<1x32x1024xf32, #tpu.memory_space<vmem>>
    %dma_wait3A_297 = tpu.memref_squeeze %dma_wait3A_296 : memref<1x32x1024xf32, #tpu.memory_space<vmem>> -> memref<32x1024xf32, #tpu.memory_space<vmem>>
    %dma_wait3A_298 = arith.constant 96 : i32
    %dma_wait3A_299 = tpu.memref_slice %arg6[%dma_wait3A_298] : memref<256xi32, #tpu.memory_space<vmem>> -> memref<32xi32, #tpu.memory_space<vmem>>
    %dma_wait3A_300 = arith.constant 0 : i32
    %dma_wait3A_301 = arith.constant 0 : i32
    %dma_wait3A_302 = tpu.memref_slice %arg2[%dma_wait3A_300, %dma_wait3A_301] : memref<100000x1024xf32, #tpu.memory_space<hbm>> -> memref<100000x1024xf32, #tpu.memory_space<hbm>>
    %dma_wait3A_303 = tpu.memref_slice %arg9[%dma_wait3A_293] : memref<3x!tpu.dma_semaphore, #tpu.memory_space<semaphore_mem>> -> memref<1x!tpu.dma_semaphore, #tpu.memory_space<semaphore_mem>>
    %dma_wait3A_304 = tpu.memref_squeeze %dma_wait3A_303 : memref<1x!tpu.dma_semaphore, #tpu.memory_space<semaphore_mem>> -> memref<!tpu.dma_semaphore, #tpu.memory_space<semaphore_mem>>
    tpu.wait_indirect_dma semaphore(%dma_wait3A_304 : memref<!tpu.dma_semaphore, #tpu.memory_space<semaphore_mem>>) src(%dma_wait3A_302 : memref<100000x1024xf32, #tpu.memory_space<hbm>>) dst(%dma_wait3A_297 : memref<32x1024xf32, #tpu.memory_space<vmem>>)
    %add3A_305 = arith.constant 96 : i32
    %add3A_306 = arith.addi %mul3A_2, %add3A_305 : i32
    %jit3A_307 = arith.constant 2048 : i32
    %eq3A_308 = arith.constant 0 : i32
    %eq3A_309 = arith.cmpi eq, %jit3A_307, %eq3A_308 : i32
    %jit3A_310 = arith.constant 1 : i32
    %select_n3A_311 = arith.select %eq3A_309, %jit3A_310, %jit3A_307 : i32
    %rem3A_312 = arith.remsi %add3A_306, %select_n3A_311 : i32
    %ne3A_313 = arith.constant 0 : i32
    %ne3A_314 = arith.cmpi ne, %rem3A_312, %ne3A_313 : i32
    %lt3A_315 = arith.constant 0 : i32
    %lt3A_316 = arith.cmpi slt, %rem3A_312, %lt3A_315 : i32
    %lt3A_317 = arith.constant 0 : i32
    %lt3A_318 = arith.cmpi slt, %select_n3A_311, %lt3A_317 : i32
    %ne3A_319 = arith.xori %lt3A_316, %lt3A_318 : i1
    %and3A_320 = arith.andi %ne3A_319, %ne3A_314 : i1
    %add3A_321 = arith.addi %rem3A_312, %select_n3A_311 : i32
    %select_n3A_322 = arith.select %and3A_320, %add3A_321, %rem3A_312 : i32
    %scan3A_323 = arith.constant 0 : i32
    %scan3A_324 = arith.constant 0 : i32
    %scan3A_325 = arith.constant 64 : i32
    %scan3A_326 = arith.addi %scan3A_324, %scan3A_325 : i32
    %scan3A_327 = arith.constant 1 : i32
    scf.for %scan3A_702 = %scan3A_324 to %scan3A_326 step %scan3A_327  : i32 {
      %mul3A_703 = arith.constant 1 : i32
      %mul3A_704 = arith.muli %scan3A_702, %mul3A_703 : i32
      %add3A_705 = arith.constant 0 : i32
      %add3A_706 = arith.addi %add3A_705, %mul3A_704 : i32
      %mul3A_707 = arith.constant 16 : i32
      %mul3A_708 = arith.muli %add3A_706, %mul3A_707 : i32
      %get3A = arith.index_cast %mul3A_708 : i32 to index
      %get3A_709 = tpu.vector_load %arg7[%get3A] {strides = array<i32>} : memref<1024xf32, #tpu.memory_space<vmem>>, vector<16xf32>,
      %get3A_710 = vector.shape_cast %get3A_709 : vector<16xf32> to vector<16xf32>
      %parallel_loop3A = arith.constant 0 : i32
      %parallel_loop3A_711 = arith.constant 32 : i32
      %parallel_loop3A_712 = arith.constant 1 : i32
      scf.for %parallel_loop3A_713 = %parallel_loop3A to %parallel_loop3A_711 step %parallel_loop3A_712  : i32 {
        %parallel_loop3A_714 = arith.addi %select_n3A_322, %parallel_loop3A_713 : i32
        %parallel_loop3A_715 = arith.sitofp %parallel_loop3A_714 : i32 to f32
        %parallel_loop3A_716 = arith.constant 0 : i32
        %parallel_loop3A_717 = arith.constant 0 : i32
        %parallel_loop3A_718 = tpu.memref_slice %arg8[%scan3A_323, %parallel_loop3A_716, %parallel_loop3A_717] : memref<3x32x1024xf32, #tpu.memory_space<vmem>> -> memref<1x32x1024xf32, #tpu.memory_space<vmem>>
        %parallel_loop3A_719 = tpu.memref_squeeze %parallel_loop3A_718 : memref<1x32x1024xf32, #tpu.memory_space<vmem>> -> memref<32x1024xf32, #tpu.memory_space<vmem>>
        %parallel_loop3A_720 = arith.index_cast %parallel_loop3A_713 : i32 to index
        %parallel_loop3A_721 = arith.index_cast %mul3A_708 : i32 to index
        %parallel_loop3A_722 = tpu.vector_load %parallel_loop3A_719[%parallel_loop3A_720, %parallel_loop3A_721] {strides = array<i32>} : memref<32x1024xf32, #tpu.memory_space<vmem>>, vector<1x16xf32>,
        %parallel_loop3A_723 = vector.shape_cast %parallel_loop3A_722 : vector<1x16xf32> to vector<16xf32>
        %parallel_loop3A_724 = arith.constant 3.200000e+01 : f32
        %parallel_loop3A_725 = vector.broadcast %parallel_loop3A_724 : f32 to vector<16xf32>
        %parallel_loop3A_726 = arith.mulf %parallel_loop3A_723, %parallel_loop3A_725 : vector<16xf32>
        %parallel_loop3A_727 = vector.broadcast %parallel_loop3A_715 : f32 to vector<16xf32>
        %parallel_loop3A_728 = arith.mulf %parallel_loop3A_727, %get3A_710 : vector<16xf32>
        %parallel_loop3A_729 = arith.addf %parallel_loop3A_726, %parallel_loop3A_728 : vector<16xf32>
        %parallel_loop3A_730 = arith.constant 0 : i32
        %parallel_loop3A_731 = arith.constant 0 : i32
        %parallel_loop3A_732 = tpu.memref_slice %arg8[%scan3A_323, %parallel_loop3A_730, %parallel_loop3A_731] : memref<3x32x1024xf32, #tpu.memory_space<vmem>> -> memref<1x32x1024xf32, #tpu.memory_space<vmem>>
        %parallel_loop3A_733 = tpu.memref_squeeze %parallel_loop3A_732 : memref<1x32x1024xf32, #tpu.memory_space<vmem>> -> memref<32x1024xf32, #tpu.memory_space<vmem>>
        %parallel_loop3A_734 = arith.index_cast %parallel_loop3A_713 : i32 to index
        %parallel_loop3A_735 = arith.index_cast %mul3A_708 : i32 to index
        %parallel_loop3A_736 = tpu.vector_load %parallel_loop3A_733[%parallel_loop3A_734, %parallel_loop3A_735] {strides = array<i32>} : memref<32x1024xf32, #tpu.memory_space<vmem>>, vector<1x16xf32>,
        %parallel_loop3A_737 = vector.shape_cast %parallel_loop3A_736 : vector<1x16xf32> to vector<16xf32>
        %parallel_loop3A_738 = vector.shape_cast %parallel_loop3A_729 : vector<16xf32> to vector<1x16xf32>
        tpu.vector_store %parallel_loop3A_733[%parallel_loop3A_734, %parallel_loop3A_735], %parallel_loop3A_738 {strides = array<i32>} : memref<32x1024xf32, #tpu.memory_space<vmem>>, vector<1x16xf32>,
      } {sc.loop_unroll_factor = 8 : i64, sc.parallel_access}
    }
    %scan3A_328 = arith.constant 64 : i32
    %add3A_329 = arith.constant 96 : i32
    %add3A_330 = arith.addi %mul3A_2, %add3A_329 : i32
    %dma_start3A_331 = arith.constant 0 : i32
    %dma_start3A_332 = arith.constant 0 : i32
    %dma_start3A_333 = arith.constant 0 : i32
    %dma_start3A_334 = arith.constant 0 : i32
    %dma_start3A_335 = tpu.memref_slice %arg8[%dma_start3A_331, %dma_start3A_333, %dma_start3A_334] : memref<3x32x1024xf32, #tpu.memory_space<vmem>> -> memref<1x32x1024xf32, #tpu.memory_space<vmem>>
    %dma_start3A_336 = tpu.memref_squeeze %dma_start3A_335 : memref<1x32x1024xf32, #tpu.memory_space<vmem>> -> memref<32x1024xf32, #tpu.memory_space<vmem>>
    %dma_start3A_337 = arith.constant 0 : i32
    %dma_start3A_338 = tpu.memref_slice %arg5[%add3A_330, %dma_start3A_337] : memref<8192x1024xf32, #tpu.memory_space<hbm>> -> memref<32x1024xf32, #tpu.memory_space<hbm>>
    %dma_start3A_339 = tpu.memref_slice %arg10[%dma_start3A_332] : memref<3x!tpu.dma_semaphore, #tpu.memory_space<semaphore_mem>> -> memref<1x!tpu.dma_semaphore, #tpu.memory_space<semaphore_mem>>
    %dma_start3A_340 = tpu.memref_squeeze %dma_start3A_339 : memref<1x!tpu.dma_semaphore, #tpu.memory_space<semaphore_mem>> -> memref<!tpu.dma_semaphore, #tpu.memory_space<semaphore_mem>>
    %dma_start3A_341 = arith.constant 0 : i32
    %dma_start3A_342 = tpu.memref_slice %arg5[%add3A_330, %dma_start3A_341] : memref<8192x1024xf32, #tpu.memory_space<hbm>> -> memref<32x1024xf32, #tpu.memory_space<hbm>>
    %dma_start3A_343 = arith.constant 0 : i32
    %dma_start3A_344 = arith.constant 0 : i32
    %dma_start3A_345 = tpu.memref_slice %arg8[%dma_start3A_331, %dma_start3A_343, %dma_start3A_344] : memref<3x32x1024xf32, #tpu.memory_space<vmem>> -> memref<1x32x1024xf32, #tpu.memory_space<vmem>>
    %dma_start3A_346 = tpu.memref_squeeze %dma_start3A_345 : memref<1x32x1024xf32, #tpu.memory_space<vmem>> -> memref<32x1024xf32, #tpu.memory_space<vmem>>
    tpu.enqueue_dma source(%dma_start3A_346 : memref<32x1024xf32, #tpu.memory_space<vmem>>) target(%dma_start3A_342 : memref<32x1024xf32, #tpu.memory_space<hbm>>) target_semaphore(%dma_start3A_340 : memref<!tpu.dma_semaphore, #tpu.memory_space<semaphore_mem>>)
    %dma_wait3A_347 = arith.constant 2 : i32
    %dma_wait3A_348 = arith.constant 2 : i32
    %dma_wait3A_349 = arith.constant 0 : i32
    %dma_wait3A_350 = arith.constant 0 : i32
    %dma_wait3A_351 = tpu.memref_slice %arg8[%dma_wait3A_347, %dma_wait3A_349, %dma_wait3A_350] : memref<3x32x1024xf32, #tpu.memory_space<vmem>> -> memref<1x32x1024xf32, #tpu.memory_space<vmem>>
    %dma_wait3A_352 = tpu.memref_squeeze %dma_wait3A_351 : memref<1x32x1024xf32, #tpu.memory_space<vmem>> -> memref<32x1024xf32, #tpu.memory_space<vmem>>
    %dma_wait3A_353 = arith.constant 0 : i32
    %dma_wait3A_354 = tpu.memref_slice %arg5[%add3A_246, %dma_wait3A_353] : memref<8192x1024xf32, #tpu.memory_space<hbm>> -> memref<32x1024xf32, #tpu.memory_space<hbm>>
    %dma_wait3A_355 = tpu.memref_slice %arg10[%dma_wait3A_348] : memref<3x!tpu.dma_semaphore, #tpu.memory_space<semaphore_mem>> -> memref<1x!tpu.dma_semaphore, #tpu.memory_space<semaphore_mem>>
    %dma_wait3A_356 = tpu.memref_squeeze %dma_wait3A_355 : memref<1x!tpu.dma_semaphore, #tpu.memory_space<semaphore_mem>> -> memref<!tpu.dma_semaphore, #tpu.memory_space<semaphore_mem>>
    %dma_wait3A_357 = arith.constant 0 : i32
    %dma_wait3A_358 = tpu.memref_slice %arg5[%add3A_246, %dma_wait3A_357] : memref<8192x1024xf32, #tpu.memory_space<hbm>> -> memref<32x1024xf32, #tpu.memory_space<hbm>>
    %dma_wait3A_359 = arith.constant 0 : i32
    %dma_wait3A_360 = arith.constant 0 : i32
    %dma_wait3A_361 = tpu.memref_slice %arg8[%dma_wait3A_347, %dma_wait3A_359, %dma_wait3A_360] : memref<3x32x1024xf32, #tpu.memory_space<vmem>> -> memref<1x32x1024xf32, #tpu.memory_space<vmem>>
    %dma_wait3A_362 = tpu.memref_squeeze %dma_wait3A_361 : memref<1x32x1024xf32, #tpu.memory_space<vmem>> -> memref<32x1024xf32, #tpu.memory_space<vmem>>
    tpu.wait_dma2 semaphore(%dma_wait3A_356 : memref<!tpu.dma_semaphore, #tpu.memory_space<semaphore_mem>>) src(%dma_wait3A_362 : memref<32x1024xf32, #tpu.memory_space<vmem>>) dst(%dma_wait3A_358 : memref<32x1024xf32, #tpu.memory_space<hbm>>)
    %dma_start3A_363 = arith.constant 2 : i32
    %dma_start3A_364 = arith.constant 2 : i32
    %dma_start3A_365 = arith.constant 0 : i32
    %dma_start3A_366 = arith.constant 0 : i32
    %dma_start3A_367 = tpu.memref_slice %arg8[%dma_start3A_363, %dma_start3A_365, %dma_start3A_366] : memref<3x32x1024xf32, #tpu.memory_space<vmem>> -> memref<1x32x1024xf32, #tpu.memory_space<vmem>>
    %dma_start3A_368 = tpu.memref_squeeze %dma_start3A_367 : memref<1x32x1024xf32, #tpu.memory_space<vmem>> -> memref<32x1024xf32, #tpu.memory_space<vmem>>
    %dma_start3A_369 = arith.constant 160 : i32
    %dma_start3A_370 = tpu.memref_slice %arg6[%dma_start3A_369] : memref<256xi32, #tpu.memory_space<vmem>> -> memref<32xi32, #tpu.memory_space<vmem>>
    %dma_start3A_371 = arith.constant 0 : i32
    %dma_start3A_372 = arith.constant 0 : i32
    %dma_start3A_373 = tpu.memref_slice %arg2[%dma_start3A_371, %dma_start3A_372] : memref<100000x1024xf32, #tpu.memory_space<hbm>> -> memref<100000x1024xf32, #tpu.memory_space<hbm>>
    %dma_start3A_374 = tpu.memref_slice %arg9[%dma_start3A_364] : memref<3x!tpu.dma_semaphore, #tpu.memory_space<semaphore_mem>> -> memref<1x!tpu.dma_semaphore, #tpu.memory_space<semaphore_mem>>
    %dma_start3A_375 = tpu.memref_squeeze %dma_start3A_374 : memref<1x!tpu.dma_semaphore, #tpu.memory_space<semaphore_mem>> -> memref<!tpu.dma_semaphore, #tpu.memory_space<semaphore_mem>>
    tpu.enqueue_indirect_dma source(%dma_start3A_373 : memref<100000x1024xf32, #tpu.memory_space<hbm>>) target(%dma_start3A_368 : memref<32x1024xf32, #tpu.memory_space<vmem>>) offsets(%dma_start3A_370 : memref<32xi32, #tpu.memory_space<vmem>>) semaphore(%dma_start3A_375 : memref<!tpu.dma_semaphore, #tpu.memory_space<semaphore_mem>>)
    %dma_wait3A_376 = arith.constant 1 : i32
    %dma_wait3A_377 = arith.constant 1 : i32
    %dma_wait3A_378 = arith.constant 0 : i32
    %dma_wait3A_379 = arith.constant 0 : i32
    %dma_wait3A_380 = tpu.memref_slice %arg8[%dma_wait3A_376, %dma_wait3A_378, %dma_wait3A_379] : memref<3x32x1024xf32, #tpu.memory_space<vmem>> -> memref<1x32x1024xf32, #tpu.memory_space<vmem>>
    %dma_wait3A_381 = tpu.memref_squeeze %dma_wait3A_380 : memref<1x32x1024xf32, #tpu.memory_space<vmem>> -> memref<32x1024xf32, #tpu.memory_space<vmem>>
    %dma_wait3A_382 = arith.constant 128 : i32
    %dma_wait3A_383 = tpu.memref_slice %arg6[%dma_wait3A_382] : memref<256xi32, #tpu.memory_space<vmem>> -> memref<32xi32, #tpu.memory_space<vmem>>
    %dma_wait3A_384 = arith.constant 0 : i32
    %dma_wait3A_385 = arith.constant 0 : i32
    %dma_wait3A_386 = tpu.memref_slice %arg2[%dma_wait3A_384, %dma_wait3A_385] : memref<100000x1024xf32, #tpu.memory_space<hbm>> -> memref<100000x1024xf32, #tpu.memory_space<hbm>>
    %dma_wait3A_387 = tpu.memref_slice %arg9[%dma_wait3A_377] : memref<3x!tpu.dma_semaphore, #tpu.memory_space<semaphore_mem>> -> memref<1x!tpu.dma_semaphore, #tpu.memory_space<semaphore_mem>>
    %dma_wait3A_388 = tpu.memref_squeeze %dma_wait3A_387 : memref<1x!tpu.dma_semaphore, #tpu.memory_space<semaphore_mem>> -> memref<!tpu.dma_semaphore, #tpu.memory_space<semaphore_mem>>
    tpu.wait_indirect_dma semaphore(%dma_wait3A_388 : memref<!tpu.dma_semaphore, #tpu.memory_space<semaphore_mem>>) src(%dma_wait3A_386 : memref<100000x1024xf32, #tpu.memory_space<hbm>>) dst(%dma_wait3A_381 : memref<32x1024xf32, #tpu.memory_space<vmem>>)
    %add3A_389 = arith.constant 128 : i32
    %add3A_390 = arith.addi %mul3A_2, %add3A_389 : i32
    %jit3A_391 = arith.constant 2048 : i32
    %eq3A_392 = arith.constant 0 : i32
    %eq3A_393 = arith.cmpi eq, %jit3A_391, %eq3A_392 : i32
    %jit3A_394 = arith.constant 1 : i32
    %select_n3A_395 = arith.select %eq3A_393, %jit3A_394, %jit3A_391 : i32
    %rem3A_396 = arith.remsi %add3A_390, %select_n3A_395 : i32
    %ne3A_397 = arith.constant 0 : i32
    %ne3A_398 = arith.cmpi ne, %rem3A_396, %ne3A_397 : i32
    %lt3A_399 = arith.constant 0 : i32
    %lt3A_400 = arith.cmpi slt, %rem3A_396, %lt3A_399 : i32
    %lt3A_401 = arith.constant 0 : i32
    %lt3A_402 = arith.cmpi slt, %select_n3A_395, %lt3A_401 : i32
    %ne3A_403 = arith.xori %lt3A_400, %lt3A_402 : i1
    %and3A_404 = arith.andi %ne3A_403, %ne3A_398 : i1
    %add3A_405 = arith.addi %rem3A_396, %select_n3A_395 : i32
    %select_n3A_406 = arith.select %and3A_404, %add3A_405, %rem3A_396 : i32
    %scan3A_407 = arith.constant 1 : i32
    %scan3A_408 = arith.constant 0 : i32
    %scan3A_409 = arith.constant 64 : i32
    %scan3A_410 = arith.addi %scan3A_408, %scan3A_409 : i32
    %scan3A_411 = arith.constant 1 : i32
    scf.for %scan3A_702 = %scan3A_408 to %scan3A_410 step %scan3A_411  : i32 {
      %mul3A_703 = arith.constant 1 : i32
      %mul3A_704 = arith.muli %scan3A_702, %mul3A_703 : i32
      %add3A_705 = arith.constant 0 : i32
      %add3A_706 = arith.addi %add3A_705, %mul3A_704 : i32
      %mul3A_707 = arith.constant 16 : i32
      %mul3A_708 = arith.muli %add3A_706, %mul3A_707 : i32
      %get3A = arith.index_cast %mul3A_708 : i32 to index
      %get3A_709 = tpu.vector_load %arg7[%get3A] {strides = array<i32>} : memref<1024xf32, #tpu.memory_space<vmem>>, vector<16xf32>,
      %get3A_710 = vector.shape_cast %get3A_709 : vector<16xf32> to vector<16xf32>
      %parallel_loop3A = arith.constant 0 : i32
      %parallel_loop3A_711 = arith.constant 32 : i32
      %parallel_loop3A_712 = arith.constant 1 : i32
      scf.for %parallel_loop3A_713 = %parallel_loop3A to %parallel_loop3A_711 step %parallel_loop3A_712  : i32 {
        %parallel_loop3A_714 = arith.addi %select_n3A_406, %parallel_loop3A_713 : i32
        %parallel_loop3A_715 = arith.sitofp %parallel_loop3A_714 : i32 to f32
        %parallel_loop3A_716 = arith.constant 0 : i32
        %parallel_loop3A_717 = arith.constant 0 : i32
        %parallel_loop3A_718 = tpu.memref_slice %arg8[%scan3A_407, %parallel_loop3A_716, %parallel_loop3A_717] : memref<3x32x1024xf32, #tpu.memory_space<vmem>> -> memref<1x32x1024xf32, #tpu.memory_space<vmem>>
        %parallel_loop3A_719 = tpu.memref_squeeze %parallel_loop3A_718 : memref<1x32x1024xf32, #tpu.memory_space<vmem>> -> memref<32x1024xf32, #tpu.memory_space<vmem>>
        %parallel_loop3A_720 = arith.index_cast %parallel_loop3A_713 : i32 to index
        %parallel_loop3A_721 = arith.index_cast %mul3A_708 : i32 to index
        %parallel_loop3A_722 = tpu.vector_load %parallel_loop3A_719[%parallel_loop3A_720, %parallel_loop3A_721] {strides = array<i32>} : memref<32x1024xf32, #tpu.memory_space<vmem>>, vector<1x16xf32>,
        %parallel_loop3A_723 = vector.shape_cast %parallel_loop3A_722 : vector<1x16xf32> to vector<16xf32>
        %parallel_loop3A_724 = arith.constant 3.200000e+01 : f32
        %parallel_loop3A_725 = vector.broadcast %parallel_loop3A_724 : f32 to vector<16xf32>
        %parallel_loop3A_726 = arith.mulf %parallel_loop3A_723, %parallel_loop3A_725 : vector<16xf32>
        %parallel_loop3A_727 = vector.broadcast %parallel_loop3A_715 : f32 to vector<16xf32>
        %parallel_loop3A_728 = arith.mulf %parallel_loop3A_727, %get3A_710 : vector<16xf32>
        %parallel_loop3A_729 = arith.addf %parallel_loop3A_726, %parallel_loop3A_728 : vector<16xf32>
        %parallel_loop3A_730 = arith.constant 0 : i32
        %parallel_loop3A_731 = arith.constant 0 : i32
        %parallel_loop3A_732 = tpu.memref_slice %arg8[%scan3A_407, %parallel_loop3A_730, %parallel_loop3A_731] : memref<3x32x1024xf32, #tpu.memory_space<vmem>> -> memref<1x32x1024xf32, #tpu.memory_space<vmem>>
        %parallel_loop3A_733 = tpu.memref_squeeze %parallel_loop3A_732 : memref<1x32x1024xf32, #tpu.memory_space<vmem>> -> memref<32x1024xf32, #tpu.memory_space<vmem>>
        %parallel_loop3A_734 = arith.index_cast %parallel_loop3A_713 : i32 to index
        %parallel_loop3A_735 = arith.index_cast %mul3A_708 : i32 to index
        %parallel_loop3A_736 = tpu.vector_load %parallel_loop3A_733[%parallel_loop3A_734, %parallel_loop3A_735] {strides = array<i32>} : memref<32x1024xf32, #tpu.memory_space<vmem>>, vector<1x16xf32>,
        %parallel_loop3A_737 = vector.shape_cast %parallel_loop3A_736 : vector<1x16xf32> to vector<16xf32>
        %parallel_loop3A_738 = vector.shape_cast %parallel_loop3A_729 : vector<16xf32> to vector<1x16xf32>
        tpu.vector_store %parallel_loop3A_733[%parallel_loop3A_734, %parallel_loop3A_735], %parallel_loop3A_738 {strides = array<i32>} : memref<32x1024xf32, #tpu.memory_space<vmem>>, vector<1x16xf32>,
      } {sc.loop_unroll_factor = 8 : i64, sc.parallel_access}
    }
    %scan3A_412 = arith.constant 64 : i32
    %add3A_413 = arith.constant 128 : i32
    %add3A_414 = arith.addi %mul3A_2, %add3A_413 : i32
    %dma_start3A_415 = arith.constant 1 : i32
    %dma_start3A_416 = arith.constant 1 : i32
    %dma_start3A_417 = arith.constant 0 : i32
    %dma_start3A_418 = arith.constant 0 : i32
    %dma_start3A_419 = tpu.memref_slice %arg8[%dma_start3A_415, %dma_start3A_417, %dma_start3A_418] : memref<3x32x1024xf32, #tpu.memory_space<vmem>> -> memref<1x32x1024xf32, #tpu.memory_space<vmem>>
    %dma_start3A_420 = tpu.memref_squeeze %dma_start3A_419 : memref<1x32x1024xf32, #tpu.memory_space<vmem>> -> memref<32x1024xf32, #tpu.memory_space<vmem>>
    %dma_start3A_421 = arith.constant 0 : i32
    %dma_start3A_422 = tpu.memref_slice %arg5[%add3A_414, %dma_start3A_421] : memref<8192x1024xf32, #tpu.memory_space<hbm>> -> memref<32x1024xf32, #tpu.memory_space<hbm>>
    %dma_start3A_423 = tpu.memref_slice %arg10[%dma_start3A_416] : memref<3x!tpu.dma_semaphore, #tpu.memory_space<semaphore_mem>> -> memref<1x!tpu.dma_semaphore, #tpu.memory_space<semaphore_mem>>
    %dma_start3A_424 = tpu.memref_squeeze %dma_start3A_423 : memref<1x!tpu.dma_semaphore, #tpu.memory_space<semaphore_mem>> -> memref<!tpu.dma_semaphore, #tpu.memory_space<semaphore_mem>>
    %dma_start3A_425 = arith.constant 0 : i32
    %dma_start3A_426 = tpu.memref_slice %arg5[%add3A_414, %dma_start3A_425] : memref<8192x1024xf32, #tpu.memory_space<hbm>> -> memref<32x1024xf32, #tpu.memory_space<hbm>>
    %dma_start3A_427 = arith.constant 0 : i32
    %dma_start3A_428 = arith.constant 0 : i32
    %dma_start3A_429 = tpu.memref_slice %arg8[%dma_start3A_415, %dma_start3A_427, %dma_start3A_428] : memref<3x32x1024xf32, #tpu.memory_space<vmem>> -> memref<1x32x1024xf32, #tpu.memory_space<vmem>>
    %dma_start3A_430 = tpu.memref_squeeze %dma_start3A_429 : memref<1x32x1024xf32, #tpu.memory_space<vmem>> -> memref<32x1024xf32, #tpu.memory_space<vmem>>
    tpu.enqueue_dma source(%dma_start3A_430 : memref<32x1024xf32, #tpu.memory_space<vmem>>) target(%dma_start3A_426 : memref<32x1024xf32, #tpu.memory_space<hbm>>) target_semaphore(%dma_start3A_424 : memref<!tpu.dma_semaphore, #tpu.memory_space<semaphore_mem>>)
    %dma_wait3A_431 = arith.constant 0 : i32
    %dma_wait3A_432 = arith.constant 0 : i32
    %dma_wait3A_433 = arith.constant 0 : i32
    %dma_wait3A_434 = arith.constant 0 : i32
    %dma_wait3A_435 = tpu.memref_slice %arg8[%dma_wait3A_431, %dma_wait3A_433, %dma_wait3A_434] : memref<3x32x1024xf32, #tpu.memory_space<vmem>> -> memref<1x32x1024xf32, #tpu.memory_space<vmem>>
    %dma_wait3A_436 = tpu.memref_squeeze %dma_wait3A_435 : memref<1x32x1024xf32, #tpu.memory_space<vmem>> -> memref<32x1024xf32, #tpu.memory_space<vmem>>
    %dma_wait3A_437 = arith.constant 0 : i32
    %dma_wait3A_438 = tpu.memref_slice %arg5[%add3A_330, %dma_wait3A_437] : memref<8192x1024xf32, #tpu.memory_space<hbm>> -> memref<32x1024xf32, #tpu.memory_space<hbm>>
    %dma_wait3A_439 = tpu.memref_slice %arg10[%dma_wait3A_432] : memref<3x!tpu.dma_semaphore, #tpu.memory_space<semaphore_mem>> -> memref<1x!tpu.dma_semaphore, #tpu.memory_space<semaphore_mem>>
    %dma_wait3A_440 = tpu.memref_squeeze %dma_wait3A_439 : memref<1x!tpu.dma_semaphore, #tpu.memory_space<semaphore_mem>> -> memref<!tpu.dma_semaphore, #tpu.memory_space<semaphore_mem>>
    %dma_wait3A_441 = arith.constant 0 : i32
    %dma_wait3A_442 = tpu.memref_slice %arg5[%add3A_330, %dma_wait3A_441] : memref<8192x1024xf32, #tpu.memory_space<hbm>> -> memref<32x1024xf32, #tpu.memory_space<hbm>>
    %dma_wait3A_443 = arith.constant 0 : i32
    %dma_wait3A_444 = arith.constant 0 : i32
    %dma_wait3A_445 = tpu.memref_slice %arg8[%dma_wait3A_431, %dma_wait3A_443, %dma_wait3A_444] : memref<3x32x1024xf32, #tpu.memory_space<vmem>> -> memref<1x32x1024xf32, #tpu.memory_space<vmem>>
    %dma_wait3A_446 = tpu.memref_squeeze %dma_wait3A_445 : memref<1x32x1024xf32, #tpu.memory_space<vmem>> -> memref<32x1024xf32, #tpu.memory_space<vmem>>
    tpu.wait_dma2 semaphore(%dma_wait3A_440 : memref<!tpu.dma_semaphore, #tpu.memory_space<semaphore_mem>>) src(%dma_wait3A_446 : memref<32x1024xf32, #tpu.memory_space<vmem>>) dst(%dma_wait3A_442 : memref<32x1024xf32, #tpu.memory_space<hbm>>)
    %dma_start3A_447 = arith.constant 0 : i32
    %dma_start3A_448 = arith.constant 0 : i32
    %dma_start3A_449 = arith.constant 0 : i32
    %dma_start3A_450 = arith.constant 0 : i32
    %dma_start3A_451 = tpu.memref_slice %arg8[%dma_start3A_447, %dma_start3A_449, %dma_start3A_450] : memref<3x32x1024xf32, #tpu.memory_space<vmem>> -> memref<1x32x1024xf32, #tpu.memory_space<vmem>>
    %dma_start3A_452 = tpu.memref_squeeze %dma_start3A_451 : memref<1x32x1024xf32, #tpu.memory_space<vmem>> -> memref<32x1024xf32, #tpu.memory_space<vmem>>
    %dma_start3A_453 = arith.constant 192 : i32
    %dma_start3A_454 = tpu.memref_slice %arg6[%dma_start3A_453] : memref<256xi32, #tpu.memory_space<vmem>> -> memref<32xi32, #tpu.memory_space<vmem>>
    %dma_start3A_455 = arith.constant 0 : i32
    %dma_start3A_456 = arith.constant 0 : i32
    %dma_start3A_457 = tpu.memref_slice %arg2[%dma_start3A_455, %dma_start3A_456] : memref<100000x1024xf32, #tpu.memory_space<hbm>> -> memref<100000x1024xf32, #tpu.memory_space<hbm>>
    %dma_start3A_458 = tpu.memref_slice %arg9[%dma_start3A_448] : memref<3x!tpu.dma_semaphore, #tpu.memory_space<semaphore_mem>> -> memref<1x!tpu.dma_semaphore, #tpu.memory_space<semaphore_mem>>
    %dma_start3A_459 = tpu.memref_squeeze %dma_start3A_458 : memref<1x!tpu.dma_semaphore, #tpu.memory_space<semaphore_mem>> -> memref<!tpu.dma_semaphore, #tpu.memory_space<semaphore_mem>>
    tpu.enqueue_indirect_dma source(%dma_start3A_457 : memref<100000x1024xf32, #tpu.memory_space<hbm>>) target(%dma_start3A_452 : memref<32x1024xf32, #tpu.memory_space<vmem>>) offsets(%dma_start3A_454 : memref<32xi32, #tpu.memory_space<vmem>>) semaphore(%dma_start3A_459 : memref<!tpu.dma_semaphore, #tpu.memory_space<semaphore_mem>>)
    %dma_wait3A_460 = arith.constant 2 : i32
    %dma_wait3A_461 = arith.constant 2 : i32
    %dma_wait3A_462 = arith.constant 0 : i32
    %dma_wait3A_463 = arith.constant 0 : i32
    %dma_wait3A_464 = tpu.memref_slice %arg8[%dma_wait3A_460, %dma_wait3A_462, %dma_wait3A_463] : memref<3x32x1024xf32, #tpu.memory_space<vmem>> -> memref<1x32x1024xf32, #tpu.memory_space<vmem>>
    %dma_wait3A_465 = tpu.memref_squeeze %dma_wait3A_464 : memref<1x32x1024xf32, #tpu.memory_space<vmem>> -> memref<32x1024xf32, #tpu.memory_space<vmem>>
    %dma_wait3A_466 = arith.constant 160 : i32
    %dma_wait3A_467 = tpu.memref_slice %arg6[%dma_wait3A_466] : memref<256xi32, #tpu.memory_space<vmem>> -> memref<32xi32, #tpu.memory_space<vmem>>
    %dma_wait3A_468 = arith.constant 0 : i32
    %dma_wait3A_469 = arith.constant 0 : i32
    %dma_wait3A_470 = tpu.memref_slice %arg2[%dma_wait3A_468, %dma_wait3A_469] : memref<100000x1024xf32, #tpu.memory_space<hbm>> -> memref<100000x1024xf32, #tpu.memory_space<hbm>>
    %dma_wait3A_471 = tpu.memref_slice %arg9[%dma_wait3A_461] : memref<3x!tpu.dma_semaphore, #tpu.memory_space<semaphore_mem>> -> memref<1x!tpu.dma_semaphore, #tpu.memory_space<semaphore_mem>>
    %dma_wait3A_472 = tpu.memref_squeeze %dma_wait3A_471 : memref<1x!tpu.dma_semaphore, #tpu.memory_space<semaphore_mem>> -> memref<!tpu.dma_semaphore, #tpu.memory_space<semaphore_mem>>
    tpu.wait_indirect_dma semaphore(%dma_wait3A_472 : memref<!tpu.dma_semaphore, #tpu.memory_space<semaphore_mem>>) src(%dma_wait3A_470 : memref<100000x1024xf32, #tpu.memory_space<hbm>>) dst(%dma_wait3A_465 : memref<32x1024xf32, #tpu.memory_space<vmem>>)
    %add3A_473 = arith.constant 160 : i32
    %add3A_474 = arith.addi %mul3A_2, %add3A_473 : i32
    %jit3A_475 = arith.constant 2048 : i32
    %eq3A_476 = arith.constant 0 : i32
    %eq3A_477 = arith.cmpi eq, %jit3A_475, %eq3A_476 : i32
    %jit3A_478 = arith.constant 1 : i32
    %select_n3A_479 = arith.select %eq3A_477, %jit3A_478, %jit3A_475 : i32
    %rem3A_480 = arith.remsi %add3A_474, %select_n3A_479 : i32
    %ne3A_481 = arith.constant 0 : i32
    %ne3A_482 = arith.cmpi ne, %rem3A_480, %ne3A_481 : i32
    %lt3A_483 = arith.constant 0 : i32
    %lt3A_484 = arith.cmpi slt, %rem3A_480, %lt3A_483 : i32
    %lt3A_485 = arith.constant 0 : i32
    %lt3A_486 = arith.cmpi slt, %select_n3A_479, %lt3A_485 : i32
    %ne3A_487 = arith.xori %lt3A_484, %lt3A_486 : i1
    %and3A_488 = arith.andi %ne3A_487, %ne3A_482 : i1
    %add3A_489 = arith.addi %rem3A_480, %select_n3A_479 : i32
    %select_n3A_490 = arith.select %and3A_488, %add3A_489, %rem3A_480 : i32
    %scan3A_491 = arith.constant 2 : i32
    %scan3A_492 = arith.constant 0 : i32
    %scan3A_493 = arith.constant 64 : i32
    %scan3A_494 = arith.addi %scan3A_492, %scan3A_493 : i32
    %scan3A_495 = arith.constant 1 : i32
    scf.for %scan3A_702 = %scan3A_492 to %scan3A_494 step %scan3A_495  : i32 {
      %mul3A_703 = arith.constant 1 : i32
      %mul3A_704 = arith.muli %scan3A_702, %mul3A_703 : i32
      %add3A_705 = arith.constant 0 : i32
      %add3A_706 = arith.addi %add3A_705, %mul3A_704 : i32
      %mul3A_707 = arith.constant 16 : i32
      %mul3A_708 = arith.muli %add3A_706, %mul3A_707 : i32
      %get3A = arith.index_cast %mul3A_708 : i32 to index
      %get3A_709 = tpu.vector_load %arg7[%get3A] {strides = array<i32>} : memref<1024xf32, #tpu.memory_space<vmem>>, vector<16xf32>,
      %get3A_710 = vector.shape_cast %get3A_709 : vector<16xf32> to vector<16xf32>
      %parallel_loop3A = arith.constant 0 : i32
      %parallel_loop3A_711 = arith.constant 32 : i32
      %parallel_loop3A_712 = arith.constant 1 : i32
      scf.for %parallel_loop3A_713 = %parallel_loop3A to %parallel_loop3A_711 step %parallel_loop3A_712  : i32 {
        %parallel_loop3A_714 = arith.addi %select_n3A_490, %parallel_loop3A_713 : i32
        %parallel_loop3A_715 = arith.sitofp %parallel_loop3A_714 : i32 to f32
        %parallel_loop3A_716 = arith.constant 0 : i32
        %parallel_loop3A_717 = arith.constant 0 : i32
        %parallel_loop3A_718 = tpu.memref_slice %arg8[%scan3A_491, %parallel_loop3A_716, %parallel_loop3A_717] : memref<3x32x1024xf32, #tpu.memory_space<vmem>> -> memref<1x32x1024xf32, #tpu.memory_space<vmem>>
        %parallel_loop3A_719 = tpu.memref_squeeze %parallel_loop3A_718 : memref<1x32x1024xf32, #tpu.memory_space<vmem>> -> memref<32x1024xf32, #tpu.memory_space<vmem>>
        %parallel_loop3A_720 = arith.index_cast %parallel_loop3A_713 : i32 to index
        %parallel_loop3A_721 = arith.index_cast %mul3A_708 : i32 to index
        %parallel_loop3A_722 = tpu.vector_load %parallel_loop3A_719[%parallel_loop3A_720, %parallel_loop3A_721] {strides = array<i32>} : memref<32x1024xf32, #tpu.memory_space<vmem>>, vector<1x16xf32>,
        %parallel_loop3A_723 = vector.shape_cast %parallel_loop3A_722 : vector<1x16xf32> to vector<16xf32>
        %parallel_loop3A_724 = arith.constant 3.200000e+01 : f32
        %parallel_loop3A_725 = vector.broadcast %parallel_loop3A_724 : f32 to vector<16xf32>
        %parallel_loop3A_726 = arith.mulf %parallel_loop3A_723, %parallel_loop3A_725 : vector<16xf32>
        %parallel_loop3A_727 = vector.broadcast %parallel_loop3A_715 : f32 to vector<16xf32>
        %parallel_loop3A_728 = arith.mulf %parallel_loop3A_727, %get3A_710 : vector<16xf32>
        %parallel_loop3A_729 = arith.addf %parallel_loop3A_726, %parallel_loop3A_728 : vector<16xf32>
        %parallel_loop3A_730 = arith.constant 0 : i32
        %parallel_loop3A_731 = arith.constant 0 : i32
        %parallel_loop3A_732 = tpu.memref_slice %arg8[%scan3A_491, %parallel_loop3A_730, %parallel_loop3A_731] : memref<3x32x1024xf32, #tpu.memory_space<vmem>> -> memref<1x32x1024xf32, #tpu.memory_space<vmem>>
        %parallel_loop3A_733 = tpu.memref_squeeze %parallel_loop3A_732 : memref<1x32x1024xf32, #tpu.memory_space<vmem>> -> memref<32x1024xf32, #tpu.memory_space<vmem>>
        %parallel_loop3A_734 = arith.index_cast %parallel_loop3A_713 : i32 to index
        %parallel_loop3A_735 = arith.index_cast %mul3A_708 : i32 to index
        %parallel_loop3A_736 = tpu.vector_load %parallel_loop3A_733[%parallel_loop3A_734, %parallel_loop3A_735] {strides = array<i32>} : memref<32x1024xf32, #tpu.memory_space<vmem>>, vector<1x16xf32>,
        %parallel_loop3A_737 = vector.shape_cast %parallel_loop3A_736 : vector<1x16xf32> to vector<16xf32>
        %parallel_loop3A_738 = vector.shape_cast %parallel_loop3A_729 : vector<16xf32> to vector<1x16xf32>
        tpu.vector_store %parallel_loop3A_733[%parallel_loop3A_734, %parallel_loop3A_735], %parallel_loop3A_738 {strides = array<i32>} : memref<32x1024xf32, #tpu.memory_space<vmem>>, vector<1x16xf32>,
      } {sc.loop_unroll_factor = 8 : i64, sc.parallel_access}
    }
    %scan3A_496 = arith.constant 64 : i32
    %add3A_497 = arith.constant 160 : i32
    %add3A_498 = arith.addi %mul3A_2, %add3A_497 : i32
    %dma_start3A_499 = arith.constant 2 : i32
    %dma_start3A_500 = arith.constant 2 : i32
    %dma_start3A_501 = arith.constant 0 : i32
    %dma_start3A_502 = arith.constant 0 : i32
    %dma_start3A_503 = tpu.memref_slice %arg8[%dma_start3A_499, %dma_start3A_501, %dma_start3A_502] : memref<3x32x1024xf32, #tpu.memory_space<vmem>> -> memref<1x32x1024xf32, #tpu.memory_space<vmem>>
    %dma_start3A_504 = tpu.memref_squeeze %dma_start3A_503 : memref<1x32x1024xf32, #tpu.memory_space<vmem>> -> memref<32x1024xf32, #tpu.memory_space<vmem>>
    %dma_start3A_505 = arith.constant 0 : i32
    %dma_start3A_506 = tpu.memref_slice %arg5[%add3A_498, %dma_start3A_505] : memref<8192x1024xf32, #tpu.memory_space<hbm>> -> memref<32x1024xf32, #tpu.memory_space<hbm>>
    %dma_start3A_507 = tpu.memref_slice %arg10[%dma_start3A_500] : memref<3x!tpu.dma_semaphore, #tpu.memory_space<semaphore_mem>> -> memref<1x!tpu.dma_semaphore, #tpu.memory_space<semaphore_mem>>
    %dma_start3A_508 = tpu.memref_squeeze %dma_start3A_507 : memref<1x!tpu.dma_semaphore, #tpu.memory_space<semaphore_mem>> -> memref<!tpu.dma_semaphore, #tpu.memory_space<semaphore_mem>>
    %dma_start3A_509 = arith.constant 0 : i32
    %dma_start3A_510 = tpu.memref_slice %arg5[%add3A_498, %dma_start3A_509] : memref<8192x1024xf32, #tpu.memory_space<hbm>> -> memref<32x1024xf32, #tpu.memory_space<hbm>>
    %dma_start3A_511 = arith.constant 0 : i32
    %dma_start3A_512 = arith.constant 0 : i32
    %dma_start3A_513 = tpu.memref_slice %arg8[%dma_start3A_499, %dma_start3A_511, %dma_start3A_512] : memref<3x32x1024xf32, #tpu.memory_space<vmem>> -> memref<1x32x1024xf32, #tpu.memory_space<vmem>>
    %dma_start3A_514 = tpu.memref_squeeze %dma_start3A_513 : memref<1x32x1024xf32, #tpu.memory_space<vmem>> -> memref<32x1024xf32, #tpu.memory_space<vmem>>
    tpu.enqueue_dma source(%dma_start3A_514 : memref<32x1024xf32, #tpu.memory_space<vmem>>) target(%dma_start3A_510 : memref<32x1024xf32, #tpu.memory_space<hbm>>) target_semaphore(%dma_start3A_508 : memref<!tpu.dma_semaphore, #tpu.memory_space<semaphore_mem>>)
    %dma_wait3A_515 = arith.constant 1 : i32
    %dma_wait3A_516 = arith.constant 1 : i32
    %dma_wait3A_517 = arith.constant 0 : i32
    %dma_wait3A_518 = arith.constant 0 : i32
    %dma_wait3A_519 = tpu.memref_slice %arg8[%dma_wait3A_515, %dma_wait3A_517, %dma_wait3A_518] : memref<3x32x1024xf32, #tpu.memory_space<vmem>> -> memref<1x32x1024xf32, #tpu.memory_space<vmem>>
    %dma_wait3A_520 = tpu.memref_squeeze %dma_wait3A_519 : memref<1x32x1024xf32, #tpu.memory_space<vmem>> -> memref<32x1024xf32, #tpu.memory_space<vmem>>
    %dma_wait3A_521 = arith.constant 0 : i32
    %dma_wait3A_522 = tpu.memref_slice %arg5[%add3A_414, %dma_wait3A_521] : memref<8192x1024xf32, #tpu.memory_space<hbm>> -> memref<32x1024xf32, #tpu.memory_space<hbm>>
    %dma_wait3A_523 = tpu.memref_slice %arg10[%dma_wait3A_516] : memref<3x!tpu.dma_semaphore, #tpu.memory_space<semaphore_mem>> -> memref<1x!tpu.dma_semaphore, #tpu.memory_space<semaphore_mem>>
    %dma_wait3A_524 = tpu.memref_squeeze %dma_wait3A_523 : memref<1x!tpu.dma_semaphore, #tpu.memory_space<semaphore_mem>> -> memref<!tpu.dma_semaphore, #tpu.memory_space<semaphore_mem>>
    %dma_wait3A_525 = arith.constant 0 : i32
    %dma_wait3A_526 = tpu.memref_slice %arg5[%add3A_414, %dma_wait3A_525] : memref<8192x1024xf32, #tpu.memory_space<hbm>> -> memref<32x1024xf32, #tpu.memory_space<hbm>>
    %dma_wait3A_527 = arith.constant 0 : i32
    %dma_wait3A_528 = arith.constant 0 : i32
    %dma_wait3A_529 = tpu.memref_slice %arg8[%dma_wait3A_515, %dma_wait3A_527, %dma_wait3A_528] : memref<3x32x1024xf32, #tpu.memory_space<vmem>> -> memref<1x32x1024xf32, #tpu.memory_space<vmem>>
    %dma_wait3A_530 = tpu.memref_squeeze %dma_wait3A_529 : memref<1x32x1024xf32, #tpu.memory_space<vmem>> -> memref<32x1024xf32, #tpu.memory_space<vmem>>
    tpu.wait_dma2 semaphore(%dma_wait3A_524 : memref<!tpu.dma_semaphore, #tpu.memory_space<semaphore_mem>>) src(%dma_wait3A_530 : memref<32x1024xf32, #tpu.memory_space<vmem>>) dst(%dma_wait3A_526 : memref<32x1024xf32, #tpu.memory_space<hbm>>)
    %dma_start3A_531 = arith.constant 1 : i32
    %dma_start3A_532 = arith.constant 1 : i32
    %dma_start3A_533 = arith.constant 0 : i32
    %dma_start3A_534 = arith.constant 0 : i32
    %dma_start3A_535 = tpu.memref_slice %arg8[%dma_start3A_531, %dma_start3A_533, %dma_start3A_534] : memref<3x32x1024xf32, #tpu.memory_space<vmem>> -> memref<1x32x1024xf32, #tpu.memory_space<vmem>>
    %dma_start3A_536 = tpu.memref_squeeze %dma_start3A_535 : memref<1x32x1024xf32, #tpu.memory_space<vmem>> -> memref<32x1024xf32, #tpu.memory_space<vmem>>
    %dma_start3A_537 = arith.constant 224 : i32
    %dma_start3A_538 = tpu.memref_slice %arg6[%dma_start3A_537] : memref<256xi32, #tpu.memory_space<vmem>> -> memref<32xi32, #tpu.memory_space<vmem>>
    %dma_start3A_539 = arith.constant 0 : i32
    %dma_start3A_540 = arith.constant 0 : i32
    %dma_start3A_541 = tpu.memref_slice %arg2[%dma_start3A_539, %dma_start3A_540] : memref<100000x1024xf32, #tpu.memory_space<hbm>> -> memref<100000x1024xf32, #tpu.memory_space<hbm>>
    %dma_start3A_542 = tpu.memref_slice %arg9[%dma_start3A_532] : memref<3x!tpu.dma_semaphore, #tpu.memory_space<semaphore_mem>> -> memref<1x!tpu.dma_semaphore, #tpu.memory_space<semaphore_mem>>
    %dma_start3A_543 = tpu.memref_squeeze %dma_start3A_542 : memref<1x!tpu.dma_semaphore, #tpu.memory_space<semaphore_mem>> -> memref<!tpu.dma_semaphore, #tpu.memory_space<semaphore_mem>>
    tpu.enqueue_indirect_dma source(%dma_start3A_541 : memref<100000x1024xf32, #tpu.memory_space<hbm>>) target(%dma_start3A_536 : memref<32x1024xf32, #tpu.memory_space<vmem>>) offsets(%dma_start3A_538 : memref<32xi32, #tpu.memory_space<vmem>>) semaphore(%dma_start3A_543 : memref<!tpu.dma_semaphore, #tpu.memory_space<semaphore_mem>>)
    %dma_wait3A_544 = arith.constant 0 : i32
    %dma_wait3A_545 = arith.constant 0 : i32
    %dma_wait3A_546 = arith.constant 0 : i32
    %dma_wait3A_547 = arith.constant 0 : i32
    %dma_wait3A_548 = tpu.memref_slice %arg8[%dma_wait3A_544, %dma_wait3A_546, %dma_wait3A_547] : memref<3x32x1024xf32, #tpu.memory_space<vmem>> -> memref<1x32x1024xf32, #tpu.memory_space<vmem>>
    %dma_wait3A_549 = tpu.memref_squeeze %dma_wait3A_548 : memref<1x32x1024xf32, #tpu.memory_space<vmem>> -> memref<32x1024xf32, #tpu.memory_space<vmem>>
    %dma_wait3A_550 = arith.constant 192 : i32
    %dma_wait3A_551 = tpu.memref_slice %arg6[%dma_wait3A_550] : memref<256xi32, #tpu.memory_space<vmem>> -> memref<32xi32, #tpu.memory_space<vmem>>
    %dma_wait3A_552 = arith.constant 0 : i32
    %dma_wait3A_553 = arith.constant 0 : i32
    %dma_wait3A_554 = tpu.memref_slice %arg2[%dma_wait3A_552, %dma_wait3A_553] : memref<100000x1024xf32, #tpu.memory_space<hbm>> -> memref<100000x1024xf32, #tpu.memory_space<hbm>>
    %dma_wait3A_555 = tpu.memref_slice %arg9[%dma_wait3A_545] : memref<3x!tpu.dma_semaphore, #tpu.memory_space<semaphore_mem>> -> memref<1x!tpu.dma_semaphore, #tpu.memory_space<semaphore_mem>>
    %dma_wait3A_556 = tpu.memref_squeeze %dma_wait3A_555 : memref<1x!tpu.dma_semaphore, #tpu.memory_space<semaphore_mem>> -> memref<!tpu.dma_semaphore, #tpu.memory_space<semaphore_mem>>
    tpu.wait_indirect_dma semaphore(%dma_wait3A_556 : memref<!tpu.dma_semaphore, #tpu.memory_space<semaphore_mem>>) src(%dma_wait3A_554 : memref<100000x1024xf32, #tpu.memory_space<hbm>>) dst(%dma_wait3A_549 : memref<32x1024xf32, #tpu.memory_space<vmem>>)
    %add3A_557 = arith.constant 192 : i32
    %add3A_558 = arith.addi %mul3A_2, %add3A_557 : i32
    %jit3A_559 = arith.constant 2048 : i32
    %eq3A_560 = arith.constant 0 : i32
    %eq3A_561 = arith.cmpi eq, %jit3A_559, %eq3A_560 : i32
    %jit3A_562 = arith.constant 1 : i32
    %select_n3A_563 = arith.select %eq3A_561, %jit3A_562, %jit3A_559 : i32
    %rem3A_564 = arith.remsi %add3A_558, %select_n3A_563 : i32
    %ne3A_565 = arith.constant 0 : i32
    %ne3A_566 = arith.cmpi ne, %rem3A_564, %ne3A_565 : i32
    %lt3A_567 = arith.constant 0 : i32
    %lt3A_568 = arith.cmpi slt, %rem3A_564, %lt3A_567 : i32
    %lt3A_569 = arith.constant 0 : i32
    %lt3A_570 = arith.cmpi slt, %select_n3A_563, %lt3A_569 : i32
    %ne3A_571 = arith.xori %lt3A_568, %lt3A_570 : i1
    %and3A_572 = arith.andi %ne3A_571, %ne3A_566 : i1
    %add3A_573 = arith.addi %rem3A_564, %select_n3A_563 : i32
    %select_n3A_574 = arith.select %and3A_572, %add3A_573, %rem3A_564 : i32
    %scan3A_575 = arith.constant 0 : i32
    %scan3A_576 = arith.constant 0 : i32
    %scan3A_577 = arith.constant 64 : i32
    %scan3A_578 = arith.addi %scan3A_576, %scan3A_577 : i32
    %scan3A_579 = arith.constant 1 : i32
    scf.for %scan3A_702 = %scan3A_576 to %scan3A_578 step %scan3A_579  : i32 {
      %mul3A_703 = arith.constant 1 : i32
      %mul3A_704 = arith.muli %scan3A_702, %mul3A_703 : i32
      %add3A_705 = arith.constant 0 : i32
      %add3A_706 = arith.addi %add3A_705, %mul3A_704 : i32
      %mul3A_707 = arith.constant 16 : i32
      %mul3A_708 = arith.muli %add3A_706, %mul3A_707 : i32
      %get3A = arith.index_cast %mul3A_708 : i32 to index
      %get3A_709 = tpu.vector_load %arg7[%get3A] {strides = array<i32>} : memref<1024xf32, #tpu.memory_space<vmem>>, vector<16xf32>,
      %get3A_710 = vector.shape_cast %get3A_709 : vector<16xf32> to vector<16xf32>
      %parallel_loop3A = arith.constant 0 : i32
      %parallel_loop3A_711 = arith.constant 32 : i32
      %parallel_loop3A_712 = arith.constant 1 : i32
      scf.for %parallel_loop3A_713 = %parallel_loop3A to %parallel_loop3A_711 step %parallel_loop3A_712  : i32 {
        %parallel_loop3A_714 = arith.addi %select_n3A_574, %parallel_loop3A_713 : i32
        %parallel_loop3A_715 = arith.sitofp %parallel_loop3A_714 : i32 to f32
        %parallel_loop3A_716 = arith.constant 0 : i32
        %parallel_loop3A_717 = arith.constant 0 : i32
        %parallel_loop3A_718 = tpu.memref_slice %arg8[%scan3A_575, %parallel_loop3A_716, %parallel_loop3A_717] : memref<3x32x1024xf32, #tpu.memory_space<vmem>> -> memref<1x32x1024xf32, #tpu.memory_space<vmem>>
        %parallel_loop3A_719 = tpu.memref_squeeze %parallel_loop3A_718 : memref<1x32x1024xf32, #tpu.memory_space<vmem>> -> memref<32x1024xf32, #tpu.memory_space<vmem>>
        %parallel_loop3A_720 = arith.index_cast %parallel_loop3A_713 : i32 to index
        %parallel_loop3A_721 = arith.index_cast %mul3A_708 : i32 to index
        %parallel_loop3A_722 = tpu.vector_load %parallel_loop3A_719[%parallel_loop3A_720, %parallel_loop3A_721] {strides = array<i32>} : memref<32x1024xf32, #tpu.memory_space<vmem>>, vector<1x16xf32>,
        %parallel_loop3A_723 = vector.shape_cast %parallel_loop3A_722 : vector<1x16xf32> to vector<16xf32>
        %parallel_loop3A_724 = arith.constant 3.200000e+01 : f32
        %parallel_loop3A_725 = vector.broadcast %parallel_loop3A_724 : f32 to vector<16xf32>
        %parallel_loop3A_726 = arith.mulf %parallel_loop3A_723, %parallel_loop3A_725 : vector<16xf32>
        %parallel_loop3A_727 = vector.broadcast %parallel_loop3A_715 : f32 to vector<16xf32>
        %parallel_loop3A_728 = arith.mulf %parallel_loop3A_727, %get3A_710 : vector<16xf32>
        %parallel_loop3A_729 = arith.addf %parallel_loop3A_726, %parallel_loop3A_728 : vector<16xf32>
        %parallel_loop3A_730 = arith.constant 0 : i32
        %parallel_loop3A_731 = arith.constant 0 : i32
        %parallel_loop3A_732 = tpu.memref_slice %arg8[%scan3A_575, %parallel_loop3A_730, %parallel_loop3A_731] : memref<3x32x1024xf32, #tpu.memory_space<vmem>> -> memref<1x32x1024xf32, #tpu.memory_space<vmem>>
        %parallel_loop3A_733 = tpu.memref_squeeze %parallel_loop3A_732 : memref<1x32x1024xf32, #tpu.memory_space<vmem>> -> memref<32x1024xf32, #tpu.memory_space<vmem>>
        %parallel_loop3A_734 = arith.index_cast %parallel_loop3A_713 : i32 to index
        %parallel_loop3A_735 = arith.index_cast %mul3A_708 : i32 to index
        %parallel_loop3A_736 = tpu.vector_load %parallel_loop3A_733[%parallel_loop3A_734, %parallel_loop3A_735] {strides = array<i32>} : memref<32x1024xf32, #tpu.memory_space<vmem>>, vector<1x16xf32>,
        %parallel_loop3A_737 = vector.shape_cast %parallel_loop3A_736 : vector<1x16xf32> to vector<16xf32>
        %parallel_loop3A_738 = vector.shape_cast %parallel_loop3A_729 : vector<16xf32> to vector<1x16xf32>
        tpu.vector_store %parallel_loop3A_733[%parallel_loop3A_734, %parallel_loop3A_735], %parallel_loop3A_738 {strides = array<i32>} : memref<32x1024xf32, #tpu.memory_space<vmem>>, vector<1x16xf32>,
      } {sc.loop_unroll_factor = 8 : i64, sc.parallel_access}
    }
    %scan3A_580 = arith.constant 64 : i32
    %add3A_581 = arith.constant 192 : i32
    %add3A_582 = arith.addi %mul3A_2, %add3A_581 : i32
    %dma_start3A_583 = arith.constant 0 : i32
    %dma_start3A_584 = arith.constant 0 : i32
    %dma_start3A_585 = arith.constant 0 : i32
    %dma_start3A_586 = arith.constant 0 : i32
    %dma_start3A_587 = tpu.memref_slice %arg8[%dma_start3A_583, %dma_start3A_585, %dma_start3A_586] : memref<3x32x1024xf32, #tpu.memory_space<vmem>> -> memref<1x32x1024xf32, #tpu.memory_space<vmem>>
    %dma_start3A_588 = tpu.memref_squeeze %dma_start3A_587 : memref<1x32x1024xf32, #tpu.memory_space<vmem>> -> memref<32x1024xf32, #tpu.memory_space<vmem>>
    %dma_start3A_589 = arith.constant 0 : i32
    %dma_start3A_590 = tpu.memref_slice %arg5[%add3A_582, %dma_start3A_589] : memref<8192x1024xf32, #tpu.memory_space<hbm>> -> memref<32x1024xf32, #tpu.memory_space<hbm>>
    %dma_start3A_591 = tpu.memref_slice %arg10[%dma_start3A_584] : memref<3x!tpu.dma_semaphore, #tpu.memory_space<semaphore_mem>> -> memref<1x!tpu.dma_semaphore, #tpu.memory_space<semaphore_mem>>
    %dma_start3A_592 = tpu.memref_squeeze %dma_start3A_591 : memref<1x!tpu.dma_semaphore, #tpu.memory_space<semaphore_mem>> -> memref<!tpu.dma_semaphore, #tpu.memory_space<semaphore_mem>>
    %dma_start3A_593 = arith.constant 0 : i32
    %dma_start3A_594 = tpu.memref_slice %arg5[%add3A_582, %dma_start3A_593] : memref<8192x1024xf32, #tpu.memory_space<hbm>> -> memref<32x1024xf32, #tpu.memory_space<hbm>>
    %dma_start3A_595 = arith.constant 0 : i32
    %dma_start3A_596 = arith.constant 0 : i32
    %dma_start3A_597 = tpu.memref_slice %arg8[%dma_start3A_583, %dma_start3A_595, %dma_start3A_596] : memref<3x32x1024xf32, #tpu.memory_space<vmem>> -> memref<1x32x1024xf32, #tpu.memory_space<vmem>>
    %dma_start3A_598 = tpu.memref_squeeze %dma_start3A_597 : memref<1x32x1024xf32, #tpu.memory_space<vmem>> -> memref<32x1024xf32, #tpu.memory_space<vmem>>
    tpu.enqueue_dma source(%dma_start3A_598 : memref<32x1024xf32, #tpu.memory_space<vmem>>) target(%dma_start3A_594 : memref<32x1024xf32, #tpu.memory_space<hbm>>) target_semaphore(%dma_start3A_592 : memref<!tpu.dma_semaphore, #tpu.memory_space<semaphore_mem>>)
    %dma_wait3A_599 = arith.constant 1 : i32
    %dma_wait3A_600 = arith.constant 1 : i32
    %dma_wait3A_601 = arith.constant 0 : i32
    %dma_wait3A_602 = arith.constant 0 : i32
    %dma_wait3A_603 = tpu.memref_slice %arg8[%dma_wait3A_599, %dma_wait3A_601, %dma_wait3A_602] : memref<3x32x1024xf32, #tpu.memory_space<vmem>> -> memref<1x32x1024xf32, #tpu.memory_space<vmem>>
    %dma_wait3A_604 = tpu.memref_squeeze %dma_wait3A_603 : memref<1x32x1024xf32, #tpu.memory_space<vmem>> -> memref<32x1024xf32, #tpu.memory_space<vmem>>
    %dma_wait3A_605 = arith.constant 224 : i32
    %dma_wait3A_606 = tpu.memref_slice %arg6[%dma_wait3A_605] : memref<256xi32, #tpu.memory_space<vmem>> -> memref<32xi32, #tpu.memory_space<vmem>>
    %dma_wait3A_607 = arith.constant 0 : i32
    %dma_wait3A_608 = arith.constant 0 : i32
    %dma_wait3A_609 = tpu.memref_slice %arg2[%dma_wait3A_607, %dma_wait3A_608] : memref<100000x1024xf32, #tpu.memory_space<hbm>> -> memref<100000x1024xf32, #tpu.memory_space<hbm>>
    %dma_wait3A_610 = tpu.memref_slice %arg9[%dma_wait3A_600] : memref<3x!tpu.dma_semaphore, #tpu.memory_space<semaphore_mem>> -> memref<1x!tpu.dma_semaphore, #tpu.memory_space<semaphore_mem>>
    %dma_wait3A_611 = tpu.memref_squeeze %dma_wait3A_610 : memref<1x!tpu.dma_semaphore, #tpu.memory_space<semaphore_mem>> -> memref<!tpu.dma_semaphore, #tpu.memory_space<semaphore_mem>>
    tpu.wait_indirect_dma semaphore(%dma_wait3A_611 : memref<!tpu.dma_semaphore, #tpu.memory_space<semaphore_mem>>) src(%dma_wait3A_609 : memref<100000x1024xf32, #tpu.memory_space<hbm>>) dst(%dma_wait3A_604 : memref<32x1024xf32, #tpu.memory_space<vmem>>)
    %add3A_612 = arith.constant 224 : i32
    %add3A_613 = arith.addi %mul3A_2, %add3A_612 : i32
    %jit3A_614 = arith.constant 2048 : i32
    %eq3A_615 = arith.constant 0 : i32
    %eq3A_616 = arith.cmpi eq, %jit3A_614, %eq3A_615 : i32
    %jit3A_617 = arith.constant 1 : i32
    %select_n3A_618 = arith.select %eq3A_616, %jit3A_617, %jit3A_614 : i32
    %rem3A_619 = arith.remsi %add3A_613, %select_n3A_618 : i32
    %ne3A_620 = arith.constant 0 : i32
    %ne3A_621 = arith.cmpi ne, %rem3A_619, %ne3A_620 : i32
    %lt3A_622 = arith.constant 0 : i32
    %lt3A_623 = arith.cmpi slt, %rem3A_619, %lt3A_622 : i32
    %lt3A_624 = arith.constant 0 : i32
    %lt3A_625 = arith.cmpi slt, %select_n3A_618, %lt3A_624 : i32
    %ne3A_626 = arith.xori %lt3A_623, %lt3A_625 : i1
    %and3A_627 = arith.andi %ne3A_626, %ne3A_621 : i1
    %add3A_628 = arith.addi %rem3A_619, %select_n3A_618 : i32
    %select_n3A_629 = arith.select %and3A_627, %add3A_628, %rem3A_619 : i32
    %scan3A_630 = arith.constant 1 : i32
    %scan3A_631 = arith.constant 0 : i32
    %scan3A_632 = arith.constant 64 : i32
    %scan3A_633 = arith.addi %scan3A_631, %scan3A_632 : i32
    %scan3A_634 = arith.constant 1 : i32
    scf.for %scan3A_702 = %scan3A_631 to %scan3A_633 step %scan3A_634  : i32 {
      %mul3A_703 = arith.constant 1 : i32
      %mul3A_704 = arith.muli %scan3A_702, %mul3A_703 : i32
      %add3A_705 = arith.constant 0 : i32
      %add3A_706 = arith.addi %add3A_705, %mul3A_704 : i32
      %mul3A_707 = arith.constant 16 : i32
      %mul3A_708 = arith.muli %add3A_706, %mul3A_707 : i32
      %get3A = arith.index_cast %mul3A_708 : i32 to index
      %get3A_709 = tpu.vector_load %arg7[%get3A] {strides = array<i32>} : memref<1024xf32, #tpu.memory_space<vmem>>, vector<16xf32>,
      %get3A_710 = vector.shape_cast %get3A_709 : vector<16xf32> to vector<16xf32>
      %parallel_loop3A = arith.constant 0 : i32
      %parallel_loop3A_711 = arith.constant 32 : i32
      %parallel_loop3A_712 = arith.constant 1 : i32
      scf.for %parallel_loop3A_713 = %parallel_loop3A to %parallel_loop3A_711 step %parallel_loop3A_712  : i32 {
        %parallel_loop3A_714 = arith.addi %select_n3A_629, %parallel_loop3A_713 : i32
        %parallel_loop3A_715 = arith.sitofp %parallel_loop3A_714 : i32 to f32
        %parallel_loop3A_716 = arith.constant 0 : i32
        %parallel_loop3A_717 = arith.constant 0 : i32
        %parallel_loop3A_718 = tpu.memref_slice %arg8[%scan3A_630, %parallel_loop3A_716, %parallel_loop3A_717] : memref<3x32x1024xf32, #tpu.memory_space<vmem>> -> memref<1x32x1024xf32, #tpu.memory_space<vmem>>
        %parallel_loop3A_719 = tpu.memref_squeeze %parallel_loop3A_718 : memref<1x32x1024xf32, #tpu.memory_space<vmem>> -> memref<32x1024xf32, #tpu.memory_space<vmem>>
        %parallel_loop3A_720 = arith.index_cast %parallel_loop3A_713 : i32 to index
        %parallel_loop3A_721 = arith.index_cast %mul3A_708 : i32 to index
        %parallel_loop3A_722 = tpu.vector_load %parallel_loop3A_719[%parallel_loop3A_720, %parallel_loop3A_721] {strides = array<i32>} : memref<32x1024xf32, #tpu.memory_space<vmem>>, vector<1x16xf32>,
        %parallel_loop3A_723 = vector.shape_cast %parallel_loop3A_722 : vector<1x16xf32> to vector<16xf32>
        %parallel_loop3A_724 = arith.constant 3.200000e+01 : f32
        %parallel_loop3A_725 = vector.broadcast %parallel_loop3A_724 : f32 to vector<16xf32>
        %parallel_loop3A_726 = arith.mulf %parallel_loop3A_723, %parallel_loop3A_725 : vector<16xf32>
        %parallel_loop3A_727 = vector.broadcast %parallel_loop3A_715 : f32 to vector<16xf32>
        %parallel_loop3A_728 = arith.mulf %parallel_loop3A_727, %get3A_710 : vector<16xf32>
        %parallel_loop3A_729 = arith.addf %parallel_loop3A_726, %parallel_loop3A_728 : vector<16xf32>
        %parallel_loop3A_730 = arith.constant 0 : i32
        %parallel_loop3A_731 = arith.constant 0 : i32
        %parallel_loop3A_732 = tpu.memref_slice %arg8[%scan3A_630, %parallel_loop3A_730, %parallel_loop3A_731] : memref<3x32x1024xf32, #tpu.memory_space<vmem>> -> memref<1x32x1024xf32, #tpu.memory_space<vmem>>
        %parallel_loop3A_733 = tpu.memref_squeeze %parallel_loop3A_732 : memref<1x32x1024xf32, #tpu.memory_space<vmem>> -> memref<32x1024xf32, #tpu.memory_space<vmem>>
        %parallel_loop3A_734 = arith.index_cast %parallel_loop3A_713 : i32 to index
        %parallel_loop3A_735 = arith.index_cast %mul3A_708 : i32 to index
        %parallel_loop3A_736 = tpu.vector_load %parallel_loop3A_733[%parallel_loop3A_734, %parallel_loop3A_735] {strides = array<i32>} : memref<32x1024xf32, #tpu.memory_space<vmem>>, vector<1x16xf32>,
        %parallel_loop3A_737 = vector.shape_cast %parallel_loop3A_736 : vector<1x16xf32> to vector<16xf32>
        %parallel_loop3A_738 = vector.shape_cast %parallel_loop3A_729 : vector<16xf32> to vector<1x16xf32>
        tpu.vector_store %parallel_loop3A_733[%parallel_loop3A_734, %parallel_loop3A_735], %parallel_loop3A_738 {strides = array<i32>} : memref<32x1024xf32, #tpu.memory_space<vmem>>, vector<1x16xf32>,
      } {sc.loop_unroll_factor = 8 : i64, sc.parallel_access}
    }
    %scan3A_635 = arith.constant 64 : i32
    %add3A_636 = arith.constant 224 : i32
    %add3A_637 = arith.addi %mul3A_2, %add3A_636 : i32
    %dma_start3A_638 = arith.constant 1 : i32
    %dma_start3A_639 = arith.constant 1 : i32
    %dma_start3A_640 = arith.constant 0 : i32
    %dma_start3A_641 = arith.constant 0 : i32
    %dma_start3A_642 = tpu.memref_slice %arg8[%dma_start3A_638, %dma_start3A_640, %dma_start3A_641] : memref<3x32x1024xf32, #tpu.memory_space<vmem>> -> memref<1x32x1024xf32, #tpu.memory_space<vmem>>
    %dma_start3A_643 = tpu.memref_squeeze %dma_start3A_642 : memref<1x32x1024xf32, #tpu.memory_space<vmem>> -> memref<32x1024xf32, #tpu.memory_space<vmem>>
    %dma_start3A_644 = arith.constant 0 : i32
    %dma_start3A_645 = tpu.memref_slice %arg5[%add3A_637, %dma_start3A_644] : memref<8192x1024xf32, #tpu.memory_space<hbm>> -> memref<32x1024xf32, #tpu.memory_space<hbm>>
    %dma_start3A_646 = tpu.memref_slice %arg10[%dma_start3A_639] : memref<3x!tpu.dma_semaphore, #tpu.memory_space<semaphore_mem>> -> memref<1x!tpu.dma_semaphore, #tpu.memory_space<semaphore_mem>>
    %dma_start3A_647 = tpu.memref_squeeze %dma_start3A_646 : memref<1x!tpu.dma_semaphore, #tpu.memory_space<semaphore_mem>> -> memref<!tpu.dma_semaphore, #tpu.memory_space<semaphore_mem>>
    %dma_start3A_648 = arith.constant 0 : i32
    %dma_start3A_649 = tpu.memref_slice %arg5[%add3A_637, %dma_start3A_648] : memref<8192x1024xf32, #tpu.memory_space<hbm>> -> memref<32x1024xf32, #tpu.memory_space<hbm>>
    %dma_start3A_650 = arith.constant 0 : i32
    %dma_start3A_651 = arith.constant 0 : i32
    %dma_start3A_652 = tpu.memref_slice %arg8[%dma_start3A_638, %dma_start3A_650, %dma_start3A_651] : memref<3x32x1024xf32, #tpu.memory_space<vmem>> -> memref<1x32x1024xf32, #tpu.memory_space<vmem>>
    %dma_start3A_653 = tpu.memref_squeeze %dma_start3A_652 : memref<1x32x1024xf32, #tpu.memory_space<vmem>> -> memref<32x1024xf32, #tpu.memory_space<vmem>>
    tpu.enqueue_dma source(%dma_start3A_653 : memref<32x1024xf32, #tpu.memory_space<vmem>>) target(%dma_start3A_649 : memref<32x1024xf32, #tpu.memory_space<hbm>>) target_semaphore(%dma_start3A_647 : memref<!tpu.dma_semaphore, #tpu.memory_space<semaphore_mem>>)
    %dma_wait3A_654 = arith.constant 2 : i32
    %dma_wait3A_655 = arith.constant 2 : i32
    %dma_wait3A_656 = arith.constant 0 : i32
    %dma_wait3A_657 = arith.constant 0 : i32
    %dma_wait3A_658 = tpu.memref_slice %arg8[%dma_wait3A_654, %dma_wait3A_656, %dma_wait3A_657] : memref<3x32x1024xf32, #tpu.memory_space<vmem>> -> memref<1x32x1024xf32, #tpu.memory_space<vmem>>
    %dma_wait3A_659 = tpu.memref_squeeze %dma_wait3A_658 : memref<1x32x1024xf32, #tpu.memory_space<vmem>> -> memref<32x1024xf32, #tpu.memory_space<vmem>>
    %dma_wait3A_660 = arith.constant 0 : i32
    %dma_wait3A_661 = tpu.memref_slice %arg5[%add3A_498, %dma_wait3A_660] : memref<8192x1024xf32, #tpu.memory_space<hbm>> -> memref<32x1024xf32, #tpu.memory_space<hbm>>
    %dma_wait3A_662 = tpu.memref_slice %arg10[%dma_wait3A_655] : memref<3x!tpu.dma_semaphore, #tpu.memory_space<semaphore_mem>> -> memref<1x!tpu.dma_semaphore, #tpu.memory_space<semaphore_mem>>
    %dma_wait3A_663 = tpu.memref_squeeze %dma_wait3A_662 : memref<1x!tpu.dma_semaphore, #tpu.memory_space<semaphore_mem>> -> memref<!tpu.dma_semaphore, #tpu.memory_space<semaphore_mem>>
    %dma_wait3A_664 = arith.constant 0 : i32
    %dma_wait3A_665 = tpu.memref_slice %arg5[%add3A_498, %dma_wait3A_664] : memref<8192x1024xf32, #tpu.memory_space<hbm>> -> memref<32x1024xf32, #tpu.memory_space<hbm>>
    %dma_wait3A_666 = arith.constant 0 : i32
    %dma_wait3A_667 = arith.constant 0 : i32
    %dma_wait3A_668 = tpu.memref_slice %arg8[%dma_wait3A_654, %dma_wait3A_666, %dma_wait3A_667] : memref<3x32x1024xf32, #tpu.memory_space<vmem>> -> memref<1x32x1024xf32, #tpu.memory_space<vmem>>
    %dma_wait3A_669 = tpu.memref_squeeze %dma_wait3A_668 : memref<1x32x1024xf32, #tpu.memory_space<vmem>> -> memref<32x1024xf32, #tpu.memory_space<vmem>>
    tpu.wait_dma2 semaphore(%dma_wait3A_663 : memref<!tpu.dma_semaphore, #tpu.memory_space<semaphore_mem>>) src(%dma_wait3A_669 : memref<32x1024xf32, #tpu.memory_space<vmem>>) dst(%dma_wait3A_665 : memref<32x1024xf32, #tpu.memory_space<hbm>>)
    %dma_wait3A_670 = arith.constant 0 : i32
    %dma_wait3A_671 = arith.constant 0 : i32
    %dma_wait3A_672 = arith.constant 0 : i32
    %dma_wait3A_673 = arith.constant 0 : i32
    %dma_wait3A_674 = tpu.memref_slice %arg8[%dma_wait3A_670, %dma_wait3A_672, %dma_wait3A_673] : memref<3x32x1024xf32, #tpu.memory_space<vmem>> -> memref<1x32x1024xf32, #tpu.memory_space<vmem>>
    %dma_wait3A_675 = tpu.memref_squeeze %dma_wait3A_674 : memref<1x32x1024xf32, #tpu.memory_space<vmem>> -> memref<32x1024xf32, #tpu.memory_space<vmem>>
    %dma_wait3A_676 = arith.constant 0 : i32
    %dma_wait3A_677 = tpu.memref_slice %arg5[%add3A_582, %dma_wait3A_676] : memref<8192x1024xf32, #tpu.memory_space<hbm>> -> memref<32x1024xf32, #tpu.memory_space<hbm>>
    %dma_wait3A_678 = tpu.memref_slice %arg10[%dma_wait3A_671] : memref<3x!tpu.dma_semaphore, #tpu.memory_space<semaphore_mem>> -> memref<1x!tpu.dma_semaphore, #tpu.memory_space<semaphore_mem>>
    %dma_wait3A_679 = tpu.memref_squeeze %dma_wait3A_678 : memref<1x!tpu.dma_semaphore, #tpu.memory_space<semaphore_mem>> -> memref<!tpu.dma_semaphore, #tpu.memory_space<semaphore_mem>>
    %dma_wait3A_680 = arith.constant 0 : i32
    %dma_wait3A_681 = tpu.memref_slice %arg5[%add3A_582, %dma_wait3A_680] : memref<8192x1024xf32, #tpu.memory_space<hbm>> -> memref<32x1024xf32, #tpu.memory_space<hbm>>
    %dma_wait3A_682 = arith.constant 0 : i32
    %dma_wait3A_683 = arith.constant 0 : i32
    %dma_wait3A_684 = tpu.memref_slice %arg8[%dma_wait3A_670, %dma_wait3A_682, %dma_wait3A_683] : memref<3x32x1024xf32, #tpu.memory_space<vmem>> -> memref<1x32x1024xf32, #tpu.memory_space<vmem>>
    %dma_wait3A_685 = tpu.memref_squeeze %dma_wait3A_684 : memref<1x32x1024xf32, #tpu.memory_space<vmem>> -> memref<32x1024xf32, #tpu.memory_space<vmem>>
    tpu.wait_dma2 semaphore(%dma_wait3A_679 : memref<!tpu.dma_semaphore, #tpu.memory_space<semaphore_mem>>) src(%dma_wait3A_685 : memref<32x1024xf32, #tpu.memory_space<vmem>>) dst(%dma_wait3A_681 : memref<32x1024xf32, #tpu.memory_space<hbm>>)
    %dma_wait3A_686 = arith.constant 1 : i32
    %dma_wait3A_687 = arith.constant 1 : i32
    %dma_wait3A_688 = arith.constant 0 : i32
    %dma_wait3A_689 = arith.constant 0 : i32
    %dma_wait3A_690 = tpu.memref_slice %arg8[%dma_wait3A_686, %dma_wait3A_688, %dma_wait3A_689] : memref<3x32x1024xf32, #tpu.memory_space<vmem>> -> memref<1x32x1024xf32, #tpu.memory_space<vmem>>
    %dma_wait3A_691 = tpu.memref_squeeze %dma_wait3A_690 : memref<1x32x1024xf32, #tpu.memory_space<vmem>> -> memref<32x1024xf32, #tpu.memory_space<vmem>>
    %dma_wait3A_692 = arith.constant 0 : i32
    %dma_wait3A_693 = tpu.memref_slice %arg5[%add3A_637, %dma_wait3A_692] : memref<8192x1024xf32, #tpu.memory_space<hbm>> -> memref<32x1024xf32, #tpu.memory_space<hbm>>
    %dma_wait3A_694 = tpu.memref_slice %arg10[%dma_wait3A_687] : memref<3x!tpu.dma_semaphore, #tpu.memory_space<semaphore_mem>> -> memref<1x!tpu.dma_semaphore, #tpu.memory_space<semaphore_mem>>
    %dma_wait3A_695 = tpu.memref_squeeze %dma_wait3A_694 : memref<1x!tpu.dma_semaphore, #tpu.memory_space<semaphore_mem>> -> memref<!tpu.dma_semaphore, #tpu.memory_space<semaphore_mem>>
    %dma_wait3A_696 = arith.constant 0 : i32
    %dma_wait3A_697 = tpu.memref_slice %arg5[%add3A_637, %dma_wait3A_696] : memref<8192x1024xf32, #tpu.memory_space<hbm>> -> memref<32x1024xf32, #tpu.memory_space<hbm>>
    %dma_wait3A_698 = arith.constant 0 : i32
    %dma_wait3A_699 = arith.constant 0 : i32
    %dma_wait3A_700 = tpu.memref_slice %arg8[%dma_wait3A_686, %dma_wait3A_698, %dma_wait3A_699] : memref<3x32x1024xf32, #tpu.memory_space<vmem>> -> memref<1x32x1024xf32, #tpu.memory_space<vmem>>
    %dma_wait3A_701 = tpu.memref_squeeze %dma_wait3A_700 : memref<1x32x1024xf32, #tpu.memory_space<vmem>> -> memref<32x1024xf32, #tpu.memory_space<vmem>>
    tpu.wait_dma2 semaphore(%dma_wait3A_695 : memref<!tpu.dma_semaphore, #tpu.memory_space<semaphore_mem>>) src(%dma_wait3A_701 : memref<32x1024xf32, #tpu.memory_space<vmem>>) dst(%dma_wait3A_697 : memref<32x1024xf32, #tpu.memory_space<hbm>>)
    return
  }
}

</mosaic_0001>

<sc_bundles>
// kernel: kernel.3.cloned.1.call-start
scs
__scs_entry_jumppad:
0x0: {  	(pc) =	sbr.rel $0x88, $3  }
0x1: {  	(tag) =	ssettag $0x0;
	lr =	simm.s32 $0x1  }
0x2: {  	[smem:$0x3F9F] =	sst lr;
	_ =	strace $0xD0000000  }
0x3: {  	_ = 	snop  }
0x4: {  	_ = 	snop  }
0x5: {  	_ = 	snop  }
0x6: {  	_ = 	snop  }
0x7: {  	_ = 	snop  }
__scs_overlays_trampoline_lowered:
0x8: {  	[smem:$0x3FAE] =	sst s0  }
0x9: {  	[smem:$0x3FAF] =	sst s1  }
0xa: {  	[smem:$0x3FB0] =	sst s2  }
0xb: {  	[smem:$0x3FB1] =	sst s3  }
0xc: {  	[smem:$0x3FB2] =	sst s4  }
0xd: {  	[smem:$0x3FB3] =	sst s5  }
0xe: {  	[smem:$0x3FB4] =	sst s6  }
0xf: {  	[smem:$0x3FB5] =	sst s7  }
0x10: {  	[smem:$0x3FB6] =	sst s8  }
0x11: {  	[smem:$0x3FB7] =	sst s9;
	s0 =	simm.s32 @!p0 $0x0  }
0x12: {  	s1 =	sld [smem:$0x3F9D];
	s0 =	simm.s32 @p0 $0x1  }
0x13: {  	[smem:$0x3FB8] =	sst s0;
	s0 =	simm.s32 @!p1 $0x0  }
0x14: {  	s2 =	sld [smem:$0x3F9C];
	s0 =	simm.s32 @p1 $0x1  }
0x15: {  	[smem:$0x3FB9] =	sst s0;
	s0 =	simm.s32 @!p2 $0x0  }
0x16: {  	s3 =	sld [smem:$0x3FDB];
	s0 =	simm.s32 @p2 $0x1  }
0x17: {  	s4 =	simm.s32 $0x1BF5;
	[smem:$0x3FBB] =	sst s0  }
0x18: {  	s0 =	sld [smem:$0x3F9E];
	_ =	swait.ge [sflag:s4], $0x0  }
0x19: {  	s7 =	sld [smem:$0x3F9F]  }
0x1a: {  	s8 =	sadd.s32 $0xFFFFE003, lr  }
0x1b: {  	s9 =	sadd.s32 $0xFFFFFEF7, lr;
	s5 =	simm.s32 $0xFFFFFFFF;
	p2 =	slt.u32 s8, $0xFFFFF086  }
0x1c: {  	p1 =	slt.u32 s9, $0xF7A;
	s5 =	simm.s32 @!p2 $0x0  }
0x1d: {  	s5 =	simm.s32 @p1 $0x1;
	p0 =	seq.s32 s7, s2  }
0x1e: {  	s7 =	smul.u32 @!p0 $0xF7A, s2;
	p2 =	seq.s32 @!p0 s5, $0x0  }
0x1f: {  	s9 =	smul.u32 $0xF7A, s1;
	s8 =	simm.s32 @!p0 $0x1BF5;
	p2 =	por !p2, p0  }
0x20: {  	[sflag:s8] =	ssyncset.s32 @!p0 $0xFFFFF086;
	s6 =	sadd.s32 @!p0 s3, s7;
	s7 =	simm.s32 @!p0 $0x108  }
0x21: {  	s3 =	sadd.s32 s3, s9;
	s6 =	sadd.s32 @!p0 $0x88, s6;
	s7 =	simm.s32 @p2 $0x1082  }
0x22: {  	[simem:s7], [sflag:s8] =	dma.local @!p0 [hbm:s6], $0xF7A  }
0x23: {  	s9 =	sor.u32 $0xD0000000, s2;
	s6 =	simm.s32 $0x108;
	_ =	swait.ge @!p0 [sflag:s8], $0x0  }
0x24: {  	s3 =	sadd.s32 $0x88, s3;
	s6 =	simm.s32 @!p1 $0x1082;
	[sflag:s4] =	ssyncset.s32 $0xFFFFF086  }
0x25: {  	[simem:s6], [sflag:s4] =	dma.local [hbm:s3], $0xF7A  }
0x26: {  	[smem:$0x3F9F] =	sst s1;
	(tag) =	ssettag s2;
	_ =	strace s9  }
0x27: {  	s1 =	sld [smem:$0x3FAF]  }
0x28: {  	s2 =	sld [smem:$0x3FB0]  }
0x29: {  	s4 =	sld [smem:$0x3FB2]  }
0x2a: {  	p0 =	seq.s32 s5, $0x0;
	s5 =	sld [smem:$0x3FB3]  }
0x2b: {  	s6 =	sld [smem:$0x3FB4]  }
0x2c: {  	s7 =	sld [smem:$0x3FB5]  }
0x2d: {  	s3 =	simm.s32 $0x108;
	s8 =	sld [smem:$0x3FB6]  }
0x2e: {  	s3 =	simm.s32 @!p0 $0x1082;
	s9 =	sld [smem:$0x3FB7]  }
0x2f: {  	lr =	sadd.s32 s0, s3;
	s0 =	sld [smem:$0x3FAE]  }
0x30: {  	s3 =	sld [smem:$0x3FB1]  }
0x31: {  	[smem:$0x3FBA] =	sst s10  }
0x32: {  	s10 =	sld [smem:$0x3FB8];
	_ =	sdelay $0x3  }
0x33: {  	p0 =	seq.s32 s10, $0x1;
	s10 =	sld [smem:$0x3FBA];
	_ =	sdelay $0x3  }
0x34: {  	[smem:$0x3FBA] =	sst s10  }
0x35: {  	s10 =	sld [smem:$0x3FB9];
	_ =	sdelay $0x3  }
0x36: {  	p1 =	seq.s32 s10, $0x1;
	s10 =	sld [smem:$0x3FBA];
	_ =	sdelay $0x3  }
0x37: {  	[smem:$0x3FBA] =	sst s10  }
0x38: {  	s10 =	sld [smem:$0x3FBB]  }
0x39: {  	_ = 	snop;
	(pc) =	sbr.ind lr, $3  }
0x3a: {  	_ = 	snop  }
0x3b: {  	_ = 	snop  }
0x3c: {  	p2 =	seq.s32 s10, $0x1;
	s10 =	sld [smem:$0x3FBA]  }
0x3d: {  	_ =	shalt  }
0x3e: {  	_ =	shalt  }
0x3f: {  	_ =	shalt  }
0x40: {  	_ =	shalt  }
0x41: {  	_ =	shalt  }
0x42: {  	_ =	shalt  }
0x43: {  	_ =	shalt  }
0x44: {  	_ =	shalt  }
0x45: {  	_ =	shalt  }
0x46: {  	_ =	shalt  }
0x47: {  	_ =	shalt  }
0x48: {  	_ =	shalt  }
0x49: {  	_ =	shalt  }
0x4a: {  	_ =	shalt  }
0x4b: {  	_ =	shalt  }
0x4c: {  	_ =	shalt  }
0x4d: {  	_ =	shalt  }
0x4e: {  	_ =	shalt  }
0x4f: {  	_ =	shalt  }
0x50: {  	_ =	shalt  }
0x51: {  	_ =	shalt  }
0x52: {  	_ =	shalt  }
0x53: {  	_ =	shalt  }
0x54: {  	_ =	shalt  }
0x55: {  	_ =	shalt  }
0x56: {  	_ =	shalt  }
0x57: {  	_ =	shalt  }
0x58: {  	_ =	shalt  }
0x59: {  	_ =	shalt  }
0x5a: {  	_ =	shalt  }
0x5b: {  	_ =	shalt  }
0x5c: {  	_ =	shalt  }
0x5d: {  	_ =	shalt  }
0x5e: {  	_ =	shalt  }
0x5f: {  	_ =	shalt  }
0x60: {  	_ =	shalt  }
0x61: {  	_ =	shalt  }
0x62: {  	_ =	shalt  }
0x63: {  	_ =	shalt  }
0x64: {  	_ =	shalt  }
0x65: {  	_ =	shalt  }
0x66: {  	_ =	shalt  }
0x67: {  	_ =	shalt  }
0x68: {  	_ =	shalt  }
0x69: {  	_ =	shalt  }
0x6a: {  	_ =	shalt  }
0x6b: {  	_ =	shalt  }
0x6c: {  	_ =	shalt  }
0x6d: {  	_ =	shalt  }
0x6e: {  	_ =	shalt  }
0x6f: {  	_ =	shalt  }
0x70: {  	_ =	shalt  }
0x71: {  	_ =	shalt  }
0x72: {  	_ =	shalt  }
0x73: {  	_ =	shalt  }
0x74: {  	_ =	shalt  }
0x75: {  	_ =	shalt  }
0x76: {  	_ =	shalt  }
0x77: {  	_ =	shalt  }
0x78: {  	_ =	shalt  }
0x79: {  	_ =	shalt  }
0x7a: {  	_ =	shalt  }
0x7b: {  	_ =	shalt  }
0x7c: {  	_ =	shalt  }
0x7d: {  	_ =	shalt  }
0x7e: {  	_ =	shalt  }
0x7f: {  	_ =	shalt  }
0x80: {  	_ =	shalt  }
0x81: {  	_ =	shalt  }
0x82: {  	_ =	shalt  }
0x83: {  	_ =	shalt  }
0x84: {  	_ =	shalt  }
0x85: {  	_ =	shalt  }
0x86: {  	_ =	shalt  }
0x87: {  	_ =	shalt  }
.Lfunc_end0:
.L_simem_size_0:
called_computation_lowered:
.L_overlay_start_0:
0x88: {  	s2 =	sld [smem:$0x3FD9]  }
0x89: {  	s3 =	sld [smem:$0x3FFE];
	_ =	sdelay $0x1  }
0x8a: {  	s1 =	srdreg.scid  }
0x8b: {  	s0 =	sand.u32 $0x1, s1  }
0x8c: {  	s17 =	sshll.u32 s0, $0xA;
	s2 =	sadd.s32 s3, s2  }
0x8d: {  	s2 =	sadd.s32 s2, s17  }
0x8e: {  	[smem:$0x3FC6] =	sst s2  }
0x8f: {  	_ = 	snop  }
0x90: {  	s2 =	sld [smem:$0x3FC9]  }
0x91: {  	s18 =	sld [smem:$0x3FC8]  }
0x92: {  	s4 =	sld [smem:$0x3FD0];
	(tm) =	ssettm $0x1  }
0x93: {  	s5 =	sld [smem:$0x3FFB];
	_ =	sdelay $0x3  }
0x94: {  	_ =	strace s5  }
0x95: {  	s5 =	sld [smem:$0x3FFC];
	_ =	sdelay $0x3  }
0x96: {  	_ =	strace s5  }
0x97: {  	s5 =	sld [smem:$0x3FFD];
	_ =	sdelay $0x3  }
0x98: {  	_ =	strace s5  }
0x99: {  	_ =	strace $0x8FFFFFFF  }
0x9a: {  	s19 =	sld [smem:$0x3FDB];
	_ =	sdelay $0x1  }
0x9b: {  	s6 =	simm.s32 $_scs_section_size  }
0x9c: {  	s7 =	simm.s32 $_size__tile_overlayer_lowered;
	s8 =	simm.s32 $_tile_overlayer_lowered  }
0x9d: {  	s22 =	simm.s32 $0x1BFF;
	s21 =	sshll.u32 s8, $0x1;
	s5 =	sadd.s32 s6, s19  }
0x9e: {  	s9 =	simm.s32 $0x0;
	s20 =	sshll.u32 s7, $0x1;
	s7 =	sadd.s32 s21, s5  }
0x9f: {  	[timem:s9], [sflag:s22] =	dma.local [hbm:s7], s20  }
0xa0: {  	_ =	swait.ge [sflag:s22], s20  }
0xa1: {  	s6 =	ssub.s32 $0x0, s20;
	[sflag:s22] =	ssyncset.done $0x0  }
0xa2: {  	[sflag:s22] =	ssyncadd.s32 s6;
	_ =	sdelay $0x1  }
0xa3: {  	s23 =	simm.s32 $0x1B8B  }
0xa4: {  	_ =	swait.ge [sflag:s23], $0x1  }
0xa5: {  	[sflag:s23] =	ssyncset.done $0x0  }
0xa6: {  	s25 =	simm.s32 $0x1B8E;
	s24 =	sld [smem:$0x3FFE];
	[sflag:s23] =	ssyncadd.s32 $0xFFFFFFFF  }
0xa7: {  	s26 =	simm.s32 $execute0_lowered;
	[smem:$0x3FD2] =	sst s25  }
0xa8: {  	s7 =	sshll.u32 s26, $0x1;
	_ =	strace $0x80000046;
	[dreg:$0x1] =	wrdreg $0xFFFFFFFF  }
0xa9: {  	s28 =	simm.s32 $_size_execute0_lowered;
	s5 =	sadd.s32 s5, s7;
	[dreg:$0x0] =	wrdreg $0x0  }
0xaa: {  	s7 =	sshll.u32 s28, $0x1;
	[dreg:$0x2] =	wrdreg s5  }
0xab: {  	[dreg:$0x3] =	wrdreg s7  }
0xac: {  	[dreg:$0x4] =	wrdreg $0xC0  }
0xad: {  	_ =	task [dreg:s9], $0x5FFFF  }
0xae: {  	[dreg:$0x1] =	wrdreg $0xFFFFFFFF  }
0xaf: {  	[dreg:$0x0] =	wrdreg $0x60  }
0xb0: {  	[dreg:$0x2] =	wrdreg s18  }
0xb1: {  	[dreg:$0x3] =	wrdreg s2  }
0xb2: {  	[dreg:$0x4] =	wrdreg s24  }
0xb3: {  	[dreg:$0x5] =	wrdreg s4  }
0xb4: {  	[dreg:$0x6] =	wrdreg $0x9  }
0xb5: {  	_ =	task.clear_ibuf [dreg:s9], $0x7FFFF;
	_ =	strace $0x90000046  }
0xb6: {  	s29 =	simm.s32 $0x9;
	_ =	strace $0x80000048  }
0xb7: {  	_ =	swait.ge [sflag:s29], $0x1  }
0xb8: {  	[sflag:s29] =	ssyncadd.s32 $0xFFFFFFFF  }
0xb9: {  	_ =	strace $0x90000048  }
0xba: {  	_ =	sfence  }
0xbb: {  	s30 =	sld [smem:$0x0];
	_ =	sdelay $0x2  }
0xbc: {  	s31 =	sshll.u32 s1, $0xD;
	s1 =	sshrl.u32 s1, $0x2  }
0xbd: {  	s3 =	sand.u32 $0x4000, s31;
	s1 =	sadd.s32 s1, s30  }
0xbe: {  	s0 =	sor.u32 s3, s0;
	s1 =	sshll.u32 s1, $0x11  }
0xbf: {  	s0 =	sor.u32 s1, s0  }
0xc0: {  	s0 =	sadd.s32 $0x8F2B, s0  }
0xc1: {  	[sflag:s0] =	ssyncadd.remote.s32 $0x1  }
0xc2: {  	_ =	sfence.sel $0xFFFF  }
0xc3: {  	[dreg:$0x0] =	wrdreg $0xFFFFFFFF;
	(pc) =	sbr.abs _section_cstart, $3  }
0xc4: {  	[dreg:$0x1] =	wrdreg $0xFFFFFFFF  }
0xc5: {  	_ =	task.clear_ibuf [dreg:s9], $0x2FFFF;
	_ =	strace $0x9FFFFFFF  }
0xc6: {  	(tm) =	ssettm $0x7FFFFFFF  }
0xc7: {  	_ =	shalt  }
tec
execute0_lowered:
.L_overlay_start_1:
0x0: {  	(tag) =	ssettag $0x1  }
0x1: {  	s16 =	rddreg [dreg:$0x0]  }
0x2: {  	s0 =	srdreg.scid;
	s2 =	rddreg [dreg:$0x1]  }
0x3: {  	s1 =	stileid.u32;
	s5 =	rddreg [dreg:$0x2]  }
0x4: {  	s6 =	rddreg [dreg:$0x3];
	s0 =	sand.u32 $0x1, s0;
	s3 =	sshll.u32 s1, $0x9  }
0x5: {  	s7 =	sshll.u32 s1, $0x5;
	s13 =	sadd.s32 $0x400, s5;
	s4 =	sshll.u32 s0, $0x8  }
0x6: {  	s7 =	sand.u32 $0x180, s7;
	s0 =	ssub.s32 $0x2, s0;
	s9 =	sor.u32 s4, s3  }
0x7: {  	s4 =	simm.s32 $0x0;
	s12 =	sshrl.u32 s0, $0x1;
	s3 =	sand.u32 $0x700, s9  }
0x8: {  	[smem:$0x7FF] =	sst s4;
	s0 =	ssub.s32 s0, s12;
	s15 =	sshll.u32 s9, $0x7  }
0x9: {  	s5 =	sor.u32 $0x20, s9;
	s20 =	sor.u32 $0x40, s9;
	s10 =	sor.u32 $0x60, s9  }
0xa: {  	s25 =	sor.u32 $0xA0, s9;
	s26 =	sor.u32 $0xC0, s9;
	s8 =	sshll.u32 s3, $0x2  }
0xb: {  	_ =	strace $0x80000047;
	[dreg:$0x5] =	wrdreg s13;
	s17 =	sadd.s32 s6, s15  }
0xc: {  	s18 =	sshll.u32 s5, $0x7;
	s11 =	sshll.u32 s20, $0x7;
	s12 =	sshll.u32 s10, $0x7  }
0xd: {  	s13 =	sor.u32 $0x80, s9;
	s15 =	sshll.u32 s26, $0x7;
	s9 =	sor.u32 $0xE0, s9  }
0xe: {  	s0 =	smax.u32 s0, $0x1;
	s20 =	sand.u32 $0x740, s20;
	s7 =	sor.u32 s7, s8  }
0xf: {  	s8 =	sadd.s32 $0x200, s16;
	[dreg:$0x7] =	wrdreg s17;
	s19 =	sadd.s32 s6, s18  }
0x10: {  	s21 =	sadd.s32 s6, s11;
	s22 =	sadd.s32 s6, s12;
	[dreg:$0xf] =	wrdreg s0  }
0x11: {  	s23 =	sshll.u32 s13, $0x7;
	s29 =	sadd.s32 s6, s15;
	[dreg:$0x8] =	wrdreg s19  }
0x12: {  	s30 =	sshll.u32 s9, $0x7;
	s17 =	sadd.s32 $0x300, s16;
	[dreg:$0x9] =	wrdreg s21  }
0x13: {  	s7 =	sshrl.u32 s7, $0x3;
	[dreg:$0xa] =	wrdreg s22;
	s24 =	sadd.s32 s6, s23  }
0x14: {  	[dreg:$0xd] =	wrdreg s29;
	s31 =	sadd.s32 s6, s30;
	s19 =	sand.u32 $0x720, s5  }
0x15: {  	s21 =	sand.u32 $0x760, s10;
	s22 =	sand.u32 $0x780, s13;
	[dreg:$0xb] =	wrdreg s24  }
0x16: {  	s23 =	sand.u32 $0x7A0, s25;
	s14 =	sadd.s32 s2, s7;
	[dreg:$0xe] =	wrdreg s31  }
0x17: {  	v2 =	vlaneseq.u32;
	s7 =	sadd.s32 $0x100, s16;
	[dreg:$0x6] =	wrdreg s14;
	s14 =	sshll.u32 s25, $0x7  }
0x18: {  	vm0 =	vmmov $0xffff;
	v1 =	vshrl.u32 v2, $0x3;
	s24 =	sand.u32 $0x7C0, s26;
	s2 =	simm.s32 $0x0;
	s28 =	sadd.s32 s6, s14  }
0x19: {  	v0 =	vand.u32 $0x7, v2;
	v2 =	vor.u32 $0x8, v2;
	v1 =	vmul.u32 $0x8, v1;
	s25 =	sand.u32 $0x7E0, s9;
	s6 =	simm.s32 $0x8500;
	[dreg:$0xc] =	wrdreg s28  }
.LBB2_1:
0x1a: {  	[dreg:$0x10] =	wrdreg s2  }
0x1b: {  	s0 =	rddreg [dreg:$0x6]  }
0x1c: {  	s1 =	simm.s32 $0x80;
	s29 =	simm.s32 $0x200;
	s2 =	simm.s32 $0x7  }
0x1d: {  	[tilespmem:s4], [sflag:$0x7] =	stream.strided.gather [hbm4b:s0+s1], $0x100, s29, s1, $0x38;
	[tilespmem:$0x18500] =	vst v63  }
0x1e: {  	_ =	swait.ge [sflag:s2], $0x100  }
0x1f: {  	[sflag:s2] =	ssyncset.done $0x0  }
0x20: {  	[sflag:s2] =	ssyncadd.s32 $0xFFFFFF00  }
0x21: {  	v3 =	vld [tilespmem:$0x0];
	_ =	sdelay $0x4  }
0x22: {  	v4 =	vshll.u32 v3, $0x3  }
0x23: {  	v3 =	vand.u32 $0x7, v3;
	v4 =	vand.u32 $0xFFFFFFC0, v4  }
0x24: {  	v3 =	vor.u32 v3, v4  }
0x25: {  	v4 =	vperm.xlane v3, v0;
	_ =	sdelay $0x1  }
0x26: {  	v4 =	vadd.s32 v1, v4;
	_ =	sdelay $0x3  }
0x27: {  	s30 =	simm.s32 $0x500;
	s0 =	rddreg [dreg:$0x0]  }
0x28: {  	[tilespmem:s30], [sflag:$0x1] =	stream.indirect_vreg.gather [hbm4b:s0+s4], $0x80, v4, vm0, $0xb8;
	[tilespmem:$0x18500] =	vst v63  }
0x29: {  	s31 =	simm.s32 $0xD00;
	v3 =	vperm.xlane v3, v2  }
0x2a: {  	[tilespmem:s31], [sflag:$0x1] =	stream.indirect_vreg.gather [hbm4b:s7+s4], $0x80, v4, vm0, $0xb8;
	[tilespmem:$0x18500] =	vst v63  }
0x2b: {  	s5 =	simm.s32 $0x1500;
	v3 =	vadd.s32 v1, v3  }
0x2c: {  	[tilespmem:s5], [sflag:$0x1] =	stream.indirect_vreg.gather [hbm4b:s8+s4], $0x80, v4, vm0, $0xb8;
	[tilespmem:$0x18500] =	vst v63  }
0x2d: {  	s9 =	simm.s32 $0x1D00  }
0x2e: {  	[tilespmem:s9], [sflag:$0x1] =	stream.indirect_vreg.gather [hbm4b:s17+s4], $0x80, v4, vm0, $0xb8;
	[tilespmem:$0x18500] =	vst v63  }
0x2f: {  	s10 =	simm.s32 $0x2500  }
0x30: {  	[tilespmem:s10], [sflag:$0x1] =	stream.indirect_vreg.gather [hbm4b:s0+s4], $0x80, v3, vm0, $0xb8;
	[tilespmem:$0x18500] =	vst v63  }
0x31: {  	s11 =	simm.s32 $0x2D00  }
0x32: {  	[tilespmem:s11], [sflag:$0x1] =	stream.indirect_vreg.gather [hbm4b:s7+s4], $0x80, v3, vm0, $0xb8;
	[tilespmem:$0x18500] =	vst v63  }
0x33: {  	s12 =	simm.s32 $0x3500  }
0x34: {  	[tilespmem:s12], [sflag:$0x1] =	stream.indirect_vreg.gather [hbm4b:s8+s4], $0x80, v3, vm0, $0xb8;
	[tilespmem:$0x18500] =	vst v63  }
0x35: {  	s13 =	simm.s32 $0x3D00  }
0x36: {  	[tilespmem:s13], [sflag:$0x1] =	stream.indirect_vreg.gather [hbm4b:s17+s4], $0x80, v3, vm0, $0xb8;
	[tilespmem:$0x18500] =	vst v63  }
0x37: {  	v3 =	vld [tilespmem:$0x10];
	_ =	sdelay $0x4  }
0x38: {  	v61 =	vshll.u32 v3, $0x3  }
0x39: {  	v3 =	vand.u32 $0x7, v3;
	v4 =	vand.u32 $0xFFFFFFC0, v61  }
0x3a: {  	v3 =	vor.u32 v3, v4  }
0x3b: {  	v4 =	vperm.xlane v3, v0;
	_ =	sdelay $0x1  }
0x3c: {  	v4 =	vadd.s32 v1, v4;
	_ =	sdelay $0x3  }
0x3d: {  	s14 =	simm.s32 $0x4500  }
0x3e: {  	[tilespmem:s14], [sflag:$0x1] =	stream.indirect_vreg.gather [hbm4b:s0+s4], $0x80, v4, vm0, $0xb8;
	[tilespmem:$0x18500] =	vst v63  }
0x3f: {  	s15 =	simm.s32 $0x4D00;
	v3 =	vperm.xlane v3, v2  }
0x40: {  	[tilespmem:s15], [sflag:$0x1] =	stream.indirect_vreg.gather [hbm4b:s7+s4], $0x80, v4, vm0, $0xb8;
	[tilespmem:$0x18500] =	vst v63  }
0x41: {  	s16 =	simm.s32 $0x5500;
	v3 =	vadd.s32 v1, v3  }
0x42: {  	[tilespmem:s16], [sflag:$0x1] =	stream.indirect_vreg.gather [hbm4b:s8+s4], $0x80, v4, vm0, $0xb8;
	[tilespmem:$0x18500] =	vst v63  }
0x43: {  	s18 =	simm.s32 $0x5D00  }
0x44: {  	[tilespmem:s18], [sflag:$0x1] =	stream.indirect_vreg.gather [hbm4b:s17+s4], $0x80, v4, vm0, $0xb8;
	[tilespmem:$0x18500] =	vst v63  }
0x45: {  	s26 =	simm.s32 $0x6500  }
0x46: {  	[tilespmem:s26], [sflag:$0x1] =	stream.indirect_vreg.gather [hbm4b:s0+s4], $0x80, v3, vm0, $0xb8;
	[tilespmem:$0x18500] =	vst v63  }
0x47: {  	s28 =	simm.s32 $0x6D00  }
0x48: {  	[tilespmem:s28], [sflag:$0x1] =	stream.indirect_vreg.gather [hbm4b:s7+s4], $0x80, v3, vm0, $0xb8;
	[tilespmem:$0x18500] =	vst v63  }
0x49: {  	s29 =	simm.s32 $0x7500  }
0x4a: {  	[tilespmem:s29], [sflag:$0x1] =	stream.indirect_vreg.gather [hbm4b:s8+s4], $0x80, v3, vm0, $0xb8;
	[tilespmem:$0x18500] =	vst v63  }
0x4b: {  	s30 =	simm.s32 $0x7D00  }
0x4c: {  	[tilespmem:s30], [sflag:$0x1] =	stream.indirect_vreg.gather [hbm4b:s17+s4], $0x80, v3, vm0, $0xb8;
	[tilespmem:$0x18500] =	vst v63  }
0x4d: {  	s31 =	rddreg [dreg:$0x5];
	s5 =	simm.s32 $0x100  }
0x4e: {  	[tilespmem:s5], [sflag:$0x7] =	stream.linear.gather [hbm4b:s31+s4], $0x400, $0x38;
	[tilespmem:$0x18500] =	vst v63  }
0x4f: {  	_ =	swait.ge [sflag:s2], $0x400  }
0x50: {  	[sflag:s2] =	ssyncset.done $0x0  }
0x51: {  	[sflag:s2] =	ssyncadd.s32 $0xFFFFFC00  }
0x52: {  	v3 =	vld [tilespmem:$0x20];
	_ =	sdelay $0x4  }
0x53: {  	v62 =	vshll.u32 v3, $0x3  }
0x54: {  	v3 =	vand.u32 $0x7, v3;
	v4 =	vand.u32 $0xFFFFFFC0, v62  }
0x55: {  	v3 =	vor.u32 v3, v4  }
0x56: {  	v4 =	vperm.xlane v3, v0;
	_ =	sdelay $0x1  }
0x57: {  	v4 =	vadd.s32 v1, v4;
	_ =	sdelay $0x4  }
0x58: {  	[tilespmem:s6], [sflag:$0x2] =	stream.indirect_vreg.gather [hbm4b:s0+s4], $0x80, v4, vm0, $0xb8;
	[tilespmem:$0x18500] =	vst v63  }
0x59: {  	s5 =	simm.s32 $0x8D00;
	v3 =	vperm.xlane v3, v2  }
0x5a: {  	[tilespmem:s5], [sflag:$0x2] =	stream.indirect_vreg.gather [hbm4b:s7+s4], $0x80, v4, vm0, $0xb8;
	[tilespmem:$0x18500] =	vst v63  }
0x5b: {  	v3 =	vadd.s32 v1, v3;
	s6 =	simm.s32 $0x9500  }
0x5c: {  	[tilespmem:s6], [sflag:$0x2] =	stream.indirect_vreg.gather [hbm4b:s8+s4], $0x80, v4, vm0, $0xb8;
	[tilespmem:$0x18500] =	vst v63  }
0x5d: {  	s9 =	simm.s32 $0x9D00  }
0x5e: {  	[tilespmem:s9], [sflag:$0x2] =	stream.indirect_vreg.gather [hbm4b:s17+s4], $0x80, v4, vm0, $0xb8;
	[tilespmem:$0x18500] =	vst v63  }
0x5f: {  	s10 =	simm.s32 $0xA500  }
0x60: {  	[tilespmem:s10], [sflag:$0x2] =	stream.indirect_vreg.gather [hbm4b:s0+s4], $0x80, v3, vm0, $0xb8;
	[tilespmem:$0x18500] =	vst v63  }
0x61: {  	s11 =	simm.s32 $0xAD00  }
0x62: {  	[tilespmem:s11], [sflag:$0x2] =	stream.indirect_vreg.gather [hbm4b:s7+s4], $0x80, v3, vm0, $0xb8;
	[tilespmem:$0x18500] =	vst v63  }
0x63: {  	s12 =	simm.s32 $0xB500  }
0x64: {  	[tilespmem:s12], [sflag:$0x2] =	stream.indirect_vreg.gather [hbm4b:s8+s4], $0x80, v3, vm0, $0xb8;
	[tilespmem:$0x18500] =	vst v63  }
0x65: {  	s13 =	simm.s32 $0xBD00  }
0x66: {  	[tilespmem:s13], [sflag:$0x2] =	stream.indirect_vreg.gather [hbm4b:s17+s4], $0x80, v3, vm0, $0xb8;
	[tilespmem:$0x18500] =	vst v63  }
0x67: {  	v3 =	vld [tilespmem:$0x30];
	_ =	sdelay $0x4  }
0x68: {  	v63 =	vshll.u32 v3, $0x3  }
0x69: {  	v3 =	vand.u32 $0x7, v3;
	v4 =	vand.u32 $0xFFFFFFC0, v63  }
0x6a: {  	v3 =	vor.u32 v3, v4  }
0x6b: {  	v4 =	vperm.xlane v3, v0;
	_ =	sdelay $0x1  }
0x6c: {  	v4 =	vadd.s32 v1, v4;
	_ =	sdelay $0x3  }
0x6d: {  	s14 =	simm.s32 $0xC500  }
0x6e: {  	[tilespmem:s14], [sflag:$0x2] =	stream.indirect_vreg.gather [hbm4b:s0+s4], $0x80, v4, vm0, $0xb8;
	[tilespmem:$0x18500] =	vst v63  }
0x6f: {  	s15 =	simm.s32 $0xCD00;
	v3 =	vperm.xlane v3, v2  }
0x70: {  	[tilespmem:s15], [sflag:$0x2] =	stream.indirect_vreg.gather [hbm4b:s7+s4], $0x80, v4, vm0, $0xb8;
	[tilespmem:$0x18500] =	vst v63  }
0x71: {  	s16 =	simm.s32 $0xD500;
	v3 =	vadd.s32 v1, v3  }
0x72: {  	[tilespmem:s16], [sflag:$0x2] =	stream.indirect_vreg.gather [hbm4b:s8+s4], $0x80, v4, vm0, $0xb8;
	[tilespmem:$0x18500] =	vst v63  }
0x73: {  	s18 =	simm.s32 $0xDD00  }
0x74: {  	[tilespmem:s18], [sflag:$0x2] =	stream.indirect_vreg.gather [hbm4b:s17+s4], $0x80, v4, vm0, $0xb8;
	[tilespmem:$0x18500] =	vst v63  }
0x75: {  	s26 =	simm.s32 $0xE500  }
0x76: {  	[tilespmem:s26], [sflag:$0x2] =	stream.indirect_vreg.gather [hbm4b:s0+s4], $0x80, v3, vm0, $0xb8;
	[tilespmem:$0x18500] =	vst v63  }
0x77: {  	s28 =	simm.s32 $0xED00  }
0x78: {  	[tilespmem:s28], [sflag:$0x2] =	stream.indirect_vreg.gather [hbm4b:s7+s4], $0x80, v3, vm0, $0xb8;
	[tilespmem:$0x18500] =	vst v63  }
0x79: {  	s29 =	simm.s32 $0xF500  }
0x7a: {  	[tilespmem:s29], [sflag:$0x2] =	stream.indirect_vreg.gather [hbm4b:s8+s4], $0x80, v3, vm0, $0xb8;
	[tilespmem:$0x18500] =	vst v63  }
0x7b: {  	s30 =	simm.s32 $0xFD00;
	s31 =	simm.s32 $0x1  }
0x7c: {  	[tilespmem:s30], [sflag:$0x2] =	stream.indirect_vreg.gather [hbm4b:s17+s4], $0x80, v3, vm0, $0xb8;
	[tilespmem:$0x18500] =	vst v63  }
0x7d: {  	_ =	swait.ge [sflag:s31], $0x8000  }
0x7e: {  	s10 =	simm.s32 $0x0;
	[sflag:s31] =	ssyncset.done $0x0  }
0x7f: {  	s11 =	simm.s32 $0x0;
	s12 =	simm.s32 $0x0;
	[sflag:s31] =	ssyncadd.s32 $0xFFFF8000  }
.LBB2_2:
0x80: {  	s2 =	sshll.u32 s11, $0x2;
	s6 =	sand.u32 $0x7, s10  }
0x81: {  	s2 =	sand.u32 $0xFFFFF000, s2;
	s6 =	sshll.u32 s6, $0x6  }
0x82: {  	s2 =	sor.u32 s6, s2  }
0x83: {  	s18 =	sshll.u32 s12, $0x4;
	s2 =	sshrl.u32 s2, $0x2  }
0x84: {  	v3 =	vld [tilespmem:s18+$0x100];
	s14 =	sadd.s32 $0x700, s2  }
0x85: {  	v4 =	vld [tilespmem:s14+$0x180]  }
0x86: {  	s26 =	sadd.s32 $0xFFFFFFF8, s3;
	v5 =	vld [tilespmem:s14+$0xFFFFFE00]  }
0x87: {  	s31 =	sadd.s32 $0xF, s26;
	v6 =	vld [tilespmem:s14+$0xFFFFFE80]  }
0x88: {  	s13 =	sadd.s32 $0x8, s26;
	s6 =	scvt.s32.f32 s31;
	v7 =	vld [tilespmem:s14+$0xFFFFFF00]  }
0x89: {  	s15 =	sadd.s32 $0x9, s26;
	s13 =	scvt.s32.f32 s13;
	v8 =	vld [tilespmem:s14+$0xFFFFFF80]  }
0x8a: {  	s15 =	scvt.s32.f32 s15;
	v9 =	vld [tilespmem:s14+$0x0];
	v10 =	vmul.f32 s6, v3  }
0x8b: {  	s29 =	sadd.s32 $0x0, s3;
	s16 =	sadd.s32 $0xA, s26;
	v11 =	vld [tilespmem:s14+$0x80];
	v12 =	vmul.f32 s13, v3;
	v4 =	vmul.f32 $3.200000000e+01, v4  }
0x8c: {  	s18 =	sadd.s32 $0xB, s26;
	s16 =	scvt.s32.f32 s16;
	v13 =	vld [tilespmem:s14+$0x100];
	s13 =	sadd.s32 $0x2000, s14;
	v14 =	vmul.f32 s15, v3;
	v5 =	vmul.f32 $3.200000000e+01, v5  }
0x8d: {  	s0 =	sadd.s32 $0xC, s26;
	s28 =	sadd.s32 $0xD, s26;
	s18 =	scvt.s32.f32 s18;
	v6 =	vmul.f32 $3.200000000e+01, v6;
	v7 =	vmul.f32 $3.200000000e+01, v7;
	v4 =	vadd.f32 v4, v10;
	v10 =	vld [tilespmem:s13+$0x180]  }
0x8e: {  	s1 =	sadd.s32 $0xF, s29;
	s5 =	sadd.s32 $0x8, s29;
	s6 =	scvt.s32.f32 s0;
	v15 =	vld [tilespmem:s13+$0xFFFFFE00];
	v8 =	vmul.f32 $3.200000000e+01, v8;
	v5 =	vadd.f32 v5, v12;
	v12 =	vmul.f32 s16, v3  }
0x8f: {  	s30 =	sadd.s32 $0x9, s29;
	s9 =	sadd.s32 $0xA, s29;
	s28 =	scvt.s32.f32 s28;
	v16 =	vld [tilespmem:s13+$0xFFFFFE80];
	v17 =	vmul.f32 $3.200000000e+01, v9;
	v6 =	vadd.f32 v6, v14;
	v14 =	vmul.f32 s18, v3;
	[tilespmem:s14+$0x180] =	vst v4  }
0x90: {  	s31 =	sadd.s32 $0xB, s29;
	s2 =	sadd.s32 $0xE, s26;
	v11 =	vmul.f32 $3.200000000e+01, v11;
	s16 =	scvt.s32.f32 s1;
	v4 =	vld [tilespmem:s13+$0xFFFFFF00];
	[tilespmem:s14+$0xFFFFFE00] =	vst v5;
	v7 =	vadd.f32 v7, v12;
	v12 =	vmul.f32 s6, v3  }
0x91: {  	s26 =	sadd.s32 $0xD, s29;
	s2 =	scvt.s32.f32 s2;
	v9 =	vmul.f32 $3.200000000e+01, v13;
	s18 =	scvt.s32.f32 s5;
	v5 =	vld [tilespmem:s13+$0xFFFFFF80];
	[tilespmem:s14+$0xFFFFFE80] =	vst v6;
	v8 =	vadd.f32 v8, v14;
	v14 =	vmul.f32 s28, v3  }
0x92: {  	s15 =	simm.s32 $0x8;
	s0 =	sadd.s32 $0xC, s29;
	s28 =	scvt.s32.f32 s30;
	v6 =	vld [tilespmem:s13+$0x0];
	v19 =	vmul.f32 s16, v3;
	[tilespmem:s14+$0xFFFFFF00] =	vst v7;
	v17 =	vadd.f32 v17, v12;
	v18 =	vmul.f32 $3.200000000e+01, v10  }
0x93: {  	s29 =	sadd.s32 $0xE, s29;
	s6 =	scvt.s32.f32 s9;
	s30 =	scvt.s32.f32 s31;
	v7 =	vld [tilespmem:s13+$0x80];
	[tilespmem:s14+$0xFFFFFF80] =	vst v8;
	v13 =	vadd.f32 v11, v14;
	v14 =	vmul.f32 s2, v3;
	v12 =	vmul.f32 s18, v3  }
0x94: {  	s16 =	sadd.s32 $0x2000, s13;
	v11 =	vmul.f32 $3.200000000e+01, v16;
	s18 =	scvt.s32.f32 s0;
	s2 =	scvt.s32.f32 s26;
	v8 =	vld [tilespmem:s13+$0x100];
	v10 =	vmul.f32 $3.200000000e+01, v15;
	[tilespmem:s14+$0x0] =	vst v17;
	v15 =	vadd.f32 v18, v19  }
.LBB2_3:
0x95: {  	s26 =	smov.u32 s15  }
0x96: {  	v16 =	vld [tilespmem:s16+$0x180];
	v17 =	vmul.f32 s28, v3;
	v18 =	vmul.f32 $3.200000000e+01, v4;
	s0 =	scvt.s32.f32 s29;
	[tilespmem:s14+$0x80] =	vst v13;
	v4 =	vadd.f32 v9, v14;
	s15 =	sadd.s32 $0x8, s15;
	s26 =	sadd.s32 s26, s3  }
0x97: {  	v13 =	vld [tilespmem:s16+$0xFFFFFE00];
	p0 =	slt.u32 s15, $0x18;
	v9 =	vadd.f32 v10, v12;
	v10 =	vmul.f32 s6, v3;
	v12 =	vmul.f32 $3.200000000e+01, v5;
	[tilespmem:s13+$0x180] =	vst v15;
	s6 =	sadd.s32 $0x8, s26  }
0x98: {  	v14 =	vmul.f32 s30, v3;
	s28 =	sadd.s32 $0x9, s26;
	v15 =	vld [tilespmem:s16+$0xFFFFFE80];
	s29 =	sadd.s32 $0xF, s26;
	v11 =	vadd.f32 v11, v17;
	v17 =	vmul.f32 $3.200000000e+01, v6;
	[tilespmem:s14+$0x100] =	vst v4;
	s30 =	sadd.s32 $0xA, s26  }
.Ltmp0:
0x99: {  	s31 =	sadd.s32 $0xB, s26;
	v4 =	vld [tilespmem:s16+$0xFFFFFF00];
	s14 =	scvt.s32.f32 s29;
	[tilespmem:s13+$0xFFFFFE00] =	vst v9;
	v10 =	vadd.f32 v18, v10;
	v18 =	vmul.f32 s18, v3;
	v19 =	vmul.f32 $3.200000000e+01, v7;
	(pc) =	sbr.rel @p0 .LBB2_3-.Ltmp0, $4  }
0x9a: {  	s5 =	sadd.s32 $0xD, s26;
	s18 =	sadd.s32 $0xC, s26;
	s29 =	sadd.s32 $0xE, s26;
	v5 =	vld [tilespmem:s16+$0xFFFFFF80];
	[tilespmem:s13+$0xFFFFFE80] =	vst v11;
	v11 =	vadd.f32 v12, v14;
	v12 =	vmul.f32 s2, v3;
	v9 =	vmul.f32 $3.200000000e+01, v8  }
0x9b: {  	s28 =	scvt.s32.f32 s28;
	s2 =	scvt.s32.f32 s6;
	v6 =	vld [tilespmem:s16+$0x0];
	v16 =	vmul.f32 $3.200000000e+01, v16;
	v20 =	vmul.f32 s14, v3;
	[tilespmem:s13+$0xFFFFFF00] =	vst v10;
	v17 =	vadd.f32 v17, v18;
	s14 =	smov.u32 s13  }
0x9c: {  	s6 =	scvt.s32.f32 s30;
	s30 =	scvt.s32.f32 s31;
	v14 =	vmul.f32 s0, v3;
	s13 =	smov.u32 s16;
	v10 =	vmul.f32 $3.200000000e+01, v13;
	v7 =	vld [tilespmem:s16+$0x80];
	[tilespmem:s14+$0xFFFFFF80] =	vst v11;
	v13 =	vadd.f32 v19, v12  }
0x9d: {  	s18 =	scvt.s32.f32 s18;
	v12 =	vmul.f32 s2, v3;
	s2 =	scvt.s32.f32 s5;
	s16 =	sadd.s32 $0x2000, s16;
	v11 =	vmul.f32 $3.200000000e+01, v15;
	v8 =	vld [tilespmem:s13+$0x100];
	v15 =	vadd.f32 v16, v20;
	[tilespmem:s14+$0x0] =	vst v17  }
0x9e: {  	v16 =	vmul.f32 s28, v3;
	[tilespmem:s14+$0x80] =	vst v13;
	v9 =	vadd.f32 v9, v14  }
0x9f: {  	v4 =	vmul.f32 $3.200000000e+01, v4;
	v58 =	vmul.f32 s6, v3;
	v10 =	vadd.f32 v10, v12;
	[tilespmem:s13+$0x180] =	vst v15  }
0xa0: {  	v59 =	vmul.f32 s30, v3;
	v5 =	vmul.f32 $3.200000000e+01, v5;
	v11 =	vadd.f32 v11, v16;
	[tilespmem:s14+$0x100] =	vst v9  }
0xa1: {  	s0 =	scvt.s32.f32 s29;
	s12 =	sadd.s32 $0x1, s12;
	v60 =	vmul.f32 s18, v3;
	v6 =	vmul.f32 $3.200000000e+01, v6;
	v4 =	vadd.f32 v4, v58;
	[tilespmem:s13+$0xFFFFFE00] =	vst v10  }
0xa2: {  	v61 =	vmul.f32 s2, v3;
	p0 =	sne.s32 s12, $0x40;
	v7 =	vmul.f32 $3.200000000e+01, v7;
	v5 =	vadd.f32 v5, v59;
	[tilespmem:s13+$0xFFFFFE80] =	vst v11  }
.Ltmp1:
0xa3: {  	v3 =	vmul.f32 s0, v3;
	v8 =	vmul.f32 $3.200000000e+01, v8;
	[tilespmem:s13+$0xFFFFFF00] =	vst v4;
	v62 =	vadd.f32 v6, v60;
	(pc) =	sbr.rel @p0 .LBB2_2-.Ltmp1, $4  }
0xa4: {  	[tilespmem:s13+$0xFFFFFF80] =	vst v5;
	v63 =	vadd.f32 v7, v61  }
0xa5: {  	[tilespmem:s13+$0x0] =	vst v62;
	v3 =	vadd.f32 v8, v3  }
0xa6: {  	[tilespmem:s13+$0x80] =	vst v63  }
0xa7: {  	s11 =	sadd.s32 $0x80, s11;
	s10 =	sadd.s32 $0x1, s10;
	[tilespmem:s13+$0x100] =	vst v3  }
0xa8: {  	s10 =	simm.s32 $0x0;
	s0 =	rddreg [dreg:$0x7];
	s1 =	simm.s32 $0x500  }
0xa9: {  	[hbm4b:s0+s10] =	stream.linear.scatter [tilespmem:s1], [sflag:$0x4], $0x8000, $0x38;
	[tilespmem:$0x18500] =	vst v63  }
0xaa: {  	v3 =	vld [tilespmem:$0x40];
	_ =	sdelay $0x4  }
0xab: {  	v4 =	vshll.u32 v3, $0x3  }
0xac: {  	v3 =	vand.u32 $0x7, v3;
	v4 =	vand.u32 $0xFFFFFFC0, v4  }
0xad: {  	v3 =	vor.u32 v3, v4  }
0xae: {  	v4 =	vperm.xlane v3, v0;
	_ =	sdelay $0x1  }
0xaf: {  	v4 =	vadd.s32 v1, v4;
	_ =	sdelay $0x3  }
0xb0: {  	s30 =	rddreg [dreg:$0x0];
	s31 =	simm.s32 $0x10500  }
0xb1: {  	[tilespmem:s31], [sflag:$0x3] =	stream.indirect_vreg.gather [hbm4b:s30+s10], $0x80, v4, vm0, $0xb8;
	[tilespmem:$0x18500] =	vst v63  }
0xb2: {  	s2 =	simm.s32 $0x10D00;
	v3 =	vperm.xlane v3, v2  }
0xb3: {  	[tilespmem:s2], [sflag:$0x3] =	stream.indirect_vreg.gather [hbm4b:s7+s10], $0x80, v4, vm0, $0xb8;
	[tilespmem:$0x18500] =	vst v63  }
0xb4: {  	s5 =	simm.s32 $0x11500;
	v3 =	vadd.s32 v1, v3  }
0xb5: {  	[tilespmem:s5], [sflag:$0x3] =	stream.indirect_vreg.gather [hbm4b:s8+s10], $0x80, v4, vm0, $0xb8;
	[tilespmem:$0x18500] =	vst v63  }
0xb6: {  	s6 =	simm.s32 $0x11D00  }
0xb7: {  	[tilespmem:s6], [sflag:$0x3] =	stream.indirect_vreg.gather [hbm4b:s17+s10], $0x80, v4, vm0, $0xb8;
	[tilespmem:$0x18500] =	vst v63  }
0xb8: {  	s9 =	simm.s32 $0x12500  }
0xb9: {  	[tilespmem:s9], [sflag:$0x3] =	stream.indirect_vreg.gather [hbm4b:s30+s10], $0x80, v3, vm0, $0xb8;
	[tilespmem:$0x18500] =	vst v63  }
0xba: {  	s11 =	simm.s32 $0x12D00  }
0xbb: {  	[tilespmem:s11], [sflag:$0x3] =	stream.indirect_vreg.gather [hbm4b:s7+s10], $0x80, v3, vm0, $0xb8;
	[tilespmem:$0x18500] =	vst v63  }
0xbc: {  	s12 =	simm.s32 $0x13500  }
0xbd: {  	[tilespmem:s12], [sflag:$0x3] =	stream.indirect_vreg.gather [hbm4b:s8+s10], $0x80, v3, vm0, $0xb8;
	[tilespmem:$0x18500] =	vst v63  }
0xbe: {  	s13 =	simm.s32 $0x13D00  }
0xbf: {  	[tilespmem:s13], [sflag:$0x3] =	stream.indirect_vreg.gather [hbm4b:s17+s10], $0x80, v3, vm0, $0xb8;
	[tilespmem:$0x18500] =	vst v63  }
0xc0: {  	v3 =	vld [tilespmem:$0x50];
	_ =	sdelay $0x4  }
0xc1: {  	v63 =	vshll.u32 v3, $0x3  }
0xc2: {  	v3 =	vand.u32 $0x7, v3;
	v4 =	vand.u32 $0xFFFFFFC0, v63  }
0xc3: {  	v3 =	vor.u32 v3, v4  }
0xc4: {  	v4 =	vperm.xlane v3, v0;
	_ =	sdelay $0x1  }
0xc5: {  	v4 =	vadd.s32 v1, v4;
	_ =	sdelay $0x3  }
0xc6: {  	s14 =	simm.s32 $0x14500  }
0xc7: {  	[tilespmem:s14], [sflag:$0x3] =	stream.indirect_vreg.gather [hbm4b:s30+s10], $0x80, v4, vm0, $0xb8;
	[tilespmem:$0x18500] =	vst v63  }
0xc8: {  	s15 =	simm.s32 $0x14D00;
	v3 =	vperm.xlane v3, v2  }
0xc9: {  	[tilespmem:s15], [sflag:$0x3] =	stream.indirect_vreg.gather [hbm4b:s7+s10], $0x80, v4, vm0, $0xb8;
	[tilespmem:$0x18500] =	vst v63  }
0xca: {  	s16 =	simm.s32 $0x15500;
	v3 =	vadd.s32 v1, v3  }
0xcb: {  	[tilespmem:s16], [sflag:$0x3] =	stream.indirect_vreg.gather [hbm4b:s8+s10], $0x80, v4, vm0, $0xb8;
	[tilespmem:$0x18500] =	vst v63  }
0xcc: {  	s18 =	simm.s32 $0x15D00  }
0xcd: {  	[tilespmem:s18], [sflag:$0x3] =	stream.indirect_vreg.gather [hbm4b:s17+s10], $0x80, v4, vm0, $0xb8;
	[tilespmem:$0x18500] =	vst v63  }
0xce: {  	s26 =	simm.s32 $0x16500  }
0xcf: {  	[tilespmem:s26], [sflag:$0x3] =	stream.indirect_vreg.gather [hbm4b:s30+s10], $0x80, v3, vm0, $0xb8;
	[tilespmem:$0x18500] =	vst v63  }
0xd0: {  	s28 =	simm.s32 $0x16D00  }
0xd1: {  	[tilespmem:s28], [sflag:$0x3] =	stream.indirect_vreg.gather [hbm4b:s7+s10], $0x80, v3, vm0, $0xb8;
	[tilespmem:$0x18500] =	vst v63  }
0xd2: {  	s29 =	simm.s32 $0x17500  }
0xd3: {  	[tilespmem:s29], [sflag:$0x3] =	stream.indirect_vreg.gather [hbm4b:s8+s10], $0x80, v3, vm0, $0xb8;
	[tilespmem:$0x18500] =	vst v63  }
0xd4: {  	s31 =	simm.s32 $0x2;
	s30 =	simm.s32 $0x17D00  }
0xd5: {  	[tilespmem:s30], [sflag:$0x3] =	stream.indirect_vreg.gather [hbm4b:s17+s10], $0x80, v3, vm0, $0xb8;
	[tilespmem:$0x18500] =	vst v63  }
0xd6: {  	_ =	swait.ge [sflag:s31], $0x8000  }
0xd7: {  	[sflag:s31] =	ssyncset.done $0x0  }
0xd8: {  	s11 =	simm.s32 $0x0;
	s12 =	simm.s32 $0x0;
	[sflag:s31] =	ssyncadd.s32 $0xFFFF8000  }
.LBB2_6:
0xd9: {  	s0 =	sshll.u32 s11, $0x2;
	s2 =	sand.u32 $0x7, s10  }
0xda: {  	s0 =	sand.u32 $0xFFFFF000, s0;
	s2 =	sshll.u32 s2, $0x6  }
0xdb: {  	s0 =	sor.u32 s2, s0  }
0xdc: {  	s31 =	sshll.u32 s12, $0x4;
	s0 =	sshrl.u32 s0, $0x2  }
0xdd: {  	v3 =	vld [tilespmem:s31+$0x100];
	s14 =	sadd.s32 $0x8500, s0  }
0xde: {  	v4 =	vld [tilespmem:s14+$0x380]  }
0xdf: {  	s1 =	sadd.s32 $0xFFFFFFF8, s19;
	v5 =	vld [tilespmem:s14+$0x0]  }
0xe0: {  	s6 =	sadd.s32 $0xF, s1;
	v6 =	vld [tilespmem:s14+$0x80]  }
0xe1: {  	s5 =	sadd.s32 $0x8, s1;
	s2 =	scvt.s32.f32 s6;
	v7 =	vld [tilespmem:s14+$0x100]  }
0xe2: {  	s6 =	sadd.s32 $0x9, s1;
	s5 =	scvt.s32.f32 s5;
	v8 =	vld [tilespmem:s14+$0x180]  }
0xe3: {  	s6 =	scvt.s32.f32 s6;
	v9 =	vld [tilespmem:s14+$0x200];
	v10 =	vmul.f32 s2, v3  }
0xe4: {  	s13 =	sadd.s32 $0xA, s1;
	s15 =	sadd.s32 $0xB, s1;
	v11 =	vld [tilespmem:s14+$0x280];
	v12 =	vmul.f32 s5, v3;
	v4 =	vmul.f32 $3.200000000e+01, v4  }
0xe5: {  	s9 =	sadd.s32 $0xC, s1;
	s16 =	scvt.s32.f32 s13;
	v13 =	vld [tilespmem:s14+$0x300];
	s13 =	sadd.s32 $0x2000, s14;
	v14 =	vmul.f32 s6, v3;
	v5 =	vmul.f32 $3.200000000e+01, v5  }
0xe6: {  	s26 =	sadd.s32 $0xD, s1;
	s18 =	scvt.s32.f32 s15;
	s0 =	sadd.s32 $0xE, s1;
	v6 =	vmul.f32 $3.200000000e+01, v6;
	v7 =	vmul.f32 $3.200000000e+01, v7;
	v4 =	vadd.f32 v4, v10;
	v10 =	vld [tilespmem:s13+$0x380]  }
0xe7: {  	s2 =	scvt.s32.f32 s9;
	s5 =	scvt.s32.f32 s26;
	s26 =	sadd.s32 $0x0, s19;
	v15 =	vld [tilespmem:s13+$0x0];
	v8 =	vmul.f32 $3.200000000e+01, v8;
	v5 =	vadd.f32 v5, v12;
	v12 =	vmul.f32 s16, v3  }
0xe8: {  	s15 =	simm.s32 $0x8;
	s0 =	scvt.s32.f32 s0;
	v16 =	vld [tilespmem:s13+$0x80];
	s31 =	sadd.s32 $0xF, s26;
	v17 =	vmul.f32 $3.200000000e+01, v9;
	v6 =	vadd.f32 v6, v14;
	v14 =	vmul.f32 s18, v3;
	[tilespmem:s14+$0x380] =	vst v4  }
0xe9: {  	s1 =	sadd.s32 $0xA, s26;
	s28 =	scvt.s32.f32 s31;
	v11 =	vmul.f32 $3.200000000e+01, v11;
	s16 =	sadd.s32 $0x8, s26;
	v4 =	vld [tilespmem:s13+$0x100];
	[tilespmem:s14+$0x0] =	vst v5;
	v7 =	vadd.f32 v7, v12;
	v12 =	vmul.f32 s2, v3  }
0xea: {  	s30 =	sadd.s32 $0xB, s26;
	s9 =	sadd.s32 $0xD, s26;
	v9 =	vmul.f32 $3.200000000e+01, v13;
	s16 =	scvt.s32.f32 s16;
	v5 =	vld [tilespmem:s13+$0x180];
	[tilespmem:s14+$0x80] =	vst v6;
	v8 =	vadd.f32 v8, v14;
	v14 =	vmul.f32 s5, v3  }
0xeb: {  	s29 =	sadd.s32 $0xE, s26;
	v19 =	vmul.f32 s28, v3;
	s28 =	scvt.s32.f32 s1;
	s18 =	sadd.s32 $0x9, s26;
	v6 =	vld [tilespmem:s13+$0x200];
	[tilespmem:s14+$0x100] =	vst v7;
	v17 =	vadd.f32 v17, v12;
	v18 =	vmul.f32 $3.200000000e+01, v10  }
0xec: {  	s31 =	sadd.s32 $0xC, s26;
	s6 =	scvt.s32.f32 s18;
	s18 =	scvt.s32.f32 s30;
	v7 =	vld [tilespmem:s13+$0x280];
	[tilespmem:s14+$0x180] =	vst v8;
	v13 =	vadd.f32 v11, v14;
	v14 =	vmul.f32 s0, v3;
	v12 =	vmul.f32 s16, v3  }
0xed: {  	s30 =	scvt.s32.f32 s31;
	s2 =	scvt.s32.f32 s9;
	v11 =	vmul.f32 $3.200000000e+01, v16;
	v8 =	vld [tilespmem:s13+$0x300];
	s16 =	sadd.s32 $0x2000, s13;
	v10 =	vmul.f32 $3.200000000e+01, v15;
	[tilespmem:s14+$0x200] =	vst v17;
	v15 =	vadd.f32 v18, v19  }
.LBB2_7:
0xee: {  	s5 =	smov.u32 s15  }
0xef: {  	v16 =	vld [tilespmem:s16+$0x380];
	v17 =	vmul.f32 s6, v3;
	v18 =	vmul.f32 $3.200000000e+01, v4;
	s0 =	scvt.s32.f32 s29;
	[tilespmem:s14+$0x280] =	vst v13;
	v4 =	vadd.f32 v9, v14;
	s15 =	sadd.s32 $0x8, s15;
	s5 =	sadd.s32 s5, s19  }
0xf0: {  	v13 =	vld [tilespmem:s16+$0x0];
	p0 =	slt.u32 s15, $0x18;
	v9 =	vadd.f32 v10, v12;
	v10 =	vmul.f32 s28, v3;
	v12 =	vmul.f32 $3.200000000e+01, v5;
	[tilespmem:s13+$0x380] =	vst v15;
	s6 =	sadd.s32 $0x8, s5  }
0xf1: {  	v14 =	vmul.f32 s18, v3;
	s26 =	sadd.s32 $0x9, s5;
	v15 =	vld [tilespmem:s16+$0x80];
	s28 =	sadd.s32 $0xF, s5;
	v11 =	vadd.f32 v11, v17;
	v17 =	vmul.f32 $3.200000000e+01, v6;
	[tilespmem:s14+$0x300] =	vst v4;
	s18 =	sadd.s32 $0xA, s5  }
.Ltmp2:
0xf2: {  	s31 =	sadd.s32 $0xB, s5;
	v4 =	vld [tilespmem:s16+$0x100];
	s14 =	scvt.s32.f32 s28;
	[tilespmem:s13+$0x0] =	vst v9;
	v10 =	vadd.f32 v18, v10;
	v18 =	vmul.f32 s30, v3;
	v19 =	vmul.f32 $3.200000000e+01, v7;
	(pc) =	sbr.rel @p0 .LBB2_7-.Ltmp2, $4  }
0xf3: {  	s9 =	sadd.s32 $0xD, s5;
	s29 =	sadd.s32 $0xE, s5;
	s30 =	sadd.s32 $0xC, s5;
	v5 =	vld [tilespmem:s16+$0x180];
	[tilespmem:s13+$0x80] =	vst v11;
	v11 =	vadd.f32 v12, v14;
	v12 =	vmul.f32 s2, v3;
	v9 =	vmul.f32 $3.200000000e+01, v8  }
0xf4: {  	s2 =	scvt.s32.f32 s6;
	s6 =	scvt.s32.f32 s26;
	v6 =	vld [tilespmem:s16+$0x200];
	v16 =	vmul.f32 $3.200000000e+01, v16;
	v20 =	vmul.f32 s14, v3;
	[tilespmem:s13+$0x100] =	vst v10;
	v17 =	vadd.f32 v17, v18;
	s14 =	smov.u32 s13  }
0xf5: {  	s28 =	scvt.s32.f32 s18;
	s18 =	scvt.s32.f32 s31;
	v14 =	vmul.f32 s0, v3;
	s13 =	smov.u32 s16;
	v10 =	vmul.f32 $3.200000000e+01, v13;
	v7 =	vld [tilespmem:s16+$0x280];
	[tilespmem:s14+$0x180] =	vst v11;
	v13 =	vadd.f32 v19, v12  }
0xf6: {  	s30 =	scvt.s32.f32 s30;
	v12 =	vmul.f32 s2, v3;
	s2 =	scvt.s32.f32 s9;
	s16 =	sadd.s32 $0x2000, s16;
	v11 =	vmul.f32 $3.200000000e+01, v15;
	v8 =	vld [tilespmem:s13+$0x300];
	v15 =	vadd.f32 v16, v20;
	[tilespmem:s14+$0x200] =	vst v17  }
0xf7: {  	v16 =	vmul.f32 s6, v3;
	[tilespmem:s14+$0x280] =	vst v13;
	v9 =	vadd.f32 v9, v14  }
0xf8: {  	v4 =	vmul.f32 $3.200000000e+01, v4;
	v58 =	vmul.f32 s28, v3;
	v10 =	vadd.f32 v10, v12;
	[tilespmem:s13+$0x380] =	vst v15  }
0xf9: {  	v59 =	vmul.f32 s18, v3;
	v5 =	vmul.f32 $3.200000000e+01, v5;
	v11 =	vadd.f32 v11, v16;
	[tilespmem:s14+$0x300] =	vst v9  }
0xfa: {  	s0 =	scvt.s32.f32 s29;
	s12 =	sadd.s32 $0x1, s12;
	v60 =	vmul.f32 s30, v3;
	v6 =	vmul.f32 $3.200000000e+01, v6;
	v4 =	vadd.f32 v4, v58;
	[tilespmem:s13+$0x0] =	vst v10  }
0xfb: {  	v61 =	vmul.f32 s2, v3;
	p0 =	sne.s32 s12, $0x40;
	v7 =	vmul.f32 $3.200000000e+01, v7;
	v5 =	vadd.f32 v5, v59;
	[tilespmem:s13+$0x80] =	vst v11  }
.Ltmp3:
0xfc: {  	v3 =	vmul.f32 s0, v3;
	v8 =	vmul.f32 $3.200000000e+01, v8;
	[tilespmem:s13+$0x100] =	vst v4;
	v62 =	vadd.f32 v6, v60;
	(pc) =	sbr.rel @p0 .LBB2_6-.Ltmp3, $4  }
0xfd: {  	[tilespmem:s13+$0x180] =	vst v5;
	v63 =	vadd.f32 v7, v61  }
0xfe: {  	[tilespmem:s13+$0x200] =	vst v62;
	v3 =	vadd.f32 v8, v3  }
0xff: {  	[tilespmem:s13+$0x280] =	vst v63  }
0x100: {  	s11 =	sadd.s32 $0x80, s11;
	s10 =	sadd.s32 $0x1, s10;
	[tilespmem:s13+$0x300] =	vst v3  }
0x101: {  	s10 =	simm.s32 $0x0  }
0x102: {  	s0 =	rddreg [dreg:$0x8];
	s1 =	simm.s32 $0x8500;
	s30 =	simm.s32 $0x4  }
0x103: {  	[hbm4b:s0+s10] =	stream.linear.scatter [tilespmem:s1], [sflag:$0x5], $0x8000, $0x38;
	[tilespmem:$0x18500] =	vst v63  }
0x104: {  	_ =	swait.ge [sflag:s30], $0x8000  }
0x105: {  	[sflag:s30] =	ssyncset.done $0x0  }
0x106: {  	[sflag:s30] =	ssyncadd.s32 $0xFFFF8000  }
0x107: {  	v3 =	vld [tilespmem:$0x60];
	_ =	sdelay $0x4  }
0x108: {  	v4 =	vshll.u32 v3, $0x3  }
0x109: {  	v3 =	vand.u32 $0x7, v3;
	v4 =	vand.u32 $0xFFFFFFC0, v4  }
0x10a: {  	v3 =	vor.u32 v3, v4  }
0x10b: {  	v4 =	vperm.xlane v3, v0;
	_ =	sdelay $0x1  }
0x10c: {  	v4 =	vadd.s32 v1, v4;
	_ =	sdelay $0x3  }
0x10d: {  	s31 =	simm.s32 $0x500;
	s0 =	rddreg [dreg:$0x0]  }
0x10e: {  	[tilespmem:s31], [sflag:$0x1] =	stream.indirect_vreg.gather [hbm4b:s0+s10], $0x80, v4, vm0, $0xb8;
	[tilespmem:$0x18500] =	vst v63  }
0x10f: {  	s2 =	simm.s32 $0xD00;
	v3 =	vperm.xlane v3, v2  }
0x110: {  	[tilespmem:s2], [sflag:$0x1] =	stream.indirect_vreg.gather [hbm4b:s7+s10], $0x80, v4, vm0, $0xb8;
	[tilespmem:$0x18500] =	vst v63  }
0x111: {  	s5 =	simm.s32 $0x1500;
	v3 =	vadd.s32 v1, v3  }
0x112: {  	[tilespmem:s5], [sflag:$0x1] =	stream.indirect_vreg.gather [hbm4b:s8+s10], $0x80, v4, vm0, $0xb8;
	[tilespmem:$0x18500] =	vst v63  }
0x113: {  	s6 =	simm.s32 $0x1D00  }
0x114: {  	[tilespmem:s6], [sflag:$0x1] =	stream.indirect_vreg.gather [hbm4b:s17+s10], $0x80, v4, vm0, $0xb8;
	[tilespmem:$0x18500] =	vst v63  }
0x115: {  	s9 =	simm.s32 $0x2500  }
0x116: {  	[tilespmem:s9], [sflag:$0x1] =	stream.indirect_vreg.gather [hbm4b:s0+s10], $0x80, v3, vm0, $0xb8;
	[tilespmem:$0x18500] =	vst v63  }
0x117: {  	s11 =	simm.s32 $0x2D00  }
0x118: {  	[tilespmem:s11], [sflag:$0x1] =	stream.indirect_vreg.gather [hbm4b:s7+s10], $0x80, v3, vm0, $0xb8;
	[tilespmem:$0x18500] =	vst v63  }
0x119: {  	s12 =	simm.s32 $0x3500  }
0x11a: {  	[tilespmem:s12], [sflag:$0x1] =	stream.indirect_vreg.gather [hbm4b:s8+s10], $0x80, v3, vm0, $0xb8;
	[tilespmem:$0x18500] =	vst v63  }
0x11b: {  	s13 =	simm.s32 $0x3D00  }
0x11c: {  	[tilespmem:s13], [sflag:$0x1] =	stream.indirect_vreg.gather [hbm4b:s17+s10], $0x80, v3, vm0, $0xb8;
	[tilespmem:$0x18500] =	vst v63  }
0x11d: {  	v3 =	vld [tilespmem:$0x70];
	_ =	sdelay $0x4  }
0x11e: {  	v63 =	vshll.u32 v3, $0x3  }
0x11f: {  	v3 =	vand.u32 $0x7, v3;
	v4 =	vand.u32 $0xFFFFFFC0, v63  }
0x120: {  	v3 =	vor.u32 v3, v4  }
0x121: {  	v4 =	vperm.xlane v3, v0;
	_ =	sdelay $0x1  }
0x122: {  	v4 =	vadd.s32 v1, v4;
	_ =	sdelay $0x3  }
0x123: {  	s14 =	simm.s32 $0x4500  }
0x124: {  	[tilespmem:s14], [sflag:$0x1] =	stream.indirect_vreg.gather [hbm4b:s0+s10], $0x80, v4, vm0, $0xb8;
	[tilespmem:$0x18500] =	vst v63  }
0x125: {  	s15 =	simm.s32 $0x4D00;
	v3 =	vperm.xlane v3, v2  }
0x126: {  	[tilespmem:s15], [sflag:$0x1] =	stream.indirect_vreg.gather [hbm4b:s7+s10], $0x80, v4, vm0, $0xb8;
	[tilespmem:$0x18500] =	vst v63  }
0x127: {  	s16 =	simm.s32 $0x5500;
	v3 =	vadd.s32 v1, v3  }
0x128: {  	[tilespmem:s16], [sflag:$0x1] =	stream.indirect_vreg.gather [hbm4b:s8+s10], $0x80, v4, vm0, $0xb8;
	[tilespmem:$0x18500] =	vst v63  }
0x129: {  	s18 =	simm.s32 $0x5D00  }
0x12a: {  	[tilespmem:s18], [sflag:$0x1] =	stream.indirect_vreg.gather [hbm4b:s17+s10], $0x80, v4, vm0, $0xb8;
	[tilespmem:$0x18500] =	vst v63  }
0x12b: {  	s26 =	simm.s32 $0x6500  }
0x12c: {  	[tilespmem:s26], [sflag:$0x1] =	stream.indirect_vreg.gather [hbm4b:s0+s10], $0x80, v3, vm0, $0xb8;
	[tilespmem:$0x18500] =	vst v63  }
0x12d: {  	s28 =	simm.s32 $0x6D00  }
0x12e: {  	[tilespmem:s28], [sflag:$0x1] =	stream.indirect_vreg.gather [hbm4b:s7+s10], $0x80, v3, vm0, $0xb8;
	[tilespmem:$0x18500] =	vst v63  }
0x12f: {  	s29 =	simm.s32 $0x7500  }
0x130: {  	[tilespmem:s29], [sflag:$0x1] =	stream.indirect_vreg.gather [hbm4b:s8+s10], $0x80, v3, vm0, $0xb8;
	[tilespmem:$0x18500] =	vst v63  }
0x131: {  	s30 =	simm.s32 $0x7D00;
	s31 =	simm.s32 $0x3  }
0x132: {  	[tilespmem:s30], [sflag:$0x1] =	stream.indirect_vreg.gather [hbm4b:s17+s10], $0x80, v3, vm0, $0xb8;
	[tilespmem:$0x18500] =	vst v63  }
0x133: {  	_ =	swait.ge [sflag:s31], $0x8000  }
0x134: {  	[sflag:s31] =	ssyncset.done $0x0  }
0x135: {  	s11 =	simm.s32 $0x0;
	s12 =	simm.s32 $0x0;
	[sflag:s31] =	ssyncadd.s32 $0xFFFF8000  }
.LBB2_10:
0x136: {  	s0 =	sshll.u32 s11, $0x2;
	s2 =	sand.u32 $0x7, s10  }
0x137: {  	s0 =	sand.u32 $0xFFFFF000, s0;
	s2 =	sshll.u32 s2, $0x6  }
0x138: {  	s0 =	sor.u32 s2, s0  }
0x139: {  	s31 =	sshll.u32 s12, $0x4;
	s0 =	sshrl.u32 s0, $0x2  }
0x13a: {  	v3 =	vld [tilespmem:s31+$0x100];
	s14 =	sadd.s32 $0x10500, s0  }
0x13b: {  	v4 =	vld [tilespmem:s14+$0x380]  }
0x13c: {  	s1 =	sadd.s32 $0xFFFFFFF8, s20;
	v5 =	vld [tilespmem:s14+$0x0]  }
0x13d: {  	s16 =	sadd.s32 $0xF, s1;
	v6 =	vld [tilespmem:s14+$0x80]  }
0x13e: {  	s5 =	sadd.s32 $0x8, s1;
	s2 =	scvt.s32.f32 s16;
	v7 =	vld [tilespmem:s14+$0x100]  }
0x13f: {  	s6 =	sadd.s32 $0x9, s1;
	s5 =	scvt.s32.f32 s5;
	v8 =	vld [tilespmem:s14+$0x180]  }
0x140: {  	s6 =	scvt.s32.f32 s6;
	v9 =	vld [tilespmem:s14+$0x200];
	v10 =	vmul.f32 s2, v3  }
0x141: {  	s9 =	sadd.s32 $0xA, s1;
	s15 =	sadd.s32 $0xB, s1;
	v11 =	vld [tilespmem:s14+$0x280];
	v12 =	vmul.f32 s5, v3;
	v4 =	vmul.f32 $3.200000000e+01, v4  }
0x142: {  	s18 =	sadd.s32 $0xC, s1;
	s9 =	scvt.s32.f32 s9;
	v13 =	vld [tilespmem:s14+$0x300];
	s13 =	sadd.s32 $0x2000, s14;
	v14 =	vmul.f32 s6, v3;
	v5 =	vmul.f32 $3.200000000e+01, v5  }
0x143: {  	s26 =	sadd.s32 $0xD, s1;
	s16 =	scvt.s32.f32 s15;
	s15 =	simm.s32 $0x8;
	v6 =	vmul.f32 $3.200000000e+01, v6;
	v7 =	vmul.f32 $3.200000000e+01, v7;
	v4 =	vadd.f32 v4, v10;
	v10 =	vld [tilespmem:s13+$0x380]  }
0x144: {  	s0 =	sadd.s32 $0xE, s1;
	s2 =	scvt.s32.f32 s18;
	s18 =	sadd.s32 $0x0, s20;
	v15 =	vld [tilespmem:s13+$0x0];
	v8 =	vmul.f32 $3.200000000e+01, v8;
	v5 =	vadd.f32 v5, v12;
	v12 =	vmul.f32 s9, v3  }
0x145: {  	s0 =	scvt.s32.f32 s0;
	s5 =	scvt.s32.f32 s26;
	v16 =	vld [tilespmem:s13+$0x80];
	s31 =	sadd.s32 $0xF, s18;
	v17 =	vmul.f32 $3.200000000e+01, v9;
	v6 =	vadd.f32 v6, v14;
	v14 =	vmul.f32 s16, v3;
	[tilespmem:s14+$0x380] =	vst v4  }
0x146: {  	s30 =	sadd.s32 $0xB, s18;
	s26 =	scvt.s32.f32 s31;
	v11 =	vmul.f32 $3.200000000e+01, v11;
	s9 =	sadd.s32 $0x8, s18;
	v4 =	vld [tilespmem:s13+$0x100];
	[tilespmem:s14+$0x0] =	vst v5;
	v7 =	vadd.f32 v7, v12;
	v12 =	vmul.f32 s2, v3  }
0x147: {  	s1 =	sadd.s32 $0xD, s18;
	v9 =	vmul.f32 $3.200000000e+01, v13;
	s16 =	sadd.s32 $0x9, s18;
	s9 =	scvt.s32.f32 s9;
	v5 =	vld [tilespmem:s13+$0x180];
	[tilespmem:s14+$0x80] =	vst v6;
	v8 =	vadd.f32 v8, v14;
	v14 =	vmul.f32 s5, v3  }
0x148: {  	s29 =	sadd.s32 $0xE, s18;
	s31 =	sadd.s32 $0xC, s18;
	v19 =	vmul.f32 s26, v3;
	s6 =	scvt.s32.f32 s16;
	v6 =	vld [tilespmem:s13+$0x200];
	[tilespmem:s14+$0x100] =	vst v7;
	v17 =	vadd.f32 v17, v12;
	v18 =	vmul.f32 $3.200000000e+01, v10  }
0x149: {  	s2 =	sadd.s32 $0xA, s18;
	s18 =	scvt.s32.f32 s30;
	s30 =	scvt.s32.f32 s31;
	v7 =	vld [tilespmem:s13+$0x280];
	[tilespmem:s14+$0x180] =	vst v8;
	v13 =	vadd.f32 v11, v14;
	v14 =	vmul.f32 s0, v3;
	v12 =	vmul.f32 s9, v3  }
0x14a: {  	s16 =	sadd.s32 $0x2000, s13;
	s28 =	scvt.s32.f32 s2;
	s2 =	scvt.s32.f32 s1;
	v11 =	vmul.f32 $3.200000000e+01, v16;
	v8 =	vld [tilespmem:s13+$0x300];
	v10 =	vmul.f32 $3.200000000e+01, v15;
	[tilespmem:s14+$0x200] =	vst v17;
	v15 =	vadd.f32 v18, v19  }
.LBB2_11:
0x14b: {  	s5 =	smov.u32 s15  }
0x14c: {  	v16 =	vld [tilespmem:s16+$0x380];
	v17 =	vmul.f32 s6, v3;
	v18 =	vmul.f32 $3.200000000e+01, v4;
	s0 =	scvt.s32.f32 s29;
	[tilespmem:s14+$0x280] =	vst v13;
	v4 =	vadd.f32 v9, v14;
	s15 =	sadd.s32 $0x8, s15;
	s5 =	sadd.s32 s5, s20  }
0x14d: {  	v13 =	vld [tilespmem:s16+$0x0];
	p0 =	slt.u32 s15, $0x18;
	v9 =	vadd.f32 v10, v12;
	v10 =	vmul.f32 s28, v3;
	v12 =	vmul.f32 $3.200000000e+01, v5;
	[tilespmem:s13+$0x380] =	vst v15;
	s6 =	sadd.s32 $0x8, s5  }
0x14e: {  	v14 =	vmul.f32 s18, v3;
	s9 =	sadd.s32 $0x9, s5;
	v15 =	vld [tilespmem:s16+$0x80];
	s26 =	sadd.s32 $0xF, s5;
	v11 =	vadd.f32 v11, v17;
	v17 =	vmul.f32 $3.200000000e+01, v6;
	[tilespmem:s14+$0x300] =	vst v4;
	s18 =	sadd.s32 $0xA, s5  }
.Ltmp4:
0x14f: {  	s31 =	sadd.s32 $0xB, s5;
	v4 =	vld [tilespmem:s16+$0x100];
	s14 =	scvt.s32.f32 s26;
	[tilespmem:s13+$0x0] =	vst v9;
	v10 =	vadd.f32 v18, v10;
	v18 =	vmul.f32 s30, v3;
	v19 =	vmul.f32 $3.200000000e+01, v7;
	(pc) =	sbr.rel @p0 .LBB2_11-.Ltmp4, $4  }
0x150: {  	s1 =	sadd.s32 $0xD, s5;
	s29 =	sadd.s32 $0xE, s5;
	s26 =	sadd.s32 $0xC, s5;
	v5 =	vld [tilespmem:s16+$0x180];
	[tilespmem:s13+$0x80] =	vst v11;
	v11 =	vadd.f32 v12, v14;
	v12 =	vmul.f32 s2, v3;
	v9 =	vmul.f32 $3.200000000e+01, v8  }
0x151: {  	s2 =	scvt.s32.f32 s6;
	s6 =	scvt.s32.f32 s9;
	v6 =	vld [tilespmem:s16+$0x200];
	v16 =	vmul.f32 $3.200000000e+01, v16;
	v20 =	vmul.f32 s14, v3;
	[tilespmem:s13+$0x100] =	vst v10;
	v17 =	vadd.f32 v17, v18;
	s14 =	smov.u32 s13  }
0x152: {  	s28 =	scvt.s32.f32 s18;
	s18 =	scvt.s32.f32 s31;
	v14 =	vmul.f32 s0, v3;
	s13 =	smov.u32 s16;
	v10 =	vmul.f32 $3.200000000e+01, v13;
	v7 =	vld [tilespmem:s16+$0x280];
	[tilespmem:s14+$0x180] =	vst v11;
	v13 =	vadd.f32 v19, v12  }
0x153: {  	s30 =	scvt.s32.f32 s26;
	v12 =	vmul.f32 s2, v3;
	s2 =	scvt.s32.f32 s1;
	s16 =	sadd.s32 $0x2000, s16;
	v11 =	vmul.f32 $3.200000000e+01, v15;
	v8 =	vld [tilespmem:s13+$0x300];
	v15 =	vadd.f32 v16, v20;
	[tilespmem:s14+$0x200] =	vst v17  }
0x154: {  	v16 =	vmul.f32 s6, v3;
	[tilespmem:s14+$0x280] =	vst v13;
	v9 =	vadd.f32 v9, v14  }
0x155: {  	v4 =	vmul.f32 $3.200000000e+01, v4;
	v58 =	vmul.f32 s28, v3;
	v10 =	vadd.f32 v10, v12;
	[tilespmem:s13+$0x380] =	vst v15  }
0x156: {  	v59 =	vmul.f32 s18, v3;
	v5 =	vmul.f32 $3.200000000e+01, v5;
	v11 =	vadd.f32 v11, v16;
	[tilespmem:s14+$0x300] =	vst v9  }
0x157: {  	s0 =	scvt.s32.f32 s29;
	s12 =	sadd.s32 $0x1, s12;
	v60 =	vmul.f32 s30, v3;
	v6 =	vmul.f32 $3.200000000e+01, v6;
	v4 =	vadd.f32 v4, v58;
	[tilespmem:s13+$0x0] =	vst v10  }
0x158: {  	v61 =	vmul.f32 s2, v3;
	p0 =	sne.s32 s12, $0x40;
	v7 =	vmul.f32 $3.200000000e+01, v7;
	v5 =	vadd.f32 v5, v59;
	[tilespmem:s13+$0x80] =	vst v11  }
.Ltmp5:
0x159: {  	v3 =	vmul.f32 s0, v3;
	v8 =	vmul.f32 $3.200000000e+01, v8;
	[tilespmem:s13+$0x100] =	vst v4;
	v62 =	vadd.f32 v6, v60;
	(pc) =	sbr.rel @p0 .LBB2_10-.Ltmp5, $4  }
0x15a: {  	[tilespmem:s13+$0x180] =	vst v5;
	v63 =	vadd.f32 v7, v61  }
0x15b: {  	[tilespmem:s13+$0x200] =	vst v62;
	v3 =	vadd.f32 v8, v3  }
0x15c: {  	[tilespmem:s13+$0x280] =	vst v63  }
0x15d: {  	s11 =	sadd.s32 $0x80, s11;
	s10 =	sadd.s32 $0x1, s10;
	[tilespmem:s13+$0x300] =	vst v3  }
0x15e: {  	s10 =	simm.s32 $0x0  }
0x15f: {  	s0 =	rddreg [dreg:$0x9];
	s1 =	simm.s32 $0x10500;
	s30 =	simm.s32 $0x5  }
0x160: {  	[hbm4b:s0+s10] =	stream.linear.scatter [tilespmem:s1], [sflag:$0x6], $0x8000, $0x38;
	[tilespmem:$0x18500] =	vst v63  }
0x161: {  	_ =	swait.ge [sflag:s30], $0x8000  }
0x162: {  	[sflag:s30] =	ssyncset.done $0x0  }
0x163: {  	[sflag:s30] =	ssyncadd.s32 $0xFFFF8000  }
0x164: {  	v3 =	vld [tilespmem:$0x80];
	_ =	sdelay $0x4  }
0x165: {  	v4 =	vshll.u32 v3, $0x3  }
0x166: {  	v3 =	vand.u32 $0x7, v3;
	v4 =	vand.u32 $0xFFFFFFC0, v4  }
0x167: {  	v3 =	vor.u32 v3, v4  }
0x168: {  	v4 =	vperm.xlane v3, v0;
	_ =	sdelay $0x1  }
0x169: {  	v4 =	vadd.s32 v1, v4;
	_ =	sdelay $0x3  }
0x16a: {  	s31 =	simm.s32 $0x8500;
	s0 =	rddreg [dreg:$0x0]  }
0x16b: {  	[tilespmem:s31], [sflag:$0x2] =	stream.indirect_vreg.gather [hbm4b:s0+s10], $0x80, v4, vm0, $0xb8;
	[tilespmem:$0x18500] =	vst v63  }
0x16c: {  	s2 =	simm.s32 $0x8D00;
	v3 =	vperm.xlane v3, v2  }
0x16d: {  	[tilespmem:s2], [sflag:$0x2] =	stream.indirect_vreg.gather [hbm4b:s7+s10], $0x80, v4, vm0, $0xb8;
	[tilespmem:$0x18500] =	vst v63  }
0x16e: {  	s5 =	simm.s32 $0x9500;
	v3 =	vadd.s32 v1, v3  }
0x16f: {  	[tilespmem:s5], [sflag:$0x2] =	stream.indirect_vreg.gather [hbm4b:s8+s10], $0x80, v4, vm0, $0xb8;
	[tilespmem:$0x18500] =	vst v63  }
0x170: {  	s6 =	simm.s32 $0x9D00  }
0x171: {  	[tilespmem:s6], [sflag:$0x2] =	stream.indirect_vreg.gather [hbm4b:s17+s10], $0x80, v4, vm0, $0xb8;
	[tilespmem:$0x18500] =	vst v63  }
0x172: {  	s9 =	simm.s32 $0xA500  }
0x173: {  	[tilespmem:s9], [sflag:$0x2] =	stream.indirect_vreg.gather [hbm4b:s0+s10], $0x80, v3, vm0, $0xb8;
	[tilespmem:$0x18500] =	vst v63  }
0x174: {  	s11 =	simm.s32 $0xAD00  }
0x175: {  	[tilespmem:s11], [sflag:$0x2] =	stream.indirect_vreg.gather [hbm4b:s7+s10], $0x80, v3, vm0, $0xb8;
	[tilespmem:$0x18500] =	vst v63  }
0x176: {  	s12 =	simm.s32 $0xB500  }
0x177: {  	[tilespmem:s12], [sflag:$0x2] =	stream.indirect_vreg.gather [hbm4b:s8+s10], $0x80, v3, vm0, $0xb8;
	[tilespmem:$0x18500] =	vst v63  }
0x178: {  	s13 =	simm.s32 $0xBD00  }
0x179: {  	[tilespmem:s13], [sflag:$0x2] =	stream.indirect_vreg.gather [hbm4b:s17+s10], $0x80, v3, vm0, $0xb8;
	[tilespmem:$0x18500] =	vst v63  }
0x17a: {  	v3 =	vld [tilespmem:$0x90];
	_ =	sdelay $0x4  }
0x17b: {  	v63 =	vshll.u32 v3, $0x3  }
0x17c: {  	v3 =	vand.u32 $0x7, v3;
	v4 =	vand.u32 $0xFFFFFFC0, v63  }
0x17d: {  	v3 =	vor.u32 v3, v4  }
0x17e: {  	v4 =	vperm.xlane v3, v0;
	_ =	sdelay $0x1  }
0x17f: {  	v4 =	vadd.s32 v1, v4;
	_ =	sdelay $0x3  }
0x180: {  	s14 =	simm.s32 $0xC500  }
0x181: {  	[tilespmem:s14], [sflag:$0x2] =	stream.indirect_vreg.gather [hbm4b:s0+s10], $0x80, v4, vm0, $0xb8;
	[tilespmem:$0x18500] =	vst v63  }
0x182: {  	s15 =	simm.s32 $0xCD00;
	v3 =	vperm.xlane v3, v2  }
0x183: {  	[tilespmem:s15], [sflag:$0x2] =	stream.indirect_vreg.gather [hbm4b:s7+s10], $0x80, v4, vm0, $0xb8;
	[tilespmem:$0x18500] =	vst v63  }
0x184: {  	s16 =	simm.s32 $0xD500;
	v3 =	vadd.s32 v1, v3  }
0x185: {  	[tilespmem:s16], [sflag:$0x2] =	stream.indirect_vreg.gather [hbm4b:s8+s10], $0x80, v4, vm0, $0xb8;
	[tilespmem:$0x18500] =	vst v63  }
0x186: {  	s18 =	simm.s32 $0xDD00  }
0x187: {  	[tilespmem:s18], [sflag:$0x2] =	stream.indirect_vreg.gather [hbm4b:s17+s10], $0x80, v4, vm0, $0xb8;
	[tilespmem:$0x18500] =	vst v63  }
0x188: {  	s26 =	simm.s32 $0xE500  }
0x189: {  	[tilespmem:s26], [sflag:$0x2] =	stream.indirect_vreg.gather [hbm4b:s0+s10], $0x80, v3, vm0, $0xb8;
	[tilespmem:$0x18500] =	vst v63  }
0x18a: {  	s28 =	simm.s32 $0xED00  }
0x18b: {  	[tilespmem:s28], [sflag:$0x2] =	stream.indirect_vreg.gather [hbm4b:s7+s10], $0x80, v3, vm0, $0xb8;
	[tilespmem:$0x18500] =	vst v63  }
0x18c: {  	s29 =	simm.s32 $0xF500  }
0x18d: {  	[tilespmem:s29], [sflag:$0x2] =	stream.indirect_vreg.gather [hbm4b:s8+s10], $0x80, v3, vm0, $0xb8;
	[tilespmem:$0x18500] =	vst v63  }
0x18e: {  	s30 =	simm.s32 $0xFD00;
	s31 =	simm.s32 $0x1  }
0x18f: {  	[tilespmem:s30], [sflag:$0x2] =	stream.indirect_vreg.gather [hbm4b:s17+s10], $0x80, v3, vm0, $0xb8;
	[tilespmem:$0x18500] =	vst v63  }
0x190: {  	_ =	swait.ge [sflag:s31], $0x8000  }
0x191: {  	[sflag:s31] =	ssyncset.done $0x0  }
0x192: {  	s11 =	simm.s32 $0x0;
	s12 =	simm.s32 $0x0;
	[sflag:s31] =	ssyncadd.s32 $0xFFFF8000  }
.LBB2_14:
0x193: {  	s0 =	sshll.u32 s11, $0x2;
	s1 =	sand.u32 $0x7, s10  }
0x194: {  	s0 =	sand.u32 $0xFFFFF000, s0;
	s1 =	sshll.u32 s1, $0x6  }
0x195: {  	s0 =	sor.u32 s1, s0  }
0x196: {  	s26 =	sshll.u32 s12, $0x4;
	s0 =	sshrl.u32 s0, $0x2  }
0x197: {  	v3 =	vld [tilespmem:s26+$0x100];
	s14 =	sadd.s32 $0x700, s0  }
0x198: {  	v4 =	vld [tilespmem:s14+$0x180]  }
0x199: {  	s31 =	sadd.s32 $0xFFFFFFF8, s21;
	v5 =	vld [tilespmem:s14+$0xFFFFFE00]  }
0x19a: {  	s15 =	sadd.s32 $0xF, s31;
	v6 =	vld [tilespmem:s14+$0xFFFFFE80]  }
0x19b: {  	s2 =	sadd.s32 $0x8, s31;
	s1 =	scvt.s32.f32 s15;
	v7 =	vld [tilespmem:s14+$0xFFFFFF00]  }
0x19c: {  	s5 =	sadd.s32 $0x9, s31;
	s2 =	scvt.s32.f32 s2;
	v8 =	vld [tilespmem:s14+$0xFFFFFF80]  }
0x19d: {  	s5 =	scvt.s32.f32 s5;
	v9 =	vld [tilespmem:s14+$0x0];
	v10 =	vmul.f32 s1, v3  }
0x19e: {  	s6 =	sadd.s32 $0xA, s31;
	s9 =	sadd.s32 $0xB, s31;
	v11 =	vld [tilespmem:s14+$0x80];
	v12 =	vmul.f32 s2, v3;
	v4 =	vmul.f32 $3.200000000e+01, v4  }
0x19f: {  	s16 =	sadd.s32 $0xC, s31;
	s6 =	scvt.s32.f32 s6;
	v13 =	vld [tilespmem:s14+$0x100];
	s13 =	sadd.s32 $0x2000, s14;
	v14 =	vmul.f32 s5, v3;
	v5 =	vmul.f32 $3.200000000e+01, v5  }
0x1a0: {  	s18 =	sadd.s32 $0xD, s31;
	s9 =	scvt.s32.f32 s9;
	s15 =	simm.s32 $0x8;
	v6 =	vmul.f32 $3.200000000e+01, v6;
	v7 =	vmul.f32 $3.200000000e+01, v7;
	v4 =	vadd.f32 v4, v10;
	v10 =	vld [tilespmem:s13+$0x180]  }
0x1a1: {  	s0 =	sadd.s32 $0xE, s31;
	s1 =	scvt.s32.f32 s16;
	s5 =	sadd.s32 $0x0, s21;
	v15 =	vld [tilespmem:s13+$0xFFFFFE00];
	v8 =	vmul.f32 $3.200000000e+01, v8;
	v5 =	vadd.f32 v5, v12;
	v12 =	vmul.f32 s6, v3  }
0x1a2: {  	s0 =	scvt.s32.f32 s0;
	s2 =	scvt.s32.f32 s18;
	v16 =	vld [tilespmem:s13+$0xFFFFFE80];
	s26 =	sadd.s32 $0xF, s5;
	v17 =	vmul.f32 $3.200000000e+01, v9;
	v6 =	vadd.f32 v6, v14;
	v14 =	vmul.f32 s9, v3;
	[tilespmem:s14+$0x180] =	vst v4  }
0x1a3: {  	s16 =	sadd.s32 $0x9, s5;
	s18 =	scvt.s32.f32 s26;
	v11 =	vmul.f32 $3.200000000e+01, v11;
	s9 =	sadd.s32 $0x8, s5;
	v4 =	vld [tilespmem:s13+$0xFFFFFF00];
	[tilespmem:s14+$0xFFFFFE00] =	vst v5;
	v7 =	vadd.f32 v7, v12;
	v12 =	vmul.f32 s1, v3  }
0x1a4: {  	s30 =	sadd.s32 $0xC, s5;
	s31 =	sadd.s32 $0xD, s5;
	v9 =	vmul.f32 $3.200000000e+01, v13;
	s9 =	scvt.s32.f32 s9;
	v5 =	vld [tilespmem:s13+$0xFFFFFF80];
	[tilespmem:s14+$0xFFFFFE80] =	vst v6;
	v8 =	vadd.f32 v8, v14;
	v14 =	vmul.f32 s2, v3  }
0x1a5: {  	s29 =	sadd.s32 $0xE, s5;
	s26 =	sadd.s32 $0xB, s5;
	s30 =	scvt.s32.f32 s30;
	v19 =	vmul.f32 s18, v3;
	v6 =	vld [tilespmem:s13+$0x0];
	[tilespmem:s14+$0xFFFFFF00] =	vst v7;
	v17 =	vadd.f32 v17, v12;
	v18 =	vmul.f32 $3.200000000e+01, v10  }
0x1a6: {  	s18 =	scvt.s32.f32 s26;
	s6 =	scvt.s32.f32 s16;
	s1 =	sadd.s32 $0xA, s5;
	v7 =	vld [tilespmem:s13+$0x80];
	[tilespmem:s14+$0xFFFFFF80] =	vst v8;
	v13 =	vadd.f32 v11, v14;
	v14 =	vmul.f32 s0, v3;
	v12 =	vmul.f32 s9, v3  }
0x1a7: {  	s16 =	sadd.s32 $0x2000, s13;
	s2 =	scvt.s32.f32 s31;
	s28 =	scvt.s32.f32 s1;
	v11 =	vmul.f32 $3.200000000e+01, v16;
	v8 =	vld [tilespmem:s13+$0x100];
	v10 =	vmul.f32 $3.200000000e+01, v15;
	[tilespmem:s14+$0x0] =	vst v17;
	v15 =	vadd.f32 v18, v19  }
.LBB2_15:
0x1a8: {  	s1 =	smov.u32 s15  }
0x1a9: {  	v16 =	vld [tilespmem:s16+$0x180];
	v17 =	vmul.f32 s6, v3;
	v18 =	vmul.f32 $3.200000000e+01, v4;
	s0 =	scvt.s32.f32 s29;
	[tilespmem:s14+$0x80] =	vst v13;
	v4 =	vadd.f32 v9, v14;
	s15 =	sadd.s32 $0x8, s15;
	s1 =	sadd.s32 s1, s21  }
0x1aa: {  	v13 =	vld [tilespmem:s16+$0xFFFFFE00];
	p0 =	slt.u32 s15, $0x18;
	v9 =	vadd.f32 v10, v12;
	v10 =	vmul.f32 s28, v3;
	v12 =	vmul.f32 $3.200000000e+01, v5;
	[tilespmem:s13+$0x180] =	vst v15;
	s5 =	sadd.s32 $0x8, s1  }
0x1ab: {  	v14 =	vmul.f32 s18, v3;
	s6 =	sadd.s32 $0x9, s1;
	v15 =	vld [tilespmem:s16+$0xFFFFFE80];
	s9 =	sadd.s32 $0xF, s1;
	v11 =	vadd.f32 v11, v17;
	v17 =	vmul.f32 $3.200000000e+01, v6;
	[tilespmem:s14+$0x100] =	vst v4;
	s18 =	sadd.s32 $0xA, s1  }
.Ltmp6:
0x1ac: {  	s26 =	sadd.s32 $0xB, s1;
	v4 =	vld [tilespmem:s16+$0xFFFFFF00];
	s9 =	scvt.s32.f32 s9;
	[tilespmem:s13+$0xFFFFFE00] =	vst v9;
	v10 =	vadd.f32 v18, v10;
	v18 =	vmul.f32 s30, v3;
	v19 =	vmul.f32 $3.200000000e+01, v7;
	(pc) =	sbr.rel @p0 .LBB2_15-.Ltmp6, $4  }
0x1ad: {  	s31 =	sadd.s32 $0xD, s1;
	s29 =	sadd.s32 $0xE, s1;
	s30 =	sadd.s32 $0xC, s1;
	v5 =	vld [tilespmem:s16+$0xFFFFFF80];
	[tilespmem:s13+$0xFFFFFE80] =	vst v11;
	v11 =	vadd.f32 v12, v14;
	v12 =	vmul.f32 s2, v3;
	v9 =	vmul.f32 $3.200000000e+01, v8  }
0x1ae: {  	s14 =	smov.u32 s13;
	s1 =	scvt.s32.f32 s5;
	s6 =	scvt.s32.f32 s6;
	v6 =	vld [tilespmem:s16+$0x0];
	v16 =	vmul.f32 $3.200000000e+01, v16;
	v20 =	vmul.f32 s9, v3;
	[tilespmem:s13+$0xFFFFFF00] =	vst v10;
	v17 =	vadd.f32 v17, v18  }
0x1af: {  	s28 =	scvt.s32.f32 s18;
	s18 =	scvt.s32.f32 s26;
	v14 =	vmul.f32 s0, v3;
	s13 =	smov.u32 s16;
	v10 =	vmul.f32 $3.200000000e+01, v13;
	v7 =	vld [tilespmem:s16+$0x80];
	[tilespmem:s14+$0xFFFFFF80] =	vst v11;
	v13 =	vadd.f32 v19, v12  }
0x1b0: {  	s30 =	scvt.s32.f32 s30;
	s2 =	scvt.s32.f32 s31;
	v12 =	vmul.f32 s1, v3;
	s16 =	sadd.s32 $0x2000, s16;
	v11 =	vmul.f32 $3.200000000e+01, v15;
	v8 =	vld [tilespmem:s13+$0x100];
	v15 =	vadd.f32 v16, v20;
	[tilespmem:s14+$0x0] =	vst v17  }
0x1b1: {  	v16 =	vmul.f32 s6, v3;
	[tilespmem:s14+$0x80] =	vst v13;
	v9 =	vadd.f32 v9, v14  }
0x1b2: {  	v4 =	vmul.f32 $3.200000000e+01, v4;
	v58 =	vmul.f32 s28, v3;
	v10 =	vadd.f32 v10, v12;
	[tilespmem:s13+$0x180] =	vst v15  }
0x1b3: {  	v59 =	vmul.f32 s18, v3;
	v5 =	vmul.f32 $3.200000000e+01, v5;
	v11 =	vadd.f32 v11, v16;
	[tilespmem:s14+$0x100] =	vst v9  }
0x1b4: {  	s0 =	scvt.s32.f32 s29;
	s12 =	sadd.s32 $0x1, s12;
	v60 =	vmul.f32 s30, v3;
	v6 =	vmul.f32 $3.200000000e+01, v6;
	v4 =	vadd.f32 v4, v58;
	[tilespmem:s13+$0xFFFFFE00] =	vst v10  }
0x1b5: {  	v61 =	vmul.f32 s2, v3;
	p0 =	sne.s32 s12, $0x40;
	v7 =	vmul.f32 $3.200000000e+01, v7;
	v5 =	vadd.f32 v5, v59;
	[tilespmem:s13+$0xFFFFFE80] =	vst v11  }
.Ltmp7:
0x1b6: {  	v3 =	vmul.f32 s0, v3;
	v8 =	vmul.f32 $3.200000000e+01, v8;
	[tilespmem:s13+$0xFFFFFF00] =	vst v4;
	v62 =	vadd.f32 v6, v60;
	(pc) =	sbr.rel @p0 .LBB2_14-.Ltmp7, $4  }
0x1b7: {  	[tilespmem:s13+$0xFFFFFF80] =	vst v5;
	v63 =	vadd.f32 v7, v61  }
0x1b8: {  	[tilespmem:s13+$0x0] =	vst v62;
	v3 =	vadd.f32 v8, v3  }
0x1b9: {  	[tilespmem:s13+$0x80] =	vst v63  }
0x1ba: {  	s11 =	sadd.s32 $0x80, s11;
	s10 =	sadd.s32 $0x1, s10;
	[tilespmem:s13+$0x100] =	vst v3  }
0x1bb: {  	s10 =	simm.s32 $0x0  }
0x1bc: {  	s0 =	rddreg [dreg:$0xa];
	s1 =	simm.s32 $0x500;
	s30 =	simm.s32 $0x6  }
0x1bd: {  	[hbm4b:s0+s10] =	stream.linear.scatter [tilespmem:s1], [sflag:$0x4], $0x8000, $0x38;
	[tilespmem:$0x18500] =	vst v63  }
0x1be: {  	_ =	swait.ge [sflag:s30], $0x8000  }
0x1bf: {  	[sflag:s30] =	ssyncset.done $0x0  }
0x1c0: {  	[sflag:s30] =	ssyncadd.s32 $0xFFFF8000  }
0x1c1: {  	v3 =	vld [tilespmem:$0xA0];
	_ =	sdelay $0x4  }
0x1c2: {  	v4 =	vshll.u32 v3, $0x3  }
0x1c3: {  	v3 =	vand.u32 $0x7, v3;
	v4 =	vand.u32 $0xFFFFFFC0, v4  }
0x1c4: {  	v3 =	vor.u32 v3, v4  }
0x1c5: {  	v4 =	vperm.xlane v3, v0;
	_ =	sdelay $0x1  }
0x1c6: {  	v4 =	vadd.s32 v1, v4;
	_ =	sdelay $0x3  }
0x1c7: {  	s31 =	simm.s32 $0x10500;
	s0 =	rddreg [dreg:$0x0]  }
0x1c8: {  	[tilespmem:s31], [sflag:$0x3] =	stream.indirect_vreg.gather [hbm4b:s0+s10], $0x80, v4, vm0, $0xb8;
	[tilespmem:$0x18500] =	vst v63  }
0x1c9: {  	s2 =	simm.s32 $0x10D00;
	v3 =	vperm.xlane v3, v2  }
0x1ca: {  	[tilespmem:s2], [sflag:$0x3] =	stream.indirect_vreg.gather [hbm4b:s7+s10], $0x80, v4, vm0, $0xb8;
	[tilespmem:$0x18500] =	vst v63  }
0x1cb: {  	s5 =	simm.s32 $0x11500;
	v3 =	vadd.s32 v1, v3  }
0x1cc: {  	[tilespmem:s5], [sflag:$0x3] =	stream.indirect_vreg.gather [hbm4b:s8+s10], $0x80, v4, vm0, $0xb8;
	[tilespmem:$0x18500] =	vst v63  }
0x1cd: {  	s6 =	simm.s32 $0x11D00  }
0x1ce: {  	[tilespmem:s6], [sflag:$0x3] =	stream.indirect_vreg.gather [hbm4b:s17+s10], $0x80, v4, vm0, $0xb8;
	[tilespmem:$0x18500] =	vst v63  }
0x1cf: {  	s9 =	simm.s32 $0x12500  }
0x1d0: {  	[tilespmem:s9], [sflag:$0x3] =	stream.indirect_vreg.gather [hbm4b:s0+s10], $0x80, v3, vm0, $0xb8;
	[tilespmem:$0x18500] =	vst v63  }
0x1d1: {  	s11 =	simm.s32 $0x12D00  }
0x1d2: {  	[tilespmem:s11], [sflag:$0x3] =	stream.indirect_vreg.gather [hbm4b:s7+s10], $0x80, v3, vm0, $0xb8;
	[tilespmem:$0x18500] =	vst v63  }
0x1d3: {  	s12 =	simm.s32 $0x13500  }
0x1d4: {  	[tilespmem:s12], [sflag:$0x3] =	stream.indirect_vreg.gather [hbm4b:s8+s10], $0x80, v3, vm0, $0xb8;
	[tilespmem:$0x18500] =	vst v63  }
0x1d5: {  	s13 =	simm.s32 $0x13D00  }
0x1d6: {  	[tilespmem:s13], [sflag:$0x3] =	stream.indirect_vreg.gather [hbm4b:s17+s10], $0x80, v3, vm0, $0xb8;
	[tilespmem:$0x18500] =	vst v63  }
0x1d7: {  	v3 =	vld [tilespmem:$0xB0];
	_ =	sdelay $0x4  }
0x1d8: {  	v63 =	vshll.u32 v3, $0x3  }
0x1d9: {  	v3 =	vand.u32 $0x7, v3;
	v4 =	vand.u32 $0xFFFFFFC0, v63  }
0x1da: {  	v3 =	vor.u32 v3, v4  }
0x1db: {  	v4 =	vperm.xlane v3, v0;
	_ =	sdelay $0x1  }
0x1dc: {  	v4 =	vadd.s32 v1, v4;
	_ =	sdelay $0x3  }
0x1dd: {  	s14 =	simm.s32 $0x14500  }
0x1de: {  	[tilespmem:s14], [sflag:$0x3] =	stream.indirect_vreg.gather [hbm4b:s0+s10], $0x80, v4, vm0, $0xb8;
	[tilespmem:$0x18500] =	vst v63  }
0x1df: {  	s15 =	simm.s32 $0x14D00;
	v3 =	vperm.xlane v3, v2  }
0x1e0: {  	[tilespmem:s15], [sflag:$0x3] =	stream.indirect_vreg.gather [hbm4b:s7+s10], $0x80, v4, vm0, $0xb8;
	[tilespmem:$0x18500] =	vst v63  }
0x1e1: {  	s16 =	simm.s32 $0x15500;
	v3 =	vadd.s32 v1, v3  }
0x1e2: {  	[tilespmem:s16], [sflag:$0x3] =	stream.indirect_vreg.gather [hbm4b:s8+s10], $0x80, v4, vm0, $0xb8;
	[tilespmem:$0x18500] =	vst v63  }
0x1e3: {  	s18 =	simm.s32 $0x15D00  }
0x1e4: {  	[tilespmem:s18], [sflag:$0x3] =	stream.indirect_vreg.gather [hbm4b:s17+s10], $0x80, v4, vm0, $0xb8;
	[tilespmem:$0x18500] =	vst v63  }
0x1e5: {  	s26 =	simm.s32 $0x16500  }
0x1e6: {  	[tilespmem:s26], [sflag:$0x3] =	stream.indirect_vreg.gather [hbm4b:s0+s10], $0x80, v3, vm0, $0xb8;
	[tilespmem:$0x18500] =	vst v63  }
0x1e7: {  	s28 =	simm.s32 $0x16D00  }
0x1e8: {  	[tilespmem:s28], [sflag:$0x3] =	stream.indirect_vreg.gather [hbm4b:s7+s10], $0x80, v3, vm0, $0xb8;
	[tilespmem:$0x18500] =	vst v63  }
0x1e9: {  	s29 =	simm.s32 $0x17500  }
0x1ea: {  	[tilespmem:s29], [sflag:$0x3] =	stream.indirect_vreg.gather [hbm4b:s8+s10], $0x80, v3, vm0, $0xb8;
	[tilespmem:$0x18500] =	vst v63  }
0x1eb: {  	s30 =	simm.s32 $0x17D00;
	s31 =	simm.s32 $0x2  }
0x1ec: {  	[tilespmem:s30], [sflag:$0x3] =	stream.indirect_vreg.gather [hbm4b:s17+s10], $0x80, v3, vm0, $0xb8;
	[tilespmem:$0x18500] =	vst v63  }
0x1ed: {  	_ =	swait.ge [sflag:s31], $0x8000  }
0x1ee: {  	[sflag:s31] =	ssyncset.done $0x0  }
0x1ef: {  	s11 =	simm.s32 $0x0;
	s12 =	simm.s32 $0x0;
	[sflag:s31] =	ssyncadd.s32 $0xFFFF8000  }
.LBB2_18:
0x1f0: {  	s0 =	sshll.u32 s11, $0x2;
	s1 =	sand.u32 $0x7, s10  }
0x1f1: {  	s0 =	sand.u32 $0xFFFFF000, s0;
	s1 =	sshll.u32 s1, $0x6  }
0x1f2: {  	s0 =	sor.u32 s1, s0  }
0x1f3: {  	s26 =	sshll.u32 s12, $0x4;
	s0 =	sshrl.u32 s0, $0x2  }
0x1f4: {  	v3 =	vld [tilespmem:s26+$0x100];
	s14 =	sadd.s32 $0x8500, s0  }
0x1f5: {  	v4 =	vld [tilespmem:s14+$0x380]  }
0x1f6: {  	s31 =	sadd.s32 $0xFFFFFFF8, s22;
	v5 =	vld [tilespmem:s14+$0x0]  }
0x1f7: {  	s15 =	sadd.s32 $0xF, s31;
	v6 =	vld [tilespmem:s14+$0x80]  }
0x1f8: {  	s2 =	sadd.s32 $0x8, s31;
	s1 =	scvt.s32.f32 s15;
	v7 =	vld [tilespmem:s14+$0x100]  }
0x1f9: {  	s5 =	sadd.s32 $0x9, s31;
	s2 =	scvt.s32.f32 s2;
	v8 =	vld [tilespmem:s14+$0x180]  }
0x1fa: {  	s5 =	scvt.s32.f32 s5;
	v9 =	vld [tilespmem:s14+$0x200];
	v10 =	vmul.f32 s1, v3  }
0x1fb: {  	s6 =	sadd.s32 $0xA, s31;
	s9 =	sadd.s32 $0xB, s31;
	v11 =	vld [tilespmem:s14+$0x280];
	v12 =	vmul.f32 s2, v3;
	v4 =	vmul.f32 $3.200000000e+01, v4  }
0x1fc: {  	s16 =	sadd.s32 $0xC, s31;
	s6 =	scvt.s32.f32 s6;
	v13 =	vld [tilespmem:s14+$0x300];
	s13 =	sadd.s32 $0x2000, s14;
	v14 =	vmul.f32 s5, v3;
	v5 =	vmul.f32 $3.200000000e+01, v5  }
0x1fd: {  	s18 =	sadd.s32 $0xD, s31;
	s9 =	scvt.s32.f32 s9;
	s15 =	simm.s32 $0x8;
	v6 =	vmul.f32 $3.200000000e+01, v6;
	v7 =	vmul.f32 $3.200000000e+01, v7;
	v4 =	vadd.f32 v4, v10;
	v10 =	vld [tilespmem:s13+$0x380]  }
0x1fe: {  	s0 =	sadd.s32 $0xE, s31;
	s1 =	scvt.s32.f32 s16;
	s5 =	sadd.s32 $0x0, s22;
	v15 =	vld [tilespmem:s13+$0x0];
	v8 =	vmul.f32 $3.200000000e+01, v8;
	v5 =	vadd.f32 v5, v12;
	v12 =	vmul.f32 s6, v3  }
0x1ff: {  	s0 =	scvt.s32.f32 s0;
	s2 =	scvt.s32.f32 s18;
	v16 =	vld [tilespmem:s13+$0x80];
	s26 =	sadd.s32 $0xF, s5;
	v17 =	vmul.f32 $3.200000000e+01, v9;
	v6 =	vadd.f32 v6, v14;
	v14 =	vmul.f32 s9, v3;
	[tilespmem:s14+$0x380] =	vst v4  }
0x200: {  	s16 =	sadd.s32 $0x9, s5;
	s18 =	scvt.s32.f32 s26;
	v11 =	vmul.f32 $3.200000000e+01, v11;
	s9 =	sadd.s32 $0x8, s5;
	v4 =	vld [tilespmem:s13+$0x100];
	[tilespmem:s14+$0x0] =	vst v5;
	v7 =	vadd.f32 v7, v12;
	v12 =	vmul.f32 s1, v3  }
0x201: {  	s30 =	sadd.s32 $0xC, s5;
	s31 =	sadd.s32 $0xD, s5;
	v9 =	vmul.f32 $3.200000000e+01, v13;
	s9 =	scvt.s32.f32 s9;
	v5 =	vld [tilespmem:s13+$0x180];
	[tilespmem:s14+$0x80] =	vst v6;
	v8 =	vadd.f32 v8, v14;
	v14 =	vmul.f32 s2, v3  }
0x202: {  	s29 =	sadd.s32 $0xE, s5;
	s26 =	sadd.s32 $0xB, s5;
	s30 =	scvt.s32.f32 s30;
	v19 =	vmul.f32 s18, v3;
	v6 =	vld [tilespmem:s13+$0x200];
	[tilespmem:s14+$0x100] =	vst v7;
	v17 =	vadd.f32 v17, v12;
	v18 =	vmul.f32 $3.200000000e+01, v10  }
0x203: {  	s18 =	scvt.s32.f32 s26;
	s6 =	scvt.s32.f32 s16;
	s1 =	sadd.s32 $0xA, s5;
	v7 =	vld [tilespmem:s13+$0x280];
	[tilespmem:s14+$0x180] =	vst v8;
	v13 =	vadd.f32 v11, v14;
	v14 =	vmul.f32 s0, v3;
	v12 =	vmul.f32 s9, v3  }
0x204: {  	s16 =	sadd.s32 $0x2000, s13;
	s2 =	scvt.s32.f32 s31;
	s28 =	scvt.s32.f32 s1;
	v11 =	vmul.f32 $3.200000000e+01, v16;
	v8 =	vld [tilespmem:s13+$0x300];
	v10 =	vmul.f32 $3.200000000e+01, v15;
	[tilespmem:s14+$0x200] =	vst v17;
	v15 =	vadd.f32 v18, v19  }
.LBB2_19:
0x205: {  	s1 =	smov.u32 s15  }
0x206: {  	v16 =	vld [tilespmem:s16+$0x380];
	v17 =	vmul.f32 s6, v3;
	v18 =	vmul.f32 $3.200000000e+01, v4;
	s0 =	scvt.s32.f32 s29;
	[tilespmem:s14+$0x280] =	vst v13;
	v4 =	vadd.f32 v9, v14;
	s15 =	sadd.s32 $0x8, s15;
	s1 =	sadd.s32 s1, s22  }
0x207: {  	v13 =	vld [tilespmem:s16+$0x0];
	p0 =	slt.u32 s15, $0x18;
	v9 =	vadd.f32 v10, v12;
	v10 =	vmul.f32 s28, v3;
	v12 =	vmul.f32 $3.200000000e+01, v5;
	[tilespmem:s13+$0x380] =	vst v15;
	s5 =	sadd.s32 $0x8, s1  }
0x208: {  	v14 =	vmul.f32 s18, v3;
	s6 =	sadd.s32 $0x9, s1;
	v15 =	vld [tilespmem:s16+$0x80];
	s9 =	sadd.s32 $0xF, s1;
	v11 =	vadd.f32 v11, v17;
	v17 =	vmul.f32 $3.200000000e+01, v6;
	[tilespmem:s14+$0x300] =	vst v4;
	s18 =	sadd.s32 $0xA, s1  }
.Ltmp8:
0x209: {  	s26 =	sadd.s32 $0xB, s1;
	v4 =	vld [tilespmem:s16+$0x100];
	s9 =	scvt.s32.f32 s9;
	[tilespmem:s13+$0x0] =	vst v9;
	v10 =	vadd.f32 v18, v10;
	v18 =	vmul.f32 s30, v3;
	v19 =	vmul.f32 $3.200000000e+01, v7;
	(pc) =	sbr.rel @p0 .LBB2_19-.Ltmp8, $4  }
0x20a: {  	s31 =	sadd.s32 $0xD, s1;
	s29 =	sadd.s32 $0xE, s1;
	s30 =	sadd.s32 $0xC, s1;
	v5 =	vld [tilespmem:s16+$0x180];
	[tilespmem:s13+$0x80] =	vst v11;
	v11 =	vadd.f32 v12, v14;
	v12 =	vmul.f32 s2, v3;
	v9 =	vmul.f32 $3.200000000e+01, v8  }
0x20b: {  	s14 =	smov.u32 s13;
	s1 =	scvt.s32.f32 s5;
	s6 =	scvt.s32.f32 s6;
	v6 =	vld [tilespmem:s16+$0x200];
	v16 =	vmul.f32 $3.200000000e+01, v16;
	v20 =	vmul.f32 s9, v3;
	[tilespmem:s13+$0x100] =	vst v10;
	v17 =	vadd.f32 v17, v18  }
0x20c: {  	s28 =	scvt.s32.f32 s18;
	s18 =	scvt.s32.f32 s26;
	v14 =	vmul.f32 s0, v3;
	s13 =	smov.u32 s16;
	v10 =	vmul.f32 $3.200000000e+01, v13;
	v7 =	vld [tilespmem:s16+$0x280];
	[tilespmem:s14+$0x180] =	vst v11;
	v13 =	vadd.f32 v19, v12  }
0x20d: {  	s30 =	scvt.s32.f32 s30;
	s2 =	scvt.s32.f32 s31;
	v12 =	vmul.f32 s1, v3;
	s16 =	sadd.s32 $0x2000, s16;
	v11 =	vmul.f32 $3.200000000e+01, v15;
	v8 =	vld [tilespmem:s13+$0x300];
	v15 =	vadd.f32 v16, v20;
	[tilespmem:s14+$0x200] =	vst v17  }
0x20e: {  	v16 =	vmul.f32 s6, v3;
	[tilespmem:s14+$0x280] =	vst v13;
	v9 =	vadd.f32 v9, v14  }
0x20f: {  	v4 =	vmul.f32 $3.200000000e+01, v4;
	v58 =	vmul.f32 s28, v3;
	v10 =	vadd.f32 v10, v12;
	[tilespmem:s13+$0x380] =	vst v15  }
0x210: {  	v59 =	vmul.f32 s18, v3;
	v5 =	vmul.f32 $3.200000000e+01, v5;
	v11 =	vadd.f32 v11, v16;
	[tilespmem:s14+$0x300] =	vst v9  }
0x211: {  	s0 =	scvt.s32.f32 s29;
	s12 =	sadd.s32 $0x1, s12;
	v60 =	vmul.f32 s30, v3;
	v6 =	vmul.f32 $3.200000000e+01, v6;
	v4 =	vadd.f32 v4, v58;
	[tilespmem:s13+$0x0] =	vst v10  }
0x212: {  	v61 =	vmul.f32 s2, v3;
	p0 =	sne.s32 s12, $0x40;
	v7 =	vmul.f32 $3.200000000e+01, v7;
	v5 =	vadd.f32 v5, v59;
	[tilespmem:s13+$0x80] =	vst v11  }
.Ltmp9:
0x213: {  	v3 =	vmul.f32 s0, v3;
	v8 =	vmul.f32 $3.200000000e+01, v8;
	[tilespmem:s13+$0x100] =	vst v4;
	v62 =	vadd.f32 v6, v60;
	(pc) =	sbr.rel @p0 .LBB2_18-.Ltmp9, $4  }
0x214: {  	[tilespmem:s13+$0x180] =	vst v5;
	v63 =	vadd.f32 v7, v61  }
0x215: {  	[tilespmem:s13+$0x200] =	vst v62;
	v3 =	vadd.f32 v8, v3  }
0x216: {  	[tilespmem:s13+$0x280] =	vst v63  }
0x217: {  	s11 =	sadd.s32 $0x80, s11;
	s10 =	sadd.s32 $0x1, s10;
	[tilespmem:s13+$0x300] =	vst v3  }
0x218: {  	s10 =	simm.s32 $0x0  }
0x219: {  	s0 =	rddreg [dreg:$0xb];
	s1 =	simm.s32 $0x8500;
	s30 =	simm.s32 $0x4  }
0x21a: {  	[hbm4b:s0+s10] =	stream.linear.scatter [tilespmem:s1], [sflag:$0x5], $0x8000, $0x38;
	[tilespmem:$0x18500] =	vst v63  }
0x21b: {  	_ =	swait.ge [sflag:s30], $0x8000  }
0x21c: {  	[sflag:s30] =	ssyncset.done $0x0  }
0x21d: {  	[sflag:s30] =	ssyncadd.s32 $0xFFFF8000  }
0x21e: {  	v3 =	vld [tilespmem:$0xC0];
	_ =	sdelay $0x4  }
0x21f: {  	v4 =	vshll.u32 v3, $0x3  }
0x220: {  	v3 =	vand.u32 $0x7, v3;
	v4 =	vand.u32 $0xFFFFFFC0, v4  }
0x221: {  	v3 =	vor.u32 v3, v4  }
0x222: {  	v4 =	vperm.xlane v3, v0;
	_ =	sdelay $0x1  }
0x223: {  	v4 =	vadd.s32 v1, v4;
	_ =	sdelay $0x3  }
0x224: {  	s31 =	simm.s32 $0x500;
	s0 =	rddreg [dreg:$0x0]  }
0x225: {  	[tilespmem:s31], [sflag:$0x1] =	stream.indirect_vreg.gather [hbm4b:s0+s10], $0x80, v4, vm0, $0xb8;
	[tilespmem:$0x18500] =	vst v63  }
0x226: {  	s2 =	simm.s32 $0xD00;
	v3 =	vperm.xlane v3, v2  }
0x227: {  	[tilespmem:s2], [sflag:$0x1] =	stream.indirect_vreg.gather [hbm4b:s7+s10], $0x80, v4, vm0, $0xb8;
	[tilespmem:$0x18500] =	vst v63  }
0x228: {  	s5 =	simm.s32 $0x1500;
	v3 =	vadd.s32 v1, v3  }
0x229: {  	[tilespmem:s5], [sflag:$0x1] =	stream.indirect_vreg.gather [hbm4b:s8+s10], $0x80, v4, vm0, $0xb8;
	[tilespmem:$0x18500] =	vst v63  }
0x22a: {  	s6 =	simm.s32 $0x1D00  }
0x22b: {  	[tilespmem:s6], [sflag:$0x1] =	stream.indirect_vreg.gather [hbm4b:s17+s10], $0x80, v4, vm0, $0xb8;
	[tilespmem:$0x18500] =	vst v63  }
0x22c: {  	s9 =	simm.s32 $0x2500  }
0x22d: {  	[tilespmem:s9], [sflag:$0x1] =	stream.indirect_vreg.gather [hbm4b:s0+s10], $0x80, v3, vm0, $0xb8;
	[tilespmem:$0x18500] =	vst v63  }
0x22e: {  	s11 =	simm.s32 $0x2D00  }
0x22f: {  	[tilespmem:s11], [sflag:$0x1] =	stream.indirect_vreg.gather [hbm4b:s7+s10], $0x80, v3, vm0, $0xb8;
	[tilespmem:$0x18500] =	vst v63  }
0x230: {  	s12 =	simm.s32 $0x3500  }
0x231: {  	[tilespmem:s12], [sflag:$0x1] =	stream.indirect_vreg.gather [hbm4b:s8+s10], $0x80, v3, vm0, $0xb8;
	[tilespmem:$0x18500] =	vst v63  }
0x232: {  	s13 =	simm.s32 $0x3D00  }
0x233: {  	[tilespmem:s13], [sflag:$0x1] =	stream.indirect_vreg.gather [hbm4b:s17+s10], $0x80, v3, vm0, $0xb8;
	[tilespmem:$0x18500] =	vst v63  }
0x234: {  	v3 =	vld [tilespmem:$0xD0];
	_ =	sdelay $0x4  }
0x235: {  	v63 =	vshll.u32 v3, $0x3  }
0x236: {  	v3 =	vand.u32 $0x7, v3;
	v4 =	vand.u32 $0xFFFFFFC0, v63  }
0x237: {  	v3 =	vor.u32 v3, v4  }
0x238: {  	v4 =	vperm.xlane v3, v0;
	_ =	sdelay $0x1  }
0x239: {  	v4 =	vadd.s32 v1, v4;
	_ =	sdelay $0x3  }
0x23a: {  	s14 =	simm.s32 $0x4500  }
0x23b: {  	[tilespmem:s14], [sflag:$0x1] =	stream.indirect_vreg.gather [hbm4b:s0+s10], $0x80, v4, vm0, $0xb8;
	[tilespmem:$0x18500] =	vst v63  }
0x23c: {  	s15 =	simm.s32 $0x4D00;
	v3 =	vperm.xlane v3, v2  }
0x23d: {  	[tilespmem:s15], [sflag:$0x1] =	stream.indirect_vreg.gather [hbm4b:s7+s10], $0x80, v4, vm0, $0xb8;
	[tilespmem:$0x18500] =	vst v63  }
0x23e: {  	s16 =	simm.s32 $0x5500;
	v3 =	vadd.s32 v1, v3  }
0x23f: {  	[tilespmem:s16], [sflag:$0x1] =	stream.indirect_vreg.gather [hbm4b:s8+s10], $0x80, v4, vm0, $0xb8;
	[tilespmem:$0x18500] =	vst v63  }
0x240: {  	s18 =	simm.s32 $0x5D00  }
0x241: {  	[tilespmem:s18], [sflag:$0x1] =	stream.indirect_vreg.gather [hbm4b:s17+s10], $0x80, v4, vm0, $0xb8;
	[tilespmem:$0x18500] =	vst v63  }
0x242: {  	s26 =	simm.s32 $0x6500  }
0x243: {  	[tilespmem:s26], [sflag:$0x1] =	stream.indirect_vreg.gather [hbm4b:s0+s10], $0x80, v3, vm0, $0xb8;
	[tilespmem:$0x18500] =	vst v63  }
0x244: {  	s28 =	simm.s32 $0x6D00  }
0x245: {  	[tilespmem:s28], [sflag:$0x1] =	stream.indirect_vreg.gather [hbm4b:s7+s10], $0x80, v3, vm0, $0xb8;
	[tilespmem:$0x18500] =	vst v63  }
0x246: {  	s29 =	simm.s32 $0x7500  }
0x247: {  	[tilespmem:s29], [sflag:$0x1] =	stream.indirect_vreg.gather [hbm4b:s8+s10], $0x80, v3, vm0, $0xb8;
	[tilespmem:$0x18500] =	vst v63  }
0x248: {  	s30 =	simm.s32 $0x7D00;
	s31 =	simm.s32 $0x3  }
0x249: {  	[tilespmem:s30], [sflag:$0x1] =	stream.indirect_vreg.gather [hbm4b:s17+s10], $0x80, v3, vm0, $0xb8;
	[tilespmem:$0x18500] =	vst v63  }
0x24a: {  	_ =	swait.ge [sflag:s31], $0x8000  }
0x24b: {  	[sflag:s31] =	ssyncset.done $0x0  }
0x24c: {  	s11 =	simm.s32 $0x0;
	s12 =	simm.s32 $0x0;
	[sflag:s31] =	ssyncadd.s32 $0xFFFF8000  }
.LBB2_22:
0x24d: {  	s0 =	sshll.u32 s11, $0x2;
	s1 =	sand.u32 $0x7, s10  }
0x24e: {  	s0 =	sand.u32 $0xFFFFF000, s0;
	s1 =	sshll.u32 s1, $0x6  }
0x24f: {  	s0 =	sor.u32 s1, s0  }
0x250: {  	s26 =	sshll.u32 s12, $0x4;
	s0 =	sshrl.u32 s0, $0x2  }
0x251: {  	v3 =	vld [tilespmem:s26+$0x100];
	s14 =	sadd.s32 $0x10500, s0  }
0x252: {  	v4 =	vld [tilespmem:s14+$0x380]  }
0x253: {  	s31 =	sadd.s32 $0xFFFFFFF8, s23;
	v5 =	vld [tilespmem:s14+$0x0]  }
0x254: {  	s15 =	sadd.s32 $0xF, s31;
	v6 =	vld [tilespmem:s14+$0x80]  }
0x255: {  	s2 =	sadd.s32 $0x8, s31;
	s1 =	scvt.s32.f32 s15;
	v7 =	vld [tilespmem:s14+$0x100]  }
0x256: {  	s5 =	sadd.s32 $0x9, s31;
	s2 =	scvt.s32.f32 s2;
	v8 =	vld [tilespmem:s14+$0x180]  }
0x257: {  	s5 =	scvt.s32.f32 s5;
	v9 =	vld [tilespmem:s14+$0x200];
	v10 =	vmul.f32 s1, v3  }
0x258: {  	s6 =	sadd.s32 $0xA, s31;
	s9 =	sadd.s32 $0xB, s31;
	v11 =	vld [tilespmem:s14+$0x280];
	v12 =	vmul.f32 s2, v3;
	v4 =	vmul.f32 $3.200000000e+01, v4  }
0x259: {  	s16 =	sadd.s32 $0xC, s31;
	s6 =	scvt.s32.f32 s6;
	v13 =	vld [tilespmem:s14+$0x300];
	s13 =	sadd.s32 $0x2000, s14;
	v14 =	vmul.f32 s5, v3;
	v5 =	vmul.f32 $3.200000000e+01, v5  }
0x25a: {  	s18 =	sadd.s32 $0xD, s31;
	s9 =	scvt.s32.f32 s9;
	s15 =	simm.s32 $0x8;
	v6 =	vmul.f32 $3.200000000e+01, v6;
	v7 =	vmul.f32 $3.200000000e+01, v7;
	v4 =	vadd.f32 v4, v10;
	v10 =	vld [tilespmem:s13+$0x380]  }
0x25b: {  	s0 =	sadd.s32 $0xE, s31;
	s1 =	scvt.s32.f32 s16;
	s5 =	sadd.s32 $0x0, s23;
	v15 =	vld [tilespmem:s13+$0x0];
	v8 =	vmul.f32 $3.200000000e+01, v8;
	v5 =	vadd.f32 v5, v12;
	v12 =	vmul.f32 s6, v3  }
0x25c: {  	s0 =	scvt.s32.f32 s0;
	s2 =	scvt.s32.f32 s18;
	v16 =	vld [tilespmem:s13+$0x80];
	s26 =	sadd.s32 $0xF, s5;
	v17 =	vmul.f32 $3.200000000e+01, v9;
	v6 =	vadd.f32 v6, v14;
	v14 =	vmul.f32 s9, v3;
	[tilespmem:s14+$0x380] =	vst v4  }
0x25d: {  	s16 =	sadd.s32 $0x9, s5;
	s18 =	scvt.s32.f32 s26;
	v11 =	vmul.f32 $3.200000000e+01, v11;
	s9 =	sadd.s32 $0x8, s5;
	v4 =	vld [tilespmem:s13+$0x100];
	[tilespmem:s14+$0x0] =	vst v5;
	v7 =	vadd.f32 v7, v12;
	v12 =	vmul.f32 s1, v3  }
0x25e: {  	s30 =	sadd.s32 $0xC, s5;
	s31 =	sadd.s32 $0xD, s5;
	v9 =	vmul.f32 $3.200000000e+01, v13;
	s9 =	scvt.s32.f32 s9;
	v5 =	vld [tilespmem:s13+$0x180];
	[tilespmem:s14+$0x80] =	vst v6;
	v8 =	vadd.f32 v8, v14;
	v14 =	vmul.f32 s2, v3  }
0x25f: {  	s29 =	sadd.s32 $0xE, s5;
	s26 =	sadd.s32 $0xB, s5;
	s30 =	scvt.s32.f32 s30;
	v19 =	vmul.f32 s18, v3;
	v6 =	vld [tilespmem:s13+$0x200];
	[tilespmem:s14+$0x100] =	vst v7;
	v17 =	vadd.f32 v17, v12;
	v18 =	vmul.f32 $3.200000000e+01, v10  }
0x260: {  	s18 =	scvt.s32.f32 s26;
	s6 =	scvt.s32.f32 s16;
	s1 =	sadd.s32 $0xA, s5;
	v7 =	vld [tilespmem:s13+$0x280];
	[tilespmem:s14+$0x180] =	vst v8;
	v13 =	vadd.f32 v11, v14;
	v14 =	vmul.f32 s0, v3;
	v12 =	vmul.f32 s9, v3  }
0x261: {  	s16 =	sadd.s32 $0x2000, s13;
	s2 =	scvt.s32.f32 s31;
	s28 =	scvt.s32.f32 s1;
	v11 =	vmul.f32 $3.200000000e+01, v16;
	v8 =	vld [tilespmem:s13+$0x300];
	v10 =	vmul.f32 $3.200000000e+01, v15;
	[tilespmem:s14+$0x200] =	vst v17;
	v15 =	vadd.f32 v18, v19  }
.LBB2_23:
0x262: {  	s1 =	smov.u32 s15  }
0x263: {  	v16 =	vld [tilespmem:s16+$0x380];
	v17 =	vmul.f32 s6, v3;
	v18 =	vmul.f32 $3.200000000e+01, v4;
	s0 =	scvt.s32.f32 s29;
	[tilespmem:s14+$0x280] =	vst v13;
	v4 =	vadd.f32 v9, v14;
	s15 =	sadd.s32 $0x8, s15;
	s1 =	sadd.s32 s1, s23  }
0x264: {  	v13 =	vld [tilespmem:s16+$0x0];
	p0 =	slt.u32 s15, $0x18;
	v9 =	vadd.f32 v10, v12;
	v10 =	vmul.f32 s28, v3;
	v12 =	vmul.f32 $3.200000000e+01, v5;
	[tilespmem:s13+$0x380] =	vst v15;
	s5 =	sadd.s32 $0x8, s1  }
0x265: {  	v14 =	vmul.f32 s18, v3;
	s6 =	sadd.s32 $0x9, s1;
	v15 =	vld [tilespmem:s16+$0x80];
	s9 =	sadd.s32 $0xF, s1;
	v11 =	vadd.f32 v11, v17;
	v17 =	vmul.f32 $3.200000000e+01, v6;
	[tilespmem:s14+$0x300] =	vst v4;
	s18 =	sadd.s32 $0xA, s1  }
.Ltmp10:
0x266: {  	s26 =	sadd.s32 $0xB, s1;
	v4 =	vld [tilespmem:s16+$0x100];
	s9 =	scvt.s32.f32 s9;
	[tilespmem:s13+$0x0] =	vst v9;
	v10 =	vadd.f32 v18, v10;
	v18 =	vmul.f32 s30, v3;
	v19 =	vmul.f32 $3.200000000e+01, v7;
	(pc) =	sbr.rel @p0 .LBB2_23-.Ltmp10, $4  }
0x267: {  	s31 =	sadd.s32 $0xD, s1;
	s29 =	sadd.s32 $0xE, s1;
	s30 =	sadd.s32 $0xC, s1;
	v5 =	vld [tilespmem:s16+$0x180];
	[tilespmem:s13+$0x80] =	vst v11;
	v11 =	vadd.f32 v12, v14;
	v12 =	vmul.f32 s2, v3;
	v9 =	vmul.f32 $3.200000000e+01, v8  }
0x268: {  	s14 =	smov.u32 s13;
	s1 =	scvt.s32.f32 s5;
	s6 =	scvt.s32.f32 s6;
	v6 =	vld [tilespmem:s16+$0x200];
	v16 =	vmul.f32 $3.200000000e+01, v16;
	v20 =	vmul.f32 s9, v3;
	[tilespmem:s13+$0x100] =	vst v10;
	v17 =	vadd.f32 v17, v18  }
0x269: {  	s28 =	scvt.s32.f32 s18;
	s18 =	scvt.s32.f32 s26;
	v14 =	vmul.f32 s0, v3;
	s13 =	smov.u32 s16;
	v10 =	vmul.f32 $3.200000000e+01, v13;
	v7 =	vld [tilespmem:s16+$0x280];
	[tilespmem:s14+$0x180] =	vst v11;
	v13 =	vadd.f32 v19, v12  }
0x26a: {  	s30 =	scvt.s32.f32 s30;
	s2 =	scvt.s32.f32 s31;
	v12 =	vmul.f32 s1, v3;
	s16 =	sadd.s32 $0x2000, s16;
	v11 =	vmul.f32 $3.200000000e+01, v15;
	v8 =	vld [tilespmem:s13+$0x300];
	v15 =	vadd.f32 v16, v20;
	[tilespmem:s14+$0x200] =	vst v17  }
0x26b: {  	v16 =	vmul.f32 s6, v3;
	[tilespmem:s14+$0x280] =	vst v13;
	v9 =	vadd.f32 v9, v14  }
0x26c: {  	v4 =	vmul.f32 $3.200000000e+01, v4;
	v58 =	vmul.f32 s28, v3;
	v10 =	vadd.f32 v10, v12;
	[tilespmem:s13+$0x380] =	vst v15  }
0x26d: {  	v59 =	vmul.f32 s18, v3;
	v5 =	vmul.f32 $3.200000000e+01, v5;
	v11 =	vadd.f32 v11, v16;
	[tilespmem:s14+$0x300] =	vst v9  }
0x26e: {  	s0 =	scvt.s32.f32 s29;
	s12 =	sadd.s32 $0x1, s12;
	v60 =	vmul.f32 s30, v3;
	v6 =	vmul.f32 $3.200000000e+01, v6;
	v4 =	vadd.f32 v4, v58;
	[tilespmem:s13+$0x0] =	vst v10  }
0x26f: {  	v61 =	vmul.f32 s2, v3;
	p0 =	sne.s32 s12, $0x40;
	v7 =	vmul.f32 $3.200000000e+01, v7;
	v5 =	vadd.f32 v5, v59;
	[tilespmem:s13+$0x80] =	vst v11  }
.Ltmp11:
0x270: {  	v3 =	vmul.f32 s0, v3;
	v8 =	vmul.f32 $3.200000000e+01, v8;
	[tilespmem:s13+$0x100] =	vst v4;
	v62 =	vadd.f32 v6, v60;
	(pc) =	sbr.rel @p0 .LBB2_22-.Ltmp11, $4  }
0x271: {  	[tilespmem:s13+$0x180] =	vst v5;
	v63 =	vadd.f32 v7, v61  }
0x272: {  	[tilespmem:s13+$0x200] =	vst v62;
	v3 =	vadd.f32 v8, v3  }
0x273: {  	[tilespmem:s13+$0x280] =	vst v63  }
0x274: {  	s11 =	sadd.s32 $0x80, s11;
	s10 =	sadd.s32 $0x1, s10;
	[tilespmem:s13+$0x300] =	vst v3  }
0x275: {  	s10 =	simm.s32 $0x0  }
0x276: {  	s0 =	rddreg [dreg:$0xc];
	s1 =	simm.s32 $0x10500;
	s30 =	simm.s32 $0x5  }
0x277: {  	[hbm4b:s0+s10] =	stream.linear.scatter [tilespmem:s1], [sflag:$0x6], $0x8000, $0x38;
	[tilespmem:$0x18500] =	vst v63  }
0x278: {  	_ =	swait.ge [sflag:s30], $0x8000  }
0x279: {  	[sflag:s30] =	ssyncset.done $0x0  }
0x27a: {  	[sflag:s30] =	ssyncadd.s32 $0xFFFF8000  }
0x27b: {  	v3 =	vld [tilespmem:$0xE0];
	_ =	sdelay $0x4  }
0x27c: {  	v4 =	vshll.u32 v3, $0x3  }
0x27d: {  	v3 =	vand.u32 $0x7, v3;
	v4 =	vand.u32 $0xFFFFFFC0, v4  }
0x27e: {  	v3 =	vor.u32 v3, v4  }
0x27f: {  	v4 =	vperm.xlane v3, v0;
	_ =	sdelay $0x1  }
0x280: {  	v4 =	vadd.s32 v1, v4;
	_ =	sdelay $0x3  }
0x281: {  	s31 =	simm.s32 $0x8500;
	s0 =	rddreg [dreg:$0x0]  }
0x282: {  	[tilespmem:s31], [sflag:$0x2] =	stream.indirect_vreg.gather [hbm4b:s0+s10], $0x80, v4, vm0, $0xb8;
	[tilespmem:$0x18500] =	vst v63  }
0x283: {  	s2 =	simm.s32 $0x8D00;
	v3 =	vperm.xlane v3, v2  }
0x284: {  	[tilespmem:s2], [sflag:$0x2] =	stream.indirect_vreg.gather [hbm4b:s7+s10], $0x80, v4, vm0, $0xb8;
	[tilespmem:$0x18500] =	vst v63  }
0x285: {  	s5 =	simm.s32 $0x9500;
	v3 =	vadd.s32 v1, v3  }
0x286: {  	[tilespmem:s5], [sflag:$0x2] =	stream.indirect_vreg.gather [hbm4b:s8+s10], $0x80, v4, vm0, $0xb8;
	[tilespmem:$0x18500] =	vst v63  }
0x287: {  	s6 =	simm.s32 $0x9D00  }
0x288: {  	[tilespmem:s6], [sflag:$0x2] =	stream.indirect_vreg.gather [hbm4b:s17+s10], $0x80, v4, vm0, $0xb8;
	[tilespmem:$0x18500] =	vst v63  }
0x289: {  	s9 =	simm.s32 $0xA500  }
0x28a: {  	[tilespmem:s9], [sflag:$0x2] =	stream.indirect_vreg.gather [hbm4b:s0+s10], $0x80, v3, vm0, $0xb8;
	[tilespmem:$0x18500] =	vst v63  }
0x28b: {  	s11 =	simm.s32 $0xAD00  }
0x28c: {  	[tilespmem:s11], [sflag:$0x2] =	stream.indirect_vreg.gather [hbm4b:s7+s10], $0x80, v3, vm0, $0xb8;
	[tilespmem:$0x18500] =	vst v63  }
0x28d: {  	s12 =	simm.s32 $0xB500  }
0x28e: {  	[tilespmem:s12], [sflag:$0x2] =	stream.indirect_vreg.gather [hbm4b:s8+s10], $0x80, v3, vm0, $0xb8;
	[tilespmem:$0x18500] =	vst v63  }
0x28f: {  	s13 =	simm.s32 $0xBD00  }
0x290: {  	[tilespmem:s13], [sflag:$0x2] =	stream.indirect_vreg.gather [hbm4b:s17+s10], $0x80, v3, vm0, $0xb8;
	[tilespmem:$0x18500] =	vst v63  }
0x291: {  	v3 =	vld [tilespmem:$0xF0];
	_ =	sdelay $0x4  }
0x292: {  	v63 =	vshll.u32 v3, $0x3  }
0x293: {  	v3 =	vand.u32 $0x7, v3;
	v4 =	vand.u32 $0xFFFFFFC0, v63  }
0x294: {  	v3 =	vor.u32 v3, v4  }
0x295: {  	v4 =	vperm.xlane v3, v0;
	_ =	sdelay $0x1  }
0x296: {  	v4 =	vadd.s32 v1, v4;
	_ =	sdelay $0x3  }
0x297: {  	s14 =	simm.s32 $0xC500  }
0x298: {  	[tilespmem:s14], [sflag:$0x2] =	stream.indirect_vreg.gather [hbm4b:s0+s10], $0x80, v4, vm0, $0xb8;
	[tilespmem:$0x18500] =	vst v63  }
0x299: {  	s15 =	simm.s32 $0xCD00;
	v3 =	vperm.xlane v3, v2  }
0x29a: {  	[tilespmem:s15], [sflag:$0x2] =	stream.indirect_vreg.gather [hbm4b:s7+s10], $0x80, v4, vm0, $0xb8;
	[tilespmem:$0x18500] =	vst v63  }
0x29b: {  	s16 =	simm.s32 $0xD500;
	v3 =	vadd.s32 v1, v3  }
0x29c: {  	[tilespmem:s16], [sflag:$0x2] =	stream.indirect_vreg.gather [hbm4b:s8+s10], $0x80, v4, vm0, $0xb8;
	[tilespmem:$0x18500] =	vst v63  }
0x29d: {  	s18 =	simm.s32 $0xDD00  }
0x29e: {  	[tilespmem:s18], [sflag:$0x2] =	stream.indirect_vreg.gather [hbm4b:s17+s10], $0x80, v4, vm0, $0xb8;
	[tilespmem:$0x18500] =	vst v63  }
0x29f: {  	s26 =	simm.s32 $0xE500  }
0x2a0: {  	[tilespmem:s26], [sflag:$0x2] =	stream.indirect_vreg.gather [hbm4b:s0+s10], $0x80, v3, vm0, $0xb8;
	[tilespmem:$0x18500] =	vst v63  }
0x2a1: {  	s28 =	simm.s32 $0xED00  }
0x2a2: {  	[tilespmem:s28], [sflag:$0x2] =	stream.indirect_vreg.gather [hbm4b:s7+s10], $0x80, v3, vm0, $0xb8;
	[tilespmem:$0x18500] =	vst v63  }
0x2a3: {  	s29 =	simm.s32 $0xF500  }
0x2a4: {  	[tilespmem:s29], [sflag:$0x2] =	stream.indirect_vreg.gather [hbm4b:s8+s10], $0x80, v3, vm0, $0xb8;
	[tilespmem:$0x18500] =	vst v63  }
0x2a5: {  	s30 =	simm.s32 $0xFD00;
	s31 =	simm.s32 $0x1  }
0x2a6: {  	[tilespmem:s30], [sflag:$0x2] =	stream.indirect_vreg.gather [hbm4b:s17+s10], $0x80, v3, vm0, $0xb8;
	[tilespmem:$0x18500] =	vst v63  }
0x2a7: {  	_ =	swait.ge [sflag:s31], $0x8000  }
0x2a8: {  	[sflag:s31] =	ssyncset.done $0x0  }
0x2a9: {  	s11 =	simm.s32 $0x0;
	s12 =	simm.s32 $0x0;
	[sflag:s31] =	ssyncadd.s32 $0xFFFF8000  }
.LBB2_26:
0x2aa: {  	s0 =	sshll.u32 s11, $0x2;
	s1 =	sand.u32 $0x7, s10  }
0x2ab: {  	s0 =	sand.u32 $0xFFFFF000, s0;
	s1 =	sshll.u32 s1, $0x6  }
0x2ac: {  	s0 =	sor.u32 s1, s0  }
0x2ad: {  	s26 =	sshll.u32 s12, $0x4;
	s0 =	sshrl.u32 s0, $0x2  }
0x2ae: {  	v3 =	vld [tilespmem:s26+$0x100];
	s14 =	sadd.s32 $0x700, s0  }
0x2af: {  	v4 =	vld [tilespmem:s14+$0x180]  }
0x2b0: {  	s31 =	sadd.s32 $0xFFFFFFF8, s24;
	v5 =	vld [tilespmem:s14+$0xFFFFFE00]  }
0x2b1: {  	s15 =	sadd.s32 $0xF, s31;
	v6 =	vld [tilespmem:s14+$0xFFFFFE80]  }
0x2b2: {  	s2 =	sadd.s32 $0x8, s31;
	s1 =	scvt.s32.f32 s15;
	v7 =	vld [tilespmem:s14+$0xFFFFFF00]  }
0x2b3: {  	s5 =	sadd.s32 $0x9, s31;
	s2 =	scvt.s32.f32 s2;
	v8 =	vld [tilespmem:s14+$0xFFFFFF80]  }
0x2b4: {  	s5 =	scvt.s32.f32 s5;
	v9 =	vld [tilespmem:s14+$0x0];
	v10 =	vmul.f32 s1, v3  }
0x2b5: {  	s6 =	sadd.s32 $0xA, s31;
	s9 =	sadd.s32 $0xB, s31;
	v11 =	vld [tilespmem:s14+$0x80];
	v12 =	vmul.f32 s2, v3;
	v4 =	vmul.f32 $3.200000000e+01, v4  }
0x2b6: {  	s16 =	sadd.s32 $0xC, s31;
	s6 =	scvt.s32.f32 s6;
	v13 =	vld [tilespmem:s14+$0x100];
	s13 =	sadd.s32 $0x2000, s14;
	v14 =	vmul.f32 s5, v3;
	v5 =	vmul.f32 $3.200000000e+01, v5  }
0x2b7: {  	s18 =	sadd.s32 $0xD, s31;
	s9 =	scvt.s32.f32 s9;
	s15 =	simm.s32 $0x8;
	v6 =	vmul.f32 $3.200000000e+01, v6;
	v7 =	vmul.f32 $3.200000000e+01, v7;
	v4 =	vadd.f32 v4, v10;
	v10 =	vld [tilespmem:s13+$0x180]  }
0x2b8: {  	s0 =	sadd.s32 $0xE, s31;
	s1 =	scvt.s32.f32 s16;
	s5 =	sadd.s32 $0x0, s24;
	v15 =	vld [tilespmem:s13+$0xFFFFFE00];
	v8 =	vmul.f32 $3.200000000e+01, v8;
	v5 =	vadd.f32 v5, v12;
	v12 =	vmul.f32 s6, v3  }
0x2b9: {  	s0 =	scvt.s32.f32 s0;
	s2 =	scvt.s32.f32 s18;
	v16 =	vld [tilespmem:s13+$0xFFFFFE80];
	s26 =	sadd.s32 $0xF, s5;
	v17 =	vmul.f32 $3.200000000e+01, v9;
	v6 =	vadd.f32 v6, v14;
	v14 =	vmul.f32 s9, v3;
	[tilespmem:s14+$0x180] =	vst v4  }
0x2ba: {  	s16 =	sadd.s32 $0x9, s5;
	s18 =	scvt.s32.f32 s26;
	v11 =	vmul.f32 $3.200000000e+01, v11;
	s9 =	sadd.s32 $0x8, s5;
	v4 =	vld [tilespmem:s13+$0xFFFFFF00];
	[tilespmem:s14+$0xFFFFFE00] =	vst v5;
	v7 =	vadd.f32 v7, v12;
	v12 =	vmul.f32 s1, v3  }
0x2bb: {  	s30 =	sadd.s32 $0xC, s5;
	s31 =	sadd.s32 $0xD, s5;
	v9 =	vmul.f32 $3.200000000e+01, v13;
	s9 =	scvt.s32.f32 s9;
	v5 =	vld [tilespmem:s13+$0xFFFFFF80];
	[tilespmem:s14+$0xFFFFFE80] =	vst v6;
	v8 =	vadd.f32 v8, v14;
	v14 =	vmul.f32 s2, v3  }
0x2bc: {  	s29 =	sadd.s32 $0xE, s5;
	s26 =	sadd.s32 $0xB, s5;
	s30 =	scvt.s32.f32 s30;
	v19 =	vmul.f32 s18, v3;
	v6 =	vld [tilespmem:s13+$0x0];
	[tilespmem:s14+$0xFFFFFF00] =	vst v7;
	v17 =	vadd.f32 v17, v12;
	v18 =	vmul.f32 $3.200000000e+01, v10  }
0x2bd: {  	s18 =	scvt.s32.f32 s26;
	s6 =	scvt.s32.f32 s16;
	s1 =	sadd.s32 $0xA, s5;
	v7 =	vld [tilespmem:s13+$0x80];
	[tilespmem:s14+$0xFFFFFF80] =	vst v8;
	v13 =	vadd.f32 v11, v14;
	v14 =	vmul.f32 s0, v3;
	v12 =	vmul.f32 s9, v3  }
0x2be: {  	s16 =	sadd.s32 $0x2000, s13;
	s2 =	scvt.s32.f32 s31;
	s28 =	scvt.s32.f32 s1;
	v11 =	vmul.f32 $3.200000000e+01, v16;
	v8 =	vld [tilespmem:s13+$0x100];
	v10 =	vmul.f32 $3.200000000e+01, v15;
	[tilespmem:s14+$0x0] =	vst v17;
	v15 =	vadd.f32 v18, v19  }
.LBB2_27:
0x2bf: {  	s1 =	smov.u32 s15  }
0x2c0: {  	v16 =	vld [tilespmem:s16+$0x180];
	v17 =	vmul.f32 s6, v3;
	v18 =	vmul.f32 $3.200000000e+01, v4;
	s0 =	scvt.s32.f32 s29;
	[tilespmem:s14+$0x80] =	vst v13;
	v4 =	vadd.f32 v9, v14;
	s15 =	sadd.s32 $0x8, s15;
	s1 =	sadd.s32 s1, s24  }
0x2c1: {  	v13 =	vld [tilespmem:s16+$0xFFFFFE00];
	p0 =	slt.u32 s15, $0x18;
	v9 =	vadd.f32 v10, v12;
	v10 =	vmul.f32 s28, v3;
	v12 =	vmul.f32 $3.200000000e+01, v5;
	[tilespmem:s13+$0x180] =	vst v15;
	s5 =	sadd.s32 $0x8, s1  }
0x2c2: {  	v14 =	vmul.f32 s18, v3;
	s6 =	sadd.s32 $0x9, s1;
	v15 =	vld [tilespmem:s16+$0xFFFFFE80];
	s9 =	sadd.s32 $0xF, s1;
	v11 =	vadd.f32 v11, v17;
	v17 =	vmul.f32 $3.200000000e+01, v6;
	[tilespmem:s14+$0x100] =	vst v4;
	s18 =	sadd.s32 $0xA, s1  }
.Ltmp12:
0x2c3: {  	s26 =	sadd.s32 $0xB, s1;
	v4 =	vld [tilespmem:s16+$0xFFFFFF00];
	s9 =	scvt.s32.f32 s9;
	[tilespmem:s13+$0xFFFFFE00] =	vst v9;
	v10 =	vadd.f32 v18, v10;
	v18 =	vmul.f32 s30, v3;
	v19 =	vmul.f32 $3.200000000e+01, v7;
	(pc) =	sbr.rel @p0 .LBB2_27-.Ltmp12, $4  }
0x2c4: {  	s31 =	sadd.s32 $0xD, s1;
	s29 =	sadd.s32 $0xE, s1;
	s30 =	sadd.s32 $0xC, s1;
	v5 =	vld [tilespmem:s16+$0xFFFFFF80];
	[tilespmem:s13+$0xFFFFFE80] =	vst v11;
	v11 =	vadd.f32 v12, v14;
	v12 =	vmul.f32 s2, v3;
	v9 =	vmul.f32 $3.200000000e+01, v8  }
0x2c5: {  	s14 =	smov.u32 s13;
	s1 =	scvt.s32.f32 s5;
	s6 =	scvt.s32.f32 s6;
	v6 =	vld [tilespmem:s16+$0x0];
	v16 =	vmul.f32 $3.200000000e+01, v16;
	v20 =	vmul.f32 s9, v3;
	[tilespmem:s13+$0xFFFFFF00] =	vst v10;
	v17 =	vadd.f32 v17, v18  }
0x2c6: {  	s28 =	scvt.s32.f32 s18;
	s18 =	scvt.s32.f32 s26;
	v14 =	vmul.f32 s0, v3;
	s13 =	smov.u32 s16;
	v10 =	vmul.f32 $3.200000000e+01, v13;
	v7 =	vld [tilespmem:s16+$0x80];
	[tilespmem:s14+$0xFFFFFF80] =	vst v11;
	v13 =	vadd.f32 v19, v12  }
0x2c7: {  	s30 =	scvt.s32.f32 s30;
	s2 =	scvt.s32.f32 s31;
	v12 =	vmul.f32 s1, v3;
	s16 =	sadd.s32 $0x2000, s16;
	v11 =	vmul.f32 $3.200000000e+01, v15;
	v8 =	vld [tilespmem:s13+$0x100];
	v15 =	vadd.f32 v16, v20;
	[tilespmem:s14+$0x0] =	vst v17  }
0x2c8: {  	v16 =	vmul.f32 s6, v3;
	[tilespmem:s14+$0x80] =	vst v13;
	v9 =	vadd.f32 v9, v14  }
0x2c9: {  	v4 =	vmul.f32 $3.200000000e+01, v4;
	v58 =	vmul.f32 s28, v3;
	v10 =	vadd.f32 v10, v12;
	[tilespmem:s13+$0x180] =	vst v15  }
0x2ca: {  	v59 =	vmul.f32 s18, v3;
	v5 =	vmul.f32 $3.200000000e+01, v5;
	v11 =	vadd.f32 v11, v16;
	[tilespmem:s14+$0x100] =	vst v9  }
0x2cb: {  	s0 =	scvt.s32.f32 s29;
	s12 =	sadd.s32 $0x1, s12;
	v60 =	vmul.f32 s30, v3;
	v6 =	vmul.f32 $3.200000000e+01, v6;
	v4 =	vadd.f32 v4, v58;
	[tilespmem:s13+$0xFFFFFE00] =	vst v10  }
0x2cc: {  	v61 =	vmul.f32 s2, v3;
	p0 =	sne.s32 s12, $0x40;
	v7 =	vmul.f32 $3.200000000e+01, v7;
	v5 =	vadd.f32 v5, v59;
	[tilespmem:s13+$0xFFFFFE80] =	vst v11  }
.Ltmp13:
0x2cd: {  	v3 =	vmul.f32 s0, v3;
	v8 =	vmul.f32 $3.200000000e+01, v8;
	[tilespmem:s13+$0xFFFFFF00] =	vst v4;
	v62 =	vadd.f32 v6, v60;
	(pc) =	sbr.rel @p0 .LBB2_26-.Ltmp13, $4  }
0x2ce: {  	[tilespmem:s13+$0xFFFFFF80] =	vst v5;
	v63 =	vadd.f32 v7, v61  }
0x2cf: {  	[tilespmem:s13+$0x0] =	vst v62;
	v3 =	vadd.f32 v8, v3  }
0x2d0: {  	[tilespmem:s13+$0x80] =	vst v63  }
0x2d1: {  	s11 =	sadd.s32 $0x80, s11;
	s10 =	sadd.s32 $0x1, s10;
	[tilespmem:s13+$0x100] =	vst v3  }
0x2d2: {  	s10 =	simm.s32 $0x0  }
0x2d3: {  	s0 =	rddreg [dreg:$0xd];
	s1 =	simm.s32 $0x500;
	s31 =	simm.s32 $0x2  }
0x2d4: {  	[hbm4b:s0+s10] =	stream.linear.scatter [tilespmem:s1], [sflag:$0x4], $0x8000, $0x38;
	[tilespmem:$0x18500] =	vst v63  }
0x2d5: {  	_ =	swait.ge [sflag:s31], $0x8000  }
0x2d6: {  	[sflag:s31] =	ssyncset.done $0x0  }
0x2d7: {  	s11 =	simm.s32 $0x0;
	s12 =	simm.s32 $0x0;
	[sflag:s31] =	ssyncadd.s32 $0xFFFF8000  }
.LBB2_30:
0x2d8: {  	s0 =	sshll.u32 s11, $0x2;
	s1 =	sand.u32 $0x7, s10  }
0x2d9: {  	s0 =	sand.u32 $0xFFFFF000, s0;
	s1 =	sshll.u32 s1, $0x6  }
0x2da: {  	s0 =	sor.u32 s1, s0  }
0x2db: {  	s26 =	sshll.u32 s12, $0x4;
	s0 =	sshrl.u32 s0, $0x2  }
0x2dc: {  	v3 =	vld [tilespmem:s26+$0x100];
	s14 =	sadd.s32 $0x8500, s0  }
0x2dd: {  	v4 =	vld [tilespmem:s14+$0x380]  }
0x2de: {  	s31 =	sadd.s32 $0xFFFFFFF8, s25;
	v5 =	vld [tilespmem:s14+$0x0]  }
0x2df: {  	s15 =	sadd.s32 $0xF, s31;
	v6 =	vld [tilespmem:s14+$0x80]  }
0x2e0: {  	s2 =	sadd.s32 $0x8, s31;
	s1 =	scvt.s32.f32 s15;
	v7 =	vld [tilespmem:s14+$0x100]  }
0x2e1: {  	s5 =	sadd.s32 $0x9, s31;
	s2 =	scvt.s32.f32 s2;
	v8 =	vld [tilespmem:s14+$0x180]  }
0x2e2: {  	s5 =	scvt.s32.f32 s5;
	v9 =	vld [tilespmem:s14+$0x200];
	v10 =	vmul.f32 s1, v3  }
0x2e3: {  	s6 =	sadd.s32 $0xA, s31;
	s9 =	sadd.s32 $0xB, s31;
	v11 =	vld [tilespmem:s14+$0x280];
	v12 =	vmul.f32 s2, v3;
	v4 =	vmul.f32 $3.200000000e+01, v4  }
0x2e4: {  	s16 =	sadd.s32 $0xC, s31;
	s6 =	scvt.s32.f32 s6;
	v13 =	vld [tilespmem:s14+$0x300];
	s13 =	sadd.s32 $0x2000, s14;
	v14 =	vmul.f32 s5, v3;
	v5 =	vmul.f32 $3.200000000e+01, v5  }
0x2e5: {  	s18 =	sadd.s32 $0xD, s31;
	s9 =	scvt.s32.f32 s9;
	s15 =	simm.s32 $0x8;
	v6 =	vmul.f32 $3.200000000e+01, v6;
	v7 =	vmul.f32 $3.200000000e+01, v7;
	v4 =	vadd.f32 v4, v10;
	v10 =	vld [tilespmem:s13+$0x380]  }
0x2e6: {  	s0 =	sadd.s32 $0xE, s31;
	s1 =	scvt.s32.f32 s16;
	s5 =	sadd.s32 $0x0, s25;
	v15 =	vld [tilespmem:s13+$0x0];
	v8 =	vmul.f32 $3.200000000e+01, v8;
	v5 =	vadd.f32 v5, v12;
	v12 =	vmul.f32 s6, v3  }
0x2e7: {  	s0 =	scvt.s32.f32 s0;
	s2 =	scvt.s32.f32 s18;
	v16 =	vld [tilespmem:s13+$0x80];
	s26 =	sadd.s32 $0xF, s5;
	v17 =	vmul.f32 $3.200000000e+01, v9;
	v6 =	vadd.f32 v6, v14;
	v14 =	vmul.f32 s9, v3;
	[tilespmem:s14+$0x380] =	vst v4  }
0x2e8: {  	s16 =	sadd.s32 $0x9, s5;
	s18 =	scvt.s32.f32 s26;
	v11 =	vmul.f32 $3.200000000e+01, v11;
	s9 =	sadd.s32 $0x8, s5;
	v4 =	vld [tilespmem:s13+$0x100];
	[tilespmem:s14+$0x0] =	vst v5;
	v7 =	vadd.f32 v7, v12;
	v12 =	vmul.f32 s1, v3  }
0x2e9: {  	s30 =	sadd.s32 $0xC, s5;
	s31 =	sadd.s32 $0xD, s5;
	v9 =	vmul.f32 $3.200000000e+01, v13;
	s9 =	scvt.s32.f32 s9;
	v5 =	vld [tilespmem:s13+$0x180];
	[tilespmem:s14+$0x80] =	vst v6;
	v8 =	vadd.f32 v8, v14;
	v14 =	vmul.f32 s2, v3  }
0x2ea: {  	s29 =	sadd.s32 $0xE, s5;
	s26 =	sadd.s32 $0xB, s5;
	s30 =	scvt.s32.f32 s30;
	v19 =	vmul.f32 s18, v3;
	v6 =	vld [tilespmem:s13+$0x200];
	[tilespmem:s14+$0x100] =	vst v7;
	v17 =	vadd.f32 v17, v12;
	v18 =	vmul.f32 $3.200000000e+01, v10  }
0x2eb: {  	s18 =	scvt.s32.f32 s26;
	s6 =	scvt.s32.f32 s16;
	s1 =	sadd.s32 $0xA, s5;
	v7 =	vld [tilespmem:s13+$0x280];
	[tilespmem:s14+$0x180] =	vst v8;
	v13 =	vadd.f32 v11, v14;
	v14 =	vmul.f32 s0, v3;
	v12 =	vmul.f32 s9, v3  }
0x2ec: {  	s16 =	sadd.s32 $0x2000, s13;
	s2 =	scvt.s32.f32 s31;
	s28 =	scvt.s32.f32 s1;
	v11 =	vmul.f32 $3.200000000e+01, v16;
	v8 =	vld [tilespmem:s13+$0x300];
	v10 =	vmul.f32 $3.200000000e+01, v15;
	[tilespmem:s14+$0x200] =	vst v17;
	v15 =	vadd.f32 v18, v19  }
.LBB2_31:
0x2ed: {  	s1 =	smov.u32 s15  }
0x2ee: {  	v16 =	vld [tilespmem:s16+$0x380];
	v17 =	vmul.f32 s6, v3;
	v18 =	vmul.f32 $3.200000000e+01, v4;
	s0 =	scvt.s32.f32 s29;
	[tilespmem:s14+$0x280] =	vst v13;
	v4 =	vadd.f32 v9, v14;
	s15 =	sadd.s32 $0x8, s15;
	s1 =	sadd.s32 s1, s25  }
0x2ef: {  	v13 =	vld [tilespmem:s16+$0x0];
	p0 =	slt.u32 s15, $0x18;
	v9 =	vadd.f32 v10, v12;
	v10 =	vmul.f32 s28, v3;
	v12 =	vmul.f32 $3.200000000e+01, v5;
	[tilespmem:s13+$0x380] =	vst v15;
	s5 =	sadd.s32 $0x8, s1  }
0x2f0: {  	v14 =	vmul.f32 s18, v3;
	s6 =	sadd.s32 $0x9, s1;
	v15 =	vld [tilespmem:s16+$0x80];
	s9 =	sadd.s32 $0xF, s1;
	v11 =	vadd.f32 v11, v17;
	v17 =	vmul.f32 $3.200000000e+01, v6;
	[tilespmem:s14+$0x300] =	vst v4;
	s18 =	sadd.s32 $0xA, s1  }
.Ltmp14:
0x2f1: {  	s26 =	sadd.s32 $0xB, s1;
	v4 =	vld [tilespmem:s16+$0x100];
	s9 =	scvt.s32.f32 s9;
	[tilespmem:s13+$0x0] =	vst v9;
	v10 =	vadd.f32 v18, v10;
	v18 =	vmul.f32 s30, v3;
	v19 =	vmul.f32 $3.200000000e+01, v7;
	(pc) =	sbr.rel @p0 .LBB2_31-.Ltmp14, $4  }
0x2f2: {  	s31 =	sadd.s32 $0xD, s1;
	s29 =	sadd.s32 $0xE, s1;
	s30 =	sadd.s32 $0xC, s1;
	v5 =	vld [tilespmem:s16+$0x180];
	[tilespmem:s13+$0x80] =	vst v11;
	v11 =	vadd.f32 v12, v14;
	v12 =	vmul.f32 s2, v3;
	v9 =	vmul.f32 $3.200000000e+01, v8  }
0x2f3: {  	s14 =	smov.u32 s13;
	s1 =	scvt.s32.f32 s5;
	s6 =	scvt.s32.f32 s6;
	v6 =	vld [tilespmem:s16+$0x200];
	v16 =	vmul.f32 $3.200000000e+01, v16;
	v20 =	vmul.f32 s9, v3;
	[tilespmem:s13+$0x100] =	vst v10;
	v17 =	vadd.f32 v17, v18  }
0x2f4: {  	s28 =	scvt.s32.f32 s18;
	s18 =	scvt.s32.f32 s26;
	v14 =	vmul.f32 s0, v3;
	s13 =	smov.u32 s16;
	v10 =	vmul.f32 $3.200000000e+01, v13;
	v7 =	vld [tilespmem:s16+$0x280];
	[tilespmem:s14+$0x180] =	vst v11;
	v13 =	vadd.f32 v19, v12  }
0x2f5: {  	s30 =	scvt.s32.f32 s30;
	s2 =	scvt.s32.f32 s31;
	v12 =	vmul.f32 s1, v3;
	s16 =	sadd.s32 $0x2000, s16;
	v11 =	vmul.f32 $3.200000000e+01, v15;
	v8 =	vld [tilespmem:s13+$0x300];
	v15 =	vadd.f32 v16, v20;
	[tilespmem:s14+$0x200] =	vst v17  }
0x2f6: {  	v16 =	vmul.f32 s6, v3;
	[tilespmem:s14+$0x280] =	vst v13;
	v9 =	vadd.f32 v9, v14  }
0x2f7: {  	v4 =	vmul.f32 $3.200000000e+01, v4;
	v58 =	vmul.f32 s28, v3;
	v10 =	vadd.f32 v10, v12;
	[tilespmem:s13+$0x380] =	vst v15  }
0x2f8: {  	v59 =	vmul.f32 s18, v3;
	v5 =	vmul.f32 $3.200000000e+01, v5;
	v11 =	vadd.f32 v11, v16;
	[tilespmem:s14+$0x300] =	vst v9  }
0x2f9: {  	s0 =	scvt.s32.f32 s29;
	s12 =	sadd.s32 $0x1, s12;
	v60 =	vmul.f32 s30, v3;
	v6 =	vmul.f32 $3.200000000e+01, v6;
	v4 =	vadd.f32 v4, v58;
	[tilespmem:s13+$0x0] =	vst v10  }
0x2fa: {  	v61 =	vmul.f32 s2, v3;
	p0 =	sne.s32 s12, $0x40;
	v7 =	vmul.f32 $3.200000000e+01, v7;
	v5 =	vadd.f32 v5, v59;
	[tilespmem:s13+$0x80] =	vst v11  }
.Ltmp15:
0x2fb: {  	v3 =	vmul.f32 s0, v3;
	v8 =	vmul.f32 $3.200000000e+01, v8;
	[tilespmem:s13+$0x100] =	vst v4;
	v62 =	vadd.f32 v6, v60;
	(pc) =	sbr.rel @p0 .LBB2_30-.Ltmp15, $4  }
0x2fc: {  	[tilespmem:s13+$0x180] =	vst v5;
	v63 =	vadd.f32 v7, v61  }
0x2fd: {  	[tilespmem:s13+$0x200] =	vst v62;
	v3 =	vadd.f32 v8, v3  }
0x2fe: {  	[tilespmem:s13+$0x280] =	vst v63  }
0x2ff: {  	s11 =	sadd.s32 $0x80, s11;
	s10 =	sadd.s32 $0x1, s10;
	[tilespmem:s13+$0x300] =	vst v3  }
0x300: {  	s0 =	rddreg [dreg:$0xe];
	s6 =	simm.s32 $0x8500;
	s29 =	simm.s32 $0x6  }
0x301: {  	[hbm4b:s0+s4] =	stream.linear.scatter [tilespmem:s6], [sflag:$0x5], $0x8000, $0x38;
	[tilespmem:$0x18500] =	vst v63  }
0x302: {  	_ =	swait.ge [sflag:s29], $0x8000  }
0x303: {  	[sflag:s29] =	ssyncset.done $0x0  }
0x304: {  	s30 =	simm.s32 $0x4;
	[sflag:s29] =	ssyncadd.s32 $0xFFFF8000  }
0x305: {  	_ =	swait.ge [sflag:s30], $0x8000  }
0x306: {  	[sflag:s30] =	ssyncset.done $0x0  }
0x307: {  	s1 =	simm.s32 $0x5;
	[sflag:s30] =	ssyncadd.s32 $0xFFFF8000  }
0x308: {  	_ =	swait.ge [sflag:s1], $0x8000  }
0x309: {  	s2 =	rddreg [dreg:$0x10]  }
0x30a: {  	s31 =	rddreg [dreg:$0xf];
	s2 =	sadd.s32 $0x1, s2  }
0x30b: {  	p0 =	sne.s32 s2, s31  }
.Ltmp16:
0x30c: {  	_ = 	snop;
	(pc) =	sbr.rel @p0 .LBB2_1-.Ltmp16, $3  }
0x30d: {  	_ =	sdelay $0x1  }
0x30e: {  	[sflag:s1] =	ssyncset.done $0x0  }
0x30f: {  	[sflag:s1] =	ssyncadd.s32 $0xFFFF8000  }
0x310: {  	_ =	sfence.sel $0x180000  }
0x311: {  	[bflag:$0x0] =	sbarrier.arrive $0xFFFF  }
0x312: {  	_ =	strace $0x90000047  }
0x313: {  	s0 =	stileid.u32;
	[bflag:$0x2] =	sbarrier.arrive $0xFFFF  }
0x314: {  	p0 =	sne.s32 s0, $0x0;
	s0 =	rddreg [dreg:$0x4]  }
0x315: {  	s0 =	sadd.s32 @!p0 $0x100000, s0  }
0x316: {  	[sflag:s0] =	ssyncadd.tile.s32 @!p0 $0x1;
	_ =	shalt  }
.Lfunc_end2:
_tile_overlayer_lowered:
.L_overlay_start_2:
0x317: {  	(tag) =	ssettag $0x2  }
0x318: {  	s0 =	rddreg [dreg:$0x0];
	s2 =	stileid.u32  }
0x319: {  	s1 =	rddreg [dreg:$0x1];
	p0 =	sne.s32 s2, $0x0  }
0x31a: {  	s3 =	rddreg [dreg:$0x2];
	[bflag:$0x3] =	sbarrier.arrive $0xFFFF;
	s2 =	simm.s32 @!p0 $0x1C07  }
0x31b: {  	[timem:s3], [sflag:s2] =	dma.local @!p0 [hbm:s0], s1  }
0x31c: {  	s0 =	simm.s32 @!p0 $0x7  }
0x31d: {  	_ =	swait.ge @!p0 [sflag:s0], s1  }
0x31e: {  	s1 =	ssub.s32 @!p0 $0x0, s1;
	[sflag:s0] =	ssyncset.done @!p0 $0x0  }
0x31f: {  	[sflag:s0] =	ssyncadd.s32 @!p0 s1  }
0x320: {  	[bflag:$0x3] =	sbarrier.arrive $0xFFFF  }
0x321: {  	_ =	shalt  }

</sc_bundles>
